<compile_context>
chip_gen: v7x
topology: tpu7x:2x2x1
jax: 0.10.2.dev20260603
libtpu: 0.0.44.dev20260713+nightly
codegen_flags: <defaults>
</compile_context>

<pallas_src>
import functools

import jax
import jax.numpy as jnp
from jax import lax
from jax.experimental import pallas as pl
from jax.experimental.pallas import tpu as pltpu
from jax.experimental.pallas import tpu_sc as plsc

N_CORES = 2
N_SUB = 16
NW = N_CORES * N_SUB

N = 10000
E = 320000
D = 128
DE = 16

W = 80
SUP = 2000
HSUP = SUP // 2
QSUP = SUP // 4
CPS = SUP // W
NSUP = (E // NW) // SUP
N_PAD = 10240
N_PER_SUB = N_PAD // N_SUB
T_PER_SUB = N // N_SUB
ZB = 64


def _pre_body(x_ref, at_ref, we_ref, be_ref, xs_ref, xd_ref, apt_ref):
    xb = x_ref[...]
    we = we_ref[...]
    xs_ref[...] = jnp.dot(xb, we[0:D, :], preferred_element_type=jnp.float32)
    xd_ref[...] = jnp.dot(xb, we[D:2 * D, :], preferred_element_type=jnp.float32)
    apt_ref[...] = lax.dot_general(
        we[2 * D:, :], at_ref[...],
        dimension_numbers=(((0,), (0,)), ((), ())),
        preferred_element_type=jnp.float32,
    ) + be_ref[...]


def _pre(x2d, attr_t, W_e, b_e_col):
    nblk = 2000
    ablk = E // (N // nblk)
    return pl.pallas_call(
        _pre_body,
        grid=(N // nblk,),
        in_specs=[
            pl.BlockSpec((nblk, D), lambda i: (i, 0)),
            pl.BlockSpec((DE, ablk), lambda i: (0, i)),
            pl.BlockSpec((2 * D + DE, DE), lambda i: (0, 0)),
            pl.BlockSpec((DE, 1), lambda i: (0, 0)),
        ],
        out_specs=[
            pl.BlockSpec((nblk, DE), lambda i: (i, 0)),
            pl.BlockSpec((nblk, DE), lambda i: (i, 0)),
            pl.BlockSpec((DE, ablk), lambda i: (0, i)),
        ],
        out_shape=[
            jax.ShapeDtypeStruct((N, DE), jnp.float32),
            jax.ShapeDtypeStruct((N, DE), jnp.float32),
            jax.ShapeDtypeStruct((DE, E), jnp.float32),
        ],
    )(x2d, attr_t, W_e, b_e_col)


def _sc_edge_kernel(xs2d, xd2d, idx2, attr_pt):
    mesh = plsc.VectorSubcoreMesh(core_axis_name="c", subcore_axis_name="s")

    @functools.partial(
        pl.kernel,
        out_type=(
            jax.ShapeDtypeStruct((DE, E), jnp.float32),
            jax.ShapeDtypeStruct((N_CORES, N_PAD, DE), jnp.float32),
        ),
        mesh=mesh,
        scratch_types=[
            pltpu.VMEM((CPS, W), jnp.int32),
            pltpu.VMEM((CPS, W), jnp.int32),
            pltpu.VMEM((SUP, DE), jnp.float32),
            pltpu.VMEM((SUP, DE), jnp.float32),
            pltpu.VMEM((DE, HSUP), jnp.float32),
            pltpu.VMEM((DE, HSUP), jnp.float32),
            pltpu.VMEM((ZB, DE), jnp.float32),
            pltpu.VMEM_SHARED((N_PAD, DE), jnp.float32),
            pltpu.SemaphoreType.DMA,
            pltpu.SemaphoreType.DMA,
            pltpu.SemaphoreType.DMA,
            pltpu.SemaphoreType.DMA,
        ],
        compiler_params=pltpu.CompilerParams(
            use_tc_tiling_on_sc=False, needs_layout_passes=False),
    )
    def k(xs_hbm, xd_hbm, idx_hbm, attr_hbm, ea_hbm, agg_hbm,
          row_v, col_v, src_v, dst_v, attr_v, eat_v, zbuf, agg_sp,
          isem, gsem0, gsem1, osem):
        gsem = (gsem0, gsem1)
        c = lax.axis_index("c")
        s = lax.axis_index("s")
        wid = s * N_CORES + c
        lane = lax.iota(jnp.int32, DE)

        @pl.loop(0, ZB)
        def _(i):
            zbuf[i, :] = jnp.zeros((DE,), jnp.float32)

        @pl.loop(0, N_PER_SUB // ZB)
        def _(j):
            pltpu.sync_copy(
                zbuf, agg_sp.at[pl.ds(s * N_PER_SUB + j * ZB, ZB)])

        plsc.subcore_barrier()

        @pl.loop(0, NSUP)
        def _(ss):
            eoff = wid * (NSUP * SUP) + ss * SUP
            erow = eoff // W

            i1 = pltpu.async_copy(
                idx_hbm.at[0].at[pl.ds(erow, CPS)], row_v, isem)
            i2 = pltpu.async_copy(
                idx_hbm.at[1].at[pl.ds(erow, CPS)], col_v, isem)
            i3 = pltpu.async_copy(
                attr_hbm.at[pl.ds(0, DE), pl.ds(eoff, HSUP)], attr_v, isem)
            i1.wait(); i2.wait(); i3.wait()

            def g_issue(g):
                p = g % 2
                for tt in range(5):
                    t = g * 5 + tt
                    dsl = pl.ds(t * W, W)
                    pltpu.async_copy(
                        xs_hbm.at[row_v.at[t]], src_v.at[dsl], gsem[p])
                    pltpu.async_copy(
                        xd_hbm.at[col_v.at[t]], dst_v.at[dsl], gsem[p])

            def g_drain(g):
                p = g % 2
                for tt in range(5):
                    t = g * 5 + tt
                    dsl = pl.ds(t * W, W)
                    pltpu.make_async_copy(
                        xs_hbm.at[row_v.at[t]], src_v.at[dsl],
                        gsem[p]).wait()
                    pltpu.make_async_copy(
                        xd_hbm.at[col_v.at[t]], dst_v.at[dsl],
                        gsem[p]).wait()

            g_issue(0)
            for g in range(5):
                if g + 1 < 5:
                    g_issue(g + 1)
                g_drain(g)

            for h in range(2):
                if h == 1:
                    pltpu.sync_copy(
                        attr_hbm.at[pl.ds(0, DE), pl.ds(eoff + HSUP, HSUP)],
                        attr_v)

                @pl.loop(0, HSUP, step=4)
                def _(i):
                    for u in range(4):
                        iu = i + u
                        i2_ = h * HSUP + iu
                        icol = jnp.full((DE,), iu, jnp.int32)
                        av = plsc.load_gather(attr_v, [lane, icol])
                        ea = jnp.maximum(
                            src_v[i2_, :] + dst_v[i2_, :] + av, 0.0)
                        src_v[i2_, :] = ea
                        plsc.store_scatter(eat_v, [lane, icol], ea)

                pltpu.sync_copy(
                    eat_v,
                    ea_hbm.at[pl.ds(0, DE), pl.ds(eoff + h * HSUP, HSUP)])

            @pl.loop(0, CPS)
            def _(t):
                dsl = pl.ds(t * W, W)
                pltpu.sync_copy(
                    src_v.at[dsl], agg_sp.at[col_v.at[t]], add=True)

        plsc.subcore_barrier()
        @pl.loop(0, N_PER_SUB // ZB)
        def _(j):
            nsl = pl.ds(s * N_PER_SUB + j * ZB, ZB)
            pltpu.sync_copy(agg_sp.at[nsl], zbuf)
            pltpu.sync_copy(zbuf, agg_hbm.at[c].at[nsl])

    return k(xs2d, xd2d, idx2, attr_pt)


def _node_body(x_ref, agg_ref, wn_ref, bn_ref, out_ref):
    wn = wn_ref[...]
    agg = agg_ref[0] + agg_ref[1]
    out_ref[...] = (
        jnp.dot(x_ref[...], wn[0:D, :], preferred_element_type=jnp.float32)
        + jnp.dot(agg, wn[D:D + DE, :], preferred_element_type=jnp.float32)
        + bn_ref[...]
    )


def _node_update(x2d, agg, W_n, b_n2d):
    blk = 2000
    return pl.pallas_call(
        _node_body,
        grid=(N // blk,),
        in_specs=[
            pl.BlockSpec((blk, D), lambda i: (i, 0)),
            pl.BlockSpec((N_CORES, blk, DE), lambda i: (0, i, 0)),
            pl.BlockSpec((D + DE, D), lambda i: (0, 0)),
            pl.BlockSpec((1, D), lambda i: (0, 0)),
        ],
        out_specs=pl.BlockSpec((blk, D), lambda i: (i, 0)),
        out_shape=jax.ShapeDtypeStruct((N, D), jnp.float32),
    )(x2d, agg, W_n, b_n2d)


def kernel(x, edge_index, edge_attr, W_e, b_e, W_n, b_n):
    x2d = x[0]
    idx2 = edge_index[0].reshape(2, E // W, W)
    attr_t = edge_attr[0].T

    xs2d, xd2d, attr_pt = _pre(x2d, attr_t, W_e, b_e.reshape(DE, 1))
    eat, agg = _sc_edge_kernel(xs2d, xd2d, idx2, attr_pt)
    x_new = _node_update(x2d, agg, W_n, b_n.reshape(1, D))
    return (x_new[None], eat.T[None])

# --- scband reference (transcript-rebuilt; emitter-appended) ---
"""Pipeline reference for scband-custom-meta-layer-49606872269482 (READ-ONLY COPY).

The authoritative reference and input builder live on the scoring server;
editing this copy changes nothing except your own understanding.
"""

import jax, jax.numpy as jnp
import numpy as np

B, N, E, D, DE = 1, 10000, 320000, 128, 16

def setup_inputs(seed: int = 0) -> dict:
    key = jax.random.key(seed)
    ks = jax.random.split(key, 8)
    x = jax.random.normal(ks[0], (B, N, D), dtype=jnp.float32)
    edge_index = jax.random.randint(ks[1], (B, 2, E), 0, N)
    edge_attr = jax.random.normal(ks[2], (B, E, DE), dtype=jnp.float32)
    # edge_model params: Linear(2*D + DE -> DE) + ReLU
    W_e = jax.random.normal(ks[3], (2 * D + DE, DE), dtype=jnp.float32) / np.sqrt(2 * D + DE)
    b_e = jnp.zeros((DE,), dtype=jnp.float32)
    # node_model params: Linear(D + DE -> D)
    W_n = jax.random.normal(ks[4], (D + DE, D), dtype=jnp.float32) / np.sqrt(D + DE)
    b_n = jnp.zeros((D,), dtype=jnp.float32)
    return {"x": x, "edge_index": edge_index, "edge_attr": edge_attr,
            "W_e": W_e, "b_e": b_e, "W_n": W_n, "b_n": b_n}

def reference(x, edge_index, edge_attr, W_e, b_e, W_n, b_n):
    # forward of CustomMetaLayer:
    # row, col = split(edge_index, dim=1); src = index(x, row); dst = index(x, col)
    row = edge_index[:, 0, :]  # [B, E]
    col = edge_index[:, 1, :]  # [B, E]
    gather = lambda xb, ib: jnp.take(xb, ib, axis=0)  # batched gather == torch.gather trick in index()
    src = jax.vmap(gather)(x, row)  # [B, E, D]
    dst = jax.vmap(gather)(x, col)  # [B, E, D]
    # edge_model(src, dst, edge_attr): MLP on concat
    e_in = jnp.concatenate([src, dst, edge_attr], axis=-1)  # [B, E, 2D+DE]
    ea = jax.nn.relu(e_in @ W_e + b_e)  # [B, E, DE]
    # node_model(x, edge_index, edge_attr): scatter-add messages to destination nodes, then linear
    agg = jax.vmap(lambda eb, cb: jax.ops.segment_sum(eb, cb, num_segments=N))(ea, col)  # [B, N, DE]
    x_new = jnp.concatenate([x, agg], axis=-1) @ W_n + b_n  # [B, N, D]
    return (x_new, ea)

if __name__ == "__main__":
    import jax
    _d = setup_inputs()
    print(jax.jit(kernel)(*tuple(_d.values())))

</pallas_src>

<mosaic_0001>
#map = affine_map<(d0, d1) -> (0, 0)>
#map1 = affine_map<(d0, d1) -> (0, 0, 0)>
module attributes {stable_mosaic.version = 14 : i64} {
  func.func @k(%arg0: i32, %arg1: i32, %arg2: memref<10000x16xf32, #tpu.memory_space<hbm>>, %arg3: memref<10000x16xf32, #tpu.memory_space<hbm>>, %arg4: memref<2x4000x80xi32, #tpu.memory_space<hbm>>, %arg5: memref<16x320000xf32, #tpu.memory_space<hbm>>, %arg6: memref<16x320000xf32, #tpu.memory_space<hbm>>, %arg7: memref<2x10240x16xf32, #tpu.memory_space<hbm>>, %arg8: memref<25x80xi32, #tpu.memory_space<vmem>>, %arg9: memref<25x80xi32, #tpu.memory_space<vmem>>, %arg10: memref<2000x16xf32, #tpu.memory_space<vmem>>, %arg11: memref<2000x16xf32, #tpu.memory_space<vmem>>, %arg12: memref<16x1000xf32, #tpu.memory_space<vmem>>, %arg13: memref<16x1000xf32, #tpu.memory_space<vmem>>, %arg14: memref<64x16xf32, #tpu.memory_space<vmem>>, %arg15: memref<10240x16xf32, #tpu.memory_space<vmem_shared>>, %arg16: memref<!tpu.dma_semaphore, #tpu.memory_space<semaphore_mem>>, %arg17: memref<!tpu.dma_semaphore, #tpu.memory_space<semaphore_mem>>, %arg18: memref<!tpu.dma_semaphore, #tpu.memory_space<semaphore_mem>>, %arg19: memref<!tpu.dma_semaphore, #tpu.memory_space<semaphore_mem>>) attributes {dimension_semantics = [#tpu.dimension_semantics<core_parallel>, #tpu.dimension_semantics<subcore_parallel>], iteration_bounds = array<i64: 2, 16>, scalar_prefetch = 0 : i64, scratch_operands = 12 : i64, tpu.core_type = #tpu.core_type<sc_vector_subcore>, window_params = [{transform_indices = #map}, {transform_indices = #map}, {transform_indices = #map1}, {transform_indices = #map}, {transform_indices = #map}, {transform_indices = #map1}]} {
    %mul3A = arith.constant 2 : i32
    %mul3A_0 = arith.muli %arg1, %mul3A : i32
    %add3A = arith.addi %mul3A_0, %arg0 : i32
    %iota3A = tpu.iota {dimensions = array<i32: 0>} : vector<16xi32>
    %scan3A = arith.constant 0 : i32
    %scan3A_1 = arith.constant 64 : i32
    %scan3A_2 = arith.addi %scan3A, %scan3A_1 : i32
    %scan3A_3 = arith.constant 1 : i32
    scf.for %scan3A_21 = %scan3A to %scan3A_2 step %scan3A_3  : i32 {
      %mul3A_22 = arith.constant 1 : i32
      %mul3A_23 = arith.muli %scan3A_21, %mul3A_22 : i32
      %add3A_24 = arith.constant 0 : i32
      %add3A_25 = arith.addi %add3A_24, %mul3A_23 : i32
      %broadcast_in_dim3A = arith.constant 0.000000e+00 : f32
      %broadcast_in_dim3A_26 = vector.broadcast %broadcast_in_dim3A : f32 to vector<16xf32>
      %swap3A = arith.index_cast %add3A_25 : i32 to index
      %swap3A_27 = arith.constant 0 : index
      %swap3A_28 = tpu.vector_load %arg14[%swap3A, %swap3A_27] {strides = array<i32>} : memref<64x16xf32, #tpu.memory_space<vmem>>, vector<16xf32>,
      tpu.vector_store %arg14[%swap3A, %swap3A_27], %broadcast_in_dim3A_26 {strides = array<i32>} : memref<64x16xf32, #tpu.memory_space<vmem>>, vector<16xf32>,
    }
    %scan3A_4 = arith.constant 64 : i32
    %scan3A_5 = arith.constant 0 : i32
    %scan3A_6 = arith.constant 10 : i32
    %scan3A_7 = arith.addi %scan3A_5, %scan3A_6 : i32
    %scan3A_8 = arith.constant 1 : i32
    scf.for %scan3A_21 = %scan3A_5 to %scan3A_7 step %scan3A_8  : i32 {
      %mul3A_22 = arith.constant 1 : i32
      %mul3A_23 = arith.muli %scan3A_21, %mul3A_22 : i32
      %add3A_24 = arith.constant 0 : i32
      %add3A_25 = arith.addi %add3A_24, %mul3A_23 : i32
      %mul3A_26 = arith.constant 640 : i32
      %mul3A_27 = arith.muli %arg1, %mul3A_26 : i32
      %mul3A_28 = arith.constant 64 : i32
      %mul3A_29 = arith.muli %add3A_25, %mul3A_28 : i32
      %add3A_30 = arith.addi %mul3A_27, %mul3A_29 : i32
      "tpu.region"() ({
        %run_scoped3A = tpu.sem_alloc : memref<!tpu.dma_semaphore, #tpu.memory_space<semaphore_mem>>
        %dma_start3A = arith.constant 0 : i32
        %dma_start3A_31 = tpu.memref_slice %arg15[%add3A_30, %dma_start3A] : memref<10240x16xf32, #tpu.memory_space<vmem_shared>> -> memref<64x16xf32, #tpu.memory_space<vmem_shared>>
        %dma_start3A_32 = arith.constant 0 : i32
        %dma_start3A_33 = tpu.memref_slice %arg15[%add3A_30, %dma_start3A_32] : memref<10240x16xf32, #tpu.memory_space<vmem_shared>> -> memref<64x16xf32, #tpu.memory_space<vmem_shared>>
        tpu.enqueue_dma source(%arg14 : memref<64x16xf32, #tpu.memory_space<vmem>>) target(%dma_start3A_33 : memref<64x16xf32, #tpu.memory_space<vmem_shared>>) target_semaphore(%run_scoped3A : memref<!tpu.dma_semaphore, #tpu.memory_space<semaphore_mem>>)
        %dma_wait3A = arith.constant 0 : i32
        %dma_wait3A_34 = tpu.memref_slice %arg15[%add3A_30, %dma_wait3A] : memref<10240x16xf32, #tpu.memory_space<vmem_shared>> -> memref<64x16xf32, #tpu.memory_space<vmem_shared>>
        %dma_wait3A_35 = arith.constant 0 : i32
        %dma_wait3A_36 = tpu.memref_slice %arg15[%add3A_30, %dma_wait3A_35] : memref<10240x16xf32, #tpu.memory_space<vmem_shared>> -> memref<64x16xf32, #tpu.memory_space<vmem_shared>>
        tpu.wait_dma2 semaphore(%run_scoped3A : memref<!tpu.dma_semaphore, #tpu.memory_space<semaphore_mem>>) src(%arg14 : memref<64x16xf32, #tpu.memory_space<vmem>>) dst(%dma_wait3A_36 : memref<64x16xf32, #tpu.memory_space<vmem_shared>>)
        tpu.yield
      }) : () -> ()
    }
    %scan3A_9 = arith.constant 10 : i32
    %barrier3A = arith.constant 0 : index
    tpu.barrier barrier_id(%barrier3A)
    %scan3A_10 = arith.constant 0 : i32
    %scan3A_11 = arith.constant 5 : i32
    %scan3A_12 = arith.addi %scan3A_10, %scan3A_11 : i32
    %scan3A_13 = arith.constant 1 : i32
    scf.for %scan3A_21 = %scan3A_10 to %scan3A_12 step %scan3A_13  : i32 {
      %mul3A_22 = arith.constant 1 : i32
      %mul3A_23 = arith.muli %scan3A_21, %mul3A_22 : i32
      %add3A_24 = arith.constant 0 : i32
      %add3A_25 = arith.addi %add3A_24, %mul3A_23 : i32
      %mul3A_26 = arith.constant 10000 : i32
      %mul3A_27 = arith.muli %add3A, %mul3A_26 : i32
      %mul3A_28 = arith.constant 2000 : i32
      %mul3A_29 = arith.muli %add3A_25, %mul3A_28 : i32
      %add3A_30 = arith.addi %mul3A_27, %mul3A_29 : i32
      %jit3A = arith.constant 80 : i32
      %div3A = arith.divsi %add3A_30, %jit3A : i32
      %sign3A = arith.constant 0 : i32
      %sign3A_31 = arith.cmpi sgt, %add3A_30, %sign3A : i32
      %sign3A_32 = arith.extui %sign3A_31 : i1 to i32
      %sign3A_33 = arith.constant 0 : i32
      %sign3A_34 = arith.cmpi slt, %add3A_30, %sign3A_33 : i32
      %sign3A_35 = arith.extui %sign3A_34 : i1 to i32
      %sign3A_36 = arith.subi %sign3A_32, %sign3A_35 : i32
      %sign3A_37 = arith.constant 0 : i32
      %sign3A_38 = arith.cmpi sgt, %jit3A, %sign3A_37 : i32
      %sign3A_39 = arith.extui %sign3A_38 : i1 to i32
      %sign3A_40 = arith.constant 0 : i32
      %sign3A_41 = arith.cmpi slt, %jit3A, %sign3A_40 : i32
      %sign3A_42 = arith.extui %sign3A_41 : i1 to i32
      %sign3A_43 = arith.subi %sign3A_39, %sign3A_42 : i32
      %ne3A = arith.cmpi ne, %sign3A_36, %sign3A_43 : i32
      %rem3A = arith.remsi %add3A_30, %jit3A : i32
      %ne3A_44 = arith.constant 0 : i32
      %ne3A_45 = arith.cmpi ne, %rem3A, %ne3A_44 : i32
      %and3A = arith.andi %ne3A, %ne3A_45 : i1
      %sub3A = arith.constant 1 : i32
      %sub3A_46 = arith.subi %div3A, %sub3A : i32
      %select_n3A = arith.select %and3A, %sub3A_46, %div3A : i32
      %dma_start3A = arith.constant 0 : i32
      %dma_start3A_47 = arith.constant 0 : i32
      %dma_start3A_48 = arith.constant 0 : i32
      %dma_start3A_49 = tpu.memref_slice %arg4[%dma_start3A, %dma_start3A_47, %dma_start3A_48] : memref<2x4000x80xi32, #tpu.memory_space<hbm>> -> memref<1x4000x80xi32, #tpu.memory_space<hbm>>
      %dma_start3A_50 = tpu.memref_squeeze %dma_start3A_49 : memref<1x4000x80xi32, #tpu.memory_space<hbm>> -> memref<4000x80xi32, #tpu.memory_space<hbm>>
      %dma_start3A_51 = arith.constant 0 : i32
      %dma_start3A_52 = tpu.memref_slice %dma_start3A_50[%select_n3A, %dma_start3A_51] : memref<4000x80xi32, #tpu.memory_space<hbm>> -> memref<25x80xi32, #tpu.memory_space<hbm>>
      %dma_start3A_53 = arith.constant 0 : i32
      %dma_start3A_54 = arith.constant 0 : i32
      %dma_start3A_55 = tpu.memref_slice %arg4[%dma_start3A, %dma_start3A_53, %dma_start3A_54] : memref<2x4000x80xi32, #tpu.memory_space<hbm>> -> memref<1x4000x80xi32, #tpu.memory_space<hbm>>
      %dma_start3A_56 = tpu.memref_squeeze %dma_start3A_55 : memref<1x4000x80xi32, #tpu.memory_space<hbm>> -> memref<4000x80xi32, #tpu.memory_space<hbm>>
      %dma_start3A_57 = arith.constant 0 : i32
      %dma_start3A_58 = tpu.memref_slice %dma_start3A_56[%select_n3A, %dma_start3A_57] : memref<4000x80xi32, #tpu.memory_space<hbm>> -> memref<25x80xi32, #tpu.memory_space<hbm>>
      tpu.enqueue_dma source(%dma_start3A_58 : memref<25x80xi32, #tpu.memory_space<hbm>>) target(%arg8 : memref<25x80xi32, #tpu.memory_space<vmem>>) target_semaphore(%arg16 : memref<!tpu.dma_semaphore, #tpu.memory_space<semaphore_mem>>)
      %dma_start3A_59 = arith.constant 1 : i32
      %dma_start3A_60 = arith.constant 0 : i32
      %dma_start3A_61 = arith.constant 0 : i32
      %dma_start3A_62 = tpu.memref_slice %arg4[%dma_start3A_59, %dma_start3A_60, %dma_start3A_61] : memref<2x4000x80xi32, #tpu.memory_space<hbm>> -> memref<1x4000x80xi32, #tpu.memory_space<hbm>>
      %dma_start3A_63 = tpu.memref_squeeze %dma_start3A_62 : memref<1x4000x80xi32, #tpu.memory_space<hbm>> -> memref<4000x80xi32, #tpu.memory_space<hbm>>
      %dma_start3A_64 = arith.constant 0 : i32
      %dma_start3A_65 = tpu.memref_slice %dma_start3A_63[%select_n3A, %dma_start3A_64] : memref<4000x80xi32, #tpu.memory_space<hbm>> -> memref<25x80xi32, #tpu.memory_space<hbm>>
      %dma_start3A_66 = arith.constant 0 : i32
      %dma_start3A_67 = arith.constant 0 : i32
      %dma_start3A_68 = tpu.memref_slice %arg4[%dma_start3A_59, %dma_start3A_66, %dma_start3A_67] : memref<2x4000x80xi32, #tpu.memory_space<hbm>> -> memref<1x4000x80xi32, #tpu.memory_space<hbm>>
      %dma_start3A_69 = tpu.memref_squeeze %dma_start3A_68 : memref<1x4000x80xi32, #tpu.memory_space<hbm>> -> memref<4000x80xi32, #tpu.memory_space<hbm>>
      %dma_start3A_70 = arith.constant 0 : i32
      %dma_start3A_71 = tpu.memref_slice %dma_start3A_69[%select_n3A, %dma_start3A_70] : memref<4000x80xi32, #tpu.memory_space<hbm>> -> memref<25x80xi32, #tpu.memory_space<hbm>>
      tpu.enqueue_dma source(%dma_start3A_71 : memref<25x80xi32, #tpu.memory_space<hbm>>) target(%arg9 : memref<25x80xi32, #tpu.memory_space<vmem>>) target_semaphore(%arg16 : memref<!tpu.dma_semaphore, #tpu.memory_space<semaphore_mem>>)
      %dma_start3A_72 = arith.constant 0 : i32
      %dma_start3A_73 = tpu.memref_slice %arg5[%dma_start3A_72, %add3A_30] : memref<16x320000xf32, #tpu.memory_space<hbm>> -> memref<16x1000xf32, #tpu.memory_space<hbm>>
      %dma_start3A_74 = arith.constant 0 : i32
      %dma_start3A_75 = tpu.memref_slice %arg5[%dma_start3A_74, %add3A_30] : memref<16x320000xf32, #tpu.memory_space<hbm>> -> memref<16x1000xf32, #tpu.memory_space<hbm>>
      tpu.enqueue_dma source(%dma_start3A_75 : memref<16x1000xf32, #tpu.memory_space<hbm>>) target(%arg12 : memref<16x1000xf32, #tpu.memory_space<vmem>>) target_semaphore(%arg16 : memref<!tpu.dma_semaphore, #tpu.memory_space<semaphore_mem>>)
      %dma_wait3A = arith.constant 0 : i32
      %dma_wait3A_76 = arith.constant 0 : i32
      %dma_wait3A_77 = arith.constant 0 : i32
      %dma_wait3A_78 = tpu.memref_slice %arg4[%dma_wait3A, %dma_wait3A_76, %dma_wait3A_77] : memref<2x4000x80xi32, #tpu.memory_space<hbm>> -> memref<1x4000x80xi32, #tpu.memory_space<hbm>>
      %dma_wait3A_79 = tpu.memref_squeeze %dma_wait3A_78 : memref<1x4000x80xi32, #tpu.memory_space<hbm>> -> memref<4000x80xi32, #tpu.memory_space<hbm>>
      %dma_wait3A_80 = arith.constant 0 : i32
      %dma_wait3A_81 = tpu.memref_slice %dma_wait3A_79[%select_n3A, %dma_wait3A_80] : memref<4000x80xi32, #tpu.memory_space<hbm>> -> memref<25x80xi32, #tpu.memory_space<hbm>>
      %dma_wait3A_82 = arith.constant 0 : i32
      %dma_wait3A_83 = arith.constant 0 : i32
      %dma_wait3A_84 = tpu.memref_slice %arg4[%dma_wait3A, %dma_wait3A_82, %dma_wait3A_83] : memref<2x4000x80xi32, #tpu.memory_space<hbm>> -> memref<1x4000x80xi32, #tpu.memory_space<hbm>>
      %dma_wait3A_85 = tpu.memref_squeeze %dma_wait3A_84 : memref<1x4000x80xi32, #tpu.memory_space<hbm>> -> memref<4000x80xi32, #tpu.memory_space<hbm>>
      %dma_wait3A_86 = arith.constant 0 : i32
      %dma_wait3A_87 = tpu.memref_slice %dma_wait3A_85[%select_n3A, %dma_wait3A_86] : memref<4000x80xi32, #tpu.memory_space<hbm>> -> memref<25x80xi32, #tpu.memory_space<hbm>>
      tpu.wait_dma2 semaphore(%arg16 : memref<!tpu.dma_semaphore, #tpu.memory_space<semaphore_mem>>) src(%dma_wait3A_87 : memref<25x80xi32, #tpu.memory_space<hbm>>) dst(%arg8 : memref<25x80xi32, #tpu.memory_space<vmem>>)
      %dma_wait3A_88 = arith.constant 1 : i32
      %dma_wait3A_89 = arith.constant 0 : i32
      %dma_wait3A_90 = arith.constant 0 : i32
      %dma_wait3A_91 = tpu.memref_slice %arg4[%dma_wait3A_88, %dma_wait3A_89, %dma_wait3A_90] : memref<2x4000x80xi32, #tpu.memory_space<hbm>> -> memref<1x4000x80xi32, #tpu.memory_space<hbm>>
      %dma_wait3A_92 = tpu.memref_squeeze %dma_wait3A_91 : memref<1x4000x80xi32, #tpu.memory_space<hbm>> -> memref<4000x80xi32, #tpu.memory_space<hbm>>
      %dma_wait3A_93 = arith.constant 0 : i32
      %dma_wait3A_94 = tpu.memref_slice %dma_wait3A_92[%select_n3A, %dma_wait3A_93] : memref<4000x80xi32, #tpu.memory_space<hbm>> -> memref<25x80xi32, #tpu.memory_space<hbm>>
      %dma_wait3A_95 = arith.constant 0 : i32
      %dma_wait3A_96 = arith.constant 0 : i32
      %dma_wait3A_97 = tpu.memref_slice %arg4[%dma_wait3A_88, %dma_wait3A_95, %dma_wait3A_96] : memref<2x4000x80xi32, #tpu.memory_space<hbm>> -> memref<1x4000x80xi32, #tpu.memory_space<hbm>>
      %dma_wait3A_98 = tpu.memref_squeeze %dma_wait3A_97 : memref<1x4000x80xi32, #tpu.memory_space<hbm>> -> memref<4000x80xi32, #tpu.memory_space<hbm>>
      %dma_wait3A_99 = arith.constant 0 : i32
      %dma_wait3A_100 = tpu.memref_slice %dma_wait3A_98[%select_n3A, %dma_wait3A_99] : memref<4000x80xi32, #tpu.memory_space<hbm>> -> memref<25x80xi32, #tpu.memory_space<hbm>>
      tpu.wait_dma2 semaphore(%arg16 : memref<!tpu.dma_semaphore, #tpu.memory_space<semaphore_mem>>) src(%dma_wait3A_100 : memref<25x80xi32, #tpu.memory_space<hbm>>) dst(%arg9 : memref<25x80xi32, #tpu.memory_space<vmem>>)
      %dma_wait3A_101 = arith.constant 0 : i32
      %dma_wait3A_102 = tpu.memref_slice %arg5[%dma_wait3A_101, %add3A_30] : memref<16x320000xf32, #tpu.memory_space<hbm>> -> memref<16x1000xf32, #tpu.memory_space<hbm>>
      %dma_wait3A_103 = arith.constant 0 : i32
      %dma_wait3A_104 = tpu.memref_slice %arg5[%dma_wait3A_103, %add3A_30] : memref<16x320000xf32, #tpu.memory_space<hbm>> -> memref<16x1000xf32, #tpu.memory_space<hbm>>
      tpu.wait_dma2 semaphore(%arg16 : memref<!tpu.dma_semaphore, #tpu.memory_space<semaphore_mem>>) src(%dma_wait3A_104 : memref<16x1000xf32, #tpu.memory_space<hbm>>) dst(%arg12 : memref<16x1000xf32, #tpu.memory_space<vmem>>)
      %dma_start3A_105 = arith.constant 0 : i32
      %dma_start3A_106 = arith.constant 0 : i32
      %dma_start3A_107 = arith.constant 0 : i32
      %dma_start3A_108 = tpu.memref_slice %arg10[%dma_start3A_106, %dma_start3A_107] : memref<2000x16xf32, #tpu.memory_space<vmem>> -> memref<80x16xf32, #tpu.memory_space<vmem>>
      %dma_start3A_109 = arith.constant 0 : i32
      %dma_start3A_110 = tpu.memref_slice %arg8[%dma_start3A_105, %dma_start3A_109] : memref<25x80xi32, #tpu.memory_space<vmem>> -> memref<1x80xi32, #tpu.memory_space<vmem>>
      %dma_start3A_111 = tpu.memref_squeeze %dma_start3A_110 : memref<1x80xi32, #tpu.memory_space<vmem>> -> memref<80xi32, #tpu.memory_space<vmem>>
      %dma_start3A_112 = arith.constant 0 : i32
      %dma_start3A_113 = arith.constant 0 : i32
      %dma_start3A_114 = tpu.memref_slice %arg2[%dma_start3A_112, %dma_start3A_113] : memref<10000x16xf32, #tpu.memory_space<hbm>> -> memref<10000x16xf32, #tpu.memory_space<hbm>>
      tpu.enqueue_indirect_dma source(%dma_start3A_114 : memref<10000x16xf32, #tpu.memory_space<hbm>>) target(%dma_start3A_108 : memref<80x16xf32, #tpu.memory_space<vmem>>) offsets(%dma_start3A_111 : memref<80xi32, #tpu.memory_space<vmem>>) semaphore(%arg17 : memref<!tpu.dma_semaphore, #tpu.memory_space<semaphore_mem>>)
      %dma_start3A_115 = arith.constant 0 : i32
      %dma_start3A_116 = arith.constant 0 : i32
      %dma_start3A_117 = arith.constant 0 : i32
      %dma_start3A_118 = tpu.memref_slice %arg11[%dma_start3A_116, %dma_start3A_117] : memref<2000x16xf32, #tpu.memory_space<vmem>> -> memref<80x16xf32, #tpu.memory_space<vmem>>
      %dma_start3A_119 = arith.constant 0 : i32
      %dma_start3A_120 = tpu.memref_slice %arg9[%dma_start3A_115, %dma_start3A_119] : memref<25x80xi32, #tpu.memory_space<vmem>> -> memref<1x80xi32, #tpu.memory_space<vmem>>
      %dma_start3A_121 = tpu.memref_squeeze %dma_start3A_120 : memref<1x80xi32, #tpu.memory_space<vmem>> -> memref<80xi32, #tpu.memory_space<vmem>>
      %dma_start3A_122 = arith.constant 0 : i32
      %dma_start3A_123 = arith.constant 0 : i32
      %dma_start3A_124 = tpu.memref_slice %arg3[%dma_start3A_122, %dma_start3A_123] : memref<10000x16xf32, #tpu.memory_space<hbm>> -> memref<10000x16xf32, #tpu.memory_space<hbm>>
      tpu.enqueue_indirect_dma source(%dma_start3A_124 : memref<10000x16xf32, #tpu.memory_space<hbm>>) target(%dma_start3A_118 : memref<80x16xf32, #tpu.memory_space<vmem>>) offsets(%dma_start3A_121 : memref<80xi32, #tpu.memory_space<vmem>>) semaphore(%arg17 : memref<!tpu.dma_semaphore, #tpu.memory_space<semaphore_mem>>)
      %dma_start3A_125 = arith.constant 1 : i32
      %dma_start3A_126 = arith.constant 80 : i32
      %dma_start3A_127 = arith.constant 0 : i32
      %dma_start3A_128 = tpu.memref_slice %arg10[%dma_start3A_126, %dma_start3A_127] : memref<2000x16xf32, #tpu.memory_space<vmem>> -> memref<80x16xf32, #tpu.memory_space<vmem>>
      %dma_start3A_129 = arith.constant 0 : i32
      %dma_start3A_130 = tpu.memref_slice %arg8[%dma_start3A_125, %dma_start3A_129] : memref<25x80xi32, #tpu.memory_space<vmem>> -> memref<1x80xi32, #tpu.memory_space<vmem>>
      %dma_start3A_131 = tpu.memref_squeeze %dma_start3A_130 : memref<1x80xi32, #tpu.memory_space<vmem>> -> memref<80xi32, #tpu.memory_space<vmem>>
      %dma_start3A_132 = arith.constant 0 : i32
      %dma_start3A_133 = arith.constant 0 : i32
      %dma_start3A_134 = tpu.memref_slice %arg2[%dma_start3A_132, %dma_start3A_133] : memref<10000x16xf32, #tpu.memory_space<hbm>> -> memref<10000x16xf32, #tpu.memory_space<hbm>>
      tpu.enqueue_indirect_dma source(%dma_start3A_134 : memref<10000x16xf32, #tpu.memory_space<hbm>>) target(%dma_start3A_128 : memref<80x16xf32, #tpu.memory_space<vmem>>) offsets(%dma_start3A_131 : memref<80xi32, #tpu.memory_space<vmem>>) semaphore(%arg17 : memref<!tpu.dma_semaphore, #tpu.memory_space<semaphore_mem>>)
      %dma_start3A_135 = arith.constant 1 : i32
      %dma_start3A_136 = arith.constant 80 : i32
      %dma_start3A_137 = arith.constant 0 : i32
      %dma_start3A_138 = tpu.memref_slice %arg11[%dma_start3A_136, %dma_start3A_137] : memref<2000x16xf32, #tpu.memory_space<vmem>> -> memref<80x16xf32, #tpu.memory_space<vmem>>
      %dma_start3A_139 = arith.constant 0 : i32
      %dma_start3A_140 = tpu.memref_slice %arg9[%dma_start3A_135, %dma_start3A_139] : memref<25x80xi32, #tpu.memory_space<vmem>> -> memref<1x80xi32, #tpu.memory_space<vmem>>
      %dma_start3A_141 = tpu.memref_squeeze %dma_start3A_140 : memref<1x80xi32, #tpu.memory_space<vmem>> -> memref<80xi32, #tpu.memory_space<vmem>>
      %dma_start3A_142 = arith.constant 0 : i32
      %dma_start3A_143 = arith.constant 0 : i32
      %dma_start3A_144 = tpu.memref_slice %arg3[%dma_start3A_142, %dma_start3A_143] : memref<10000x16xf32, #tpu.memory_space<hbm>> -> memref<10000x16xf32, #tpu.memory_space<hbm>>
      tpu.enqueue_indirect_dma source(%dma_start3A_144 : memref<10000x16xf32, #tpu.memory_space<hbm>>) target(%dma_start3A_138 : memref<80x16xf32, #tpu.memory_space<vmem>>) offsets(%dma_start3A_141 : memref<80xi32, #tpu.memory_space<vmem>>) semaphore(%arg17 : memref<!tpu.dma_semaphore, #tpu.memory_space<semaphore_mem>>)
      %dma_start3A_145 = arith.constant 2 : i32
      %dma_start3A_146 = arith.constant 160 : i32
      %dma_start3A_147 = arith.constant 0 : i32
      %dma_start3A_148 = tpu.memref_slice %arg10[%dma_start3A_146, %dma_start3A_147] : memref<2000x16xf32, #tpu.memory_space<vmem>> -> memref<80x16xf32, #tpu.memory_space<vmem>>
      %dma_start3A_149 = arith.constant 0 : i32
      %dma_start3A_150 = tpu.memref_slice %arg8[%dma_start3A_145, %dma_start3A_149] : memref<25x80xi32, #tpu.memory_space<vmem>> -> memref<1x80xi32, #tpu.memory_space<vmem>>
      %dma_start3A_151 = tpu.memref_squeeze %dma_start3A_150 : memref<1x80xi32, #tpu.memory_space<vmem>> -> memref<80xi32, #tpu.memory_space<vmem>>
      %dma_start3A_152 = arith.constant 0 : i32
      %dma_start3A_153 = arith.constant 0 : i32
      %dma_start3A_154 = tpu.memref_slice %arg2[%dma_start3A_152, %dma_start3A_153] : memref<10000x16xf32, #tpu.memory_space<hbm>> -> memref<10000x16xf32, #tpu.memory_space<hbm>>
      tpu.enqueue_indirect_dma source(%dma_start3A_154 : memref<10000x16xf32, #tpu.memory_space<hbm>>) target(%dma_start3A_148 : memref<80x16xf32, #tpu.memory_space<vmem>>) offsets(%dma_start3A_151 : memref<80xi32, #tpu.memory_space<vmem>>) semaphore(%arg17 : memref<!tpu.dma_semaphore, #tpu.memory_space<semaphore_mem>>)
      %dma_start3A_155 = arith.constant 2 : i32
      %dma_start3A_156 = arith.constant 160 : i32
      %dma_start3A_157 = arith.constant 0 : i32
      %dma_start3A_158 = tpu.memref_slice %arg11[%dma_start3A_156, %dma_start3A_157] : memref<2000x16xf32, #tpu.memory_space<vmem>> -> memref<80x16xf32, #tpu.memory_space<vmem>>
      %dma_start3A_159 = arith.constant 0 : i32
      %dma_start3A_160 = tpu.memref_slice %arg9[%dma_start3A_155, %dma_start3A_159] : memref<25x80xi32, #tpu.memory_space<vmem>> -> memref<1x80xi32, #tpu.memory_space<vmem>>
      %dma_start3A_161 = tpu.memref_squeeze %dma_start3A_160 : memref<1x80xi32, #tpu.memory_space<vmem>> -> memref<80xi32, #tpu.memory_space<vmem>>
      %dma_start3A_162 = arith.constant 0 : i32
      %dma_start3A_163 = arith.constant 0 : i32
      %dma_start3A_164 = tpu.memref_slice %arg3[%dma_start3A_162, %dma_start3A_163] : memref<10000x16xf32, #tpu.memory_space<hbm>> -> memref<10000x16xf32, #tpu.memory_space<hbm>>
      tpu.enqueue_indirect_dma source(%dma_start3A_164 : memref<10000x16xf32, #tpu.memory_space<hbm>>) target(%dma_start3A_158 : memref<80x16xf32, #tpu.memory_space<vmem>>) offsets(%dma_start3A_161 : memref<80xi32, #tpu.memory_space<vmem>>) semaphore(%arg17 : memref<!tpu.dma_semaphore, #tpu.memory_space<semaphore_mem>>)
      %dma_start3A_165 = arith.constant 3 : i32
      %dma_start3A_166 = arith.constant 240 : i32
      %dma_start3A_167 = arith.constant 0 : i32
      %dma_start3A_168 = tpu.memref_slice %arg10[%dma_start3A_166, %dma_start3A_167] : memref<2000x16xf32, #tpu.memory_space<vmem>> -> memref<80x16xf32, #tpu.memory_space<vmem>>
      %dma_start3A_169 = arith.constant 0 : i32
      %dma_start3A_170 = tpu.memref_slice %arg8[%dma_start3A_165, %dma_start3A_169] : memref<25x80xi32, #tpu.memory_space<vmem>> -> memref<1x80xi32, #tpu.memory_space<vmem>>
      %dma_start3A_171 = tpu.memref_squeeze %dma_start3A_170 : memref<1x80xi32, #tpu.memory_space<vmem>> -> memref<80xi32, #tpu.memory_space<vmem>>
      %dma_start3A_172 = arith.constant 0 : i32
      %dma_start3A_173 = arith.constant 0 : i32
      %dma_start3A_174 = tpu.memref_slice %arg2[%dma_start3A_172, %dma_start3A_173] : memref<10000x16xf32, #tpu.memory_space<hbm>> -> memref<10000x16xf32, #tpu.memory_space<hbm>>
      tpu.enqueue_indirect_dma source(%dma_start3A_174 : memref<10000x16xf32, #tpu.memory_space<hbm>>) target(%dma_start3A_168 : memref<80x16xf32, #tpu.memory_space<vmem>>) offsets(%dma_start3A_171 : memref<80xi32, #tpu.memory_space<vmem>>) semaphore(%arg17 : memref<!tpu.dma_semaphore, #tpu.memory_space<semaphore_mem>>)
      %dma_start3A_175 = arith.constant 3 : i32
      %dma_start3A_176 = arith.constant 240 : i32
      %dma_start3A_177 = arith.constant 0 : i32
      %dma_start3A_178 = tpu.memref_slice %arg11[%dma_start3A_176, %dma_start3A_177] : memref<2000x16xf32, #tpu.memory_space<vmem>> -> memref<80x16xf32, #tpu.memory_space<vmem>>
      %dma_start3A_179 = arith.constant 0 : i32
      %dma_start3A_180 = tpu.memref_slice %arg9[%dma_start3A_175, %dma_start3A_179] : memref<25x80xi32, #tpu.memory_space<vmem>> -> memref<1x80xi32, #tpu.memory_space<vmem>>
      %dma_start3A_181 = tpu.memref_squeeze %dma_start3A_180 : memref<1x80xi32, #tpu.memory_space<vmem>> -> memref<80xi32, #tpu.memory_space<vmem>>
      %dma_start3A_182 = arith.constant 0 : i32
      %dma_start3A_183 = arith.constant 0 : i32
      %dma_start3A_184 = tpu.memref_slice %arg3[%dma_start3A_182, %dma_start3A_183] : memref<10000x16xf32, #tpu.memory_space<hbm>> -> memref<10000x16xf32, #tpu.memory_space<hbm>>
      tpu.enqueue_indirect_dma source(%dma_start3A_184 : memref<10000x16xf32, #tpu.memory_space<hbm>>) target(%dma_start3A_178 : memref<80x16xf32, #tpu.memory_space<vmem>>) offsets(%dma_start3A_181 : memref<80xi32, #tpu.memory_space<vmem>>) semaphore(%arg17 : memref<!tpu.dma_semaphore, #tpu.memory_space<semaphore_mem>>)
      %dma_start3A_185 = arith.constant 4 : i32
      %dma_start3A_186 = arith.constant 320 : i32
      %dma_start3A_187 = arith.constant 0 : i32
      %dma_start3A_188 = tpu.memref_slice %arg10[%dma_start3A_186, %dma_start3A_187] : memref<2000x16xf32, #tpu.memory_space<vmem>> -> memref<80x16xf32, #tpu.memory_space<vmem>>
      %dma_start3A_189 = arith.constant 0 : i32
      %dma_start3A_190 = tpu.memref_slice %arg8[%dma_start3A_185, %dma_start3A_189] : memref<25x80xi32, #tpu.memory_space<vmem>> -> memref<1x80xi32, #tpu.memory_space<vmem>>
      %dma_start3A_191 = tpu.memref_squeeze %dma_start3A_190 : memref<1x80xi32, #tpu.memory_space<vmem>> -> memref<80xi32, #tpu.memory_space<vmem>>
      %dma_start3A_192 = arith.constant 0 : i32
      %dma_start3A_193 = arith.constant 0 : i32
      %dma_start3A_194 = tpu.memref_slice %arg2[%dma_start3A_192, %dma_start3A_193] : memref<10000x16xf32, #tpu.memory_space<hbm>> -> memref<10000x16xf32, #tpu.memory_space<hbm>>
      tpu.enqueue_indirect_dma source(%dma_start3A_194 : memref<10000x16xf32, #tpu.memory_space<hbm>>) target(%dma_start3A_188 : memref<80x16xf32, #tpu.memory_space<vmem>>) offsets(%dma_start3A_191 : memref<80xi32, #tpu.memory_space<vmem>>) semaphore(%arg17 : memref<!tpu.dma_semaphore, #tpu.memory_space<semaphore_mem>>)
      %dma_start3A_195 = arith.constant 4 : i32
      %dma_start3A_196 = arith.constant 320 : i32
      %dma_start3A_197 = arith.constant 0 : i32
      %dma_start3A_198 = tpu.memref_slice %arg11[%dma_start3A_196, %dma_start3A_197] : memref<2000x16xf32, #tpu.memory_space<vmem>> -> memref<80x16xf32, #tpu.memory_space<vmem>>
      %dma_start3A_199 = arith.constant 0 : i32
      %dma_start3A_200 = tpu.memref_slice %arg9[%dma_start3A_195, %dma_start3A_199] : memref<25x80xi32, #tpu.memory_space<vmem>> -> memref<1x80xi32, #tpu.memory_space<vmem>>
      %dma_start3A_201 = tpu.memref_squeeze %dma_start3A_200 : memref<1x80xi32, #tpu.memory_space<vmem>> -> memref<80xi32, #tpu.memory_space<vmem>>
      %dma_start3A_202 = arith.constant 0 : i32
      %dma_start3A_203 = arith.constant 0 : i32
      %dma_start3A_204 = tpu.memref_slice %arg3[%dma_start3A_202, %dma_start3A_203] : memref<10000x16xf32, #tpu.memory_space<hbm>> -> memref<10000x16xf32, #tpu.memory_space<hbm>>
      tpu.enqueue_indirect_dma source(%dma_start3A_204 : memref<10000x16xf32, #tpu.memory_space<hbm>>) target(%dma_start3A_198 : memref<80x16xf32, #tpu.memory_space<vmem>>) offsets(%dma_start3A_201 : memref<80xi32, #tpu.memory_space<vmem>>) semaphore(%arg17 : memref<!tpu.dma_semaphore, #tpu.memory_space<semaphore_mem>>)
      %dma_start3A_205 = arith.constant 5 : i32
      %dma_start3A_206 = arith.constant 400 : i32
      %dma_start3A_207 = arith.constant 0 : i32
      %dma_start3A_208 = tpu.memref_slice %arg10[%dma_start3A_206, %dma_start3A_207] : memref<2000x16xf32, #tpu.memory_space<vmem>> -> memref<80x16xf32, #tpu.memory_space<vmem>>
      %dma_start3A_209 = arith.constant 0 : i32
      %dma_start3A_210 = tpu.memref_slice %arg8[%dma_start3A_205, %dma_start3A_209] : memref<25x80xi32, #tpu.memory_space<vmem>> -> memref<1x80xi32, #tpu.memory_space<vmem>>
      %dma_start3A_211 = tpu.memref_squeeze %dma_start3A_210 : memref<1x80xi32, #tpu.memory_space<vmem>> -> memref<80xi32, #tpu.memory_space<vmem>>
      %dma_start3A_212 = arith.constant 0 : i32
      %dma_start3A_213 = arith.constant 0 : i32
      %dma_start3A_214 = tpu.memref_slice %arg2[%dma_start3A_212, %dma_start3A_213] : memref<10000x16xf32, #tpu.memory_space<hbm>> -> memref<10000x16xf32, #tpu.memory_space<hbm>>
      tpu.enqueue_indirect_dma source(%dma_start3A_214 : memref<10000x16xf32, #tpu.memory_space<hbm>>) target(%dma_start3A_208 : memref<80x16xf32, #tpu.memory_space<vmem>>) offsets(%dma_start3A_211 : memref<80xi32, #tpu.memory_space<vmem>>) semaphore(%arg18 : memref<!tpu.dma_semaphore, #tpu.memory_space<semaphore_mem>>)
      %dma_start3A_215 = arith.constant 5 : i32
      %dma_start3A_216 = arith.constant 400 : i32
      %dma_start3A_217 = arith.constant 0 : i32
      %dma_start3A_218 = tpu.memref_slice %arg11[%dma_start3A_216, %dma_start3A_217] : memref<2000x16xf32, #tpu.memory_space<vmem>> -> memref<80x16xf32, #tpu.memory_space<vmem>>
      %dma_start3A_219 = arith.constant 0 : i32
      %dma_start3A_220 = tpu.memref_slice %arg9[%dma_start3A_215, %dma_start3A_219] : memref<25x80xi32, #tpu.memory_space<vmem>> -> memref<1x80xi32, #tpu.memory_space<vmem>>
      %dma_start3A_221 = tpu.memref_squeeze %dma_start3A_220 : memref<1x80xi32, #tpu.memory_space<vmem>> -> memref<80xi32, #tpu.memory_space<vmem>>
      %dma_start3A_222 = arith.constant 0 : i32
      %dma_start3A_223 = arith.constant 0 : i32
      %dma_start3A_224 = tpu.memref_slice %arg3[%dma_start3A_222, %dma_start3A_223] : memref<10000x16xf32, #tpu.memory_space<hbm>> -> memref<10000x16xf32, #tpu.memory_space<hbm>>
      tpu.enqueue_indirect_dma source(%dma_start3A_224 : memref<10000x16xf32, #tpu.memory_space<hbm>>) target(%dma_start3A_218 : memref<80x16xf32, #tpu.memory_space<vmem>>) offsets(%dma_start3A_221 : memref<80xi32, #tpu.memory_space<vmem>>) semaphore(%arg18 : memref<!tpu.dma_semaphore, #tpu.memory_space<semaphore_mem>>)
      %dma_start3A_225 = arith.constant 6 : i32
      %dma_start3A_226 = arith.constant 480 : i32
      %dma_start3A_227 = arith.constant 0 : i32
      %dma_start3A_228 = tpu.memref_slice %arg10[%dma_start3A_226, %dma_start3A_227] : memref<2000x16xf32, #tpu.memory_space<vmem>> -> memref<80x16xf32, #tpu.memory_space<vmem>>
      %dma_start3A_229 = arith.constant 0 : i32
      %dma_start3A_230 = tpu.memref_slice %arg8[%dma_start3A_225, %dma_start3A_229] : memref<25x80xi32, #tpu.memory_space<vmem>> -> memref<1x80xi32, #tpu.memory_space<vmem>>
      %dma_start3A_231 = tpu.memref_squeeze %dma_start3A_230 : memref<1x80xi32, #tpu.memory_space<vmem>> -> memref<80xi32, #tpu.memory_space<vmem>>
      %dma_start3A_232 = arith.constant 0 : i32
      %dma_start3A_233 = arith.constant 0 : i32
      %dma_start3A_234 = tpu.memref_slice %arg2[%dma_start3A_232, %dma_start3A_233] : memref<10000x16xf32, #tpu.memory_space<hbm>> -> memref<10000x16xf32, #tpu.memory_space<hbm>>
      tpu.enqueue_indirect_dma source(%dma_start3A_234 : memref<10000x16xf32, #tpu.memory_space<hbm>>) target(%dma_start3A_228 : memref<80x16xf32, #tpu.memory_space<vmem>>) offsets(%dma_start3A_231 : memref<80xi32, #tpu.memory_space<vmem>>) semaphore(%arg18 : memref<!tpu.dma_semaphore, #tpu.memory_space<semaphore_mem>>)
      %dma_start3A_235 = arith.constant 6 : i32
      %dma_start3A_236 = arith.constant 480 : i32
      %dma_start3A_237 = arith.constant 0 : i32
      %dma_start3A_238 = tpu.memref_slice %arg11[%dma_start3A_236, %dma_start3A_237] : memref<2000x16xf32, #tpu.memory_space<vmem>> -> memref<80x16xf32, #tpu.memory_space<vmem>>
      %dma_start3A_239 = arith.constant 0 : i32
      %dma_start3A_240 = tpu.memref_slice %arg9[%dma_start3A_235, %dma_start3A_239] : memref<25x80xi32, #tpu.memory_space<vmem>> -> memref<1x80xi32, #tpu.memory_space<vmem>>
      %dma_start3A_241 = tpu.memref_squeeze %dma_start3A_240 : memref<1x80xi32, #tpu.memory_space<vmem>> -> memref<80xi32, #tpu.memory_space<vmem>>
      %dma_start3A_242 = arith.constant 0 : i32
      %dma_start3A_243 = arith.constant 0 : i32
      %dma_start3A_244 = tpu.memref_slice %arg3[%dma_start3A_242, %dma_start3A_243] : memref<10000x16xf32, #tpu.memory_space<hbm>> -> memref<10000x16xf32, #tpu.memory_space<hbm>>
      tpu.enqueue_indirect_dma source(%dma_start3A_244 : memref<10000x16xf32, #tpu.memory_space<hbm>>) target(%dma_start3A_238 : memref<80x16xf32, #tpu.memory_space<vmem>>) offsets(%dma_start3A_241 : memref<80xi32, #tpu.memory_space<vmem>>) semaphore(%arg18 : memref<!tpu.dma_semaphore, #tpu.memory_space<semaphore_mem>>)
      %dma_start3A_245 = arith.constant 7 : i32
      %dma_start3A_246 = arith.constant 560 : i32
      %dma_start3A_247 = arith.constant 0 : i32
      %dma_start3A_248 = tpu.memref_slice %arg10[%dma_start3A_246, %dma_start3A_247] : memref<2000x16xf32, #tpu.memory_space<vmem>> -> memref<80x16xf32, #tpu.memory_space<vmem>>
      %dma_start3A_249 = arith.constant 0 : i32
      %dma_start3A_250 = tpu.memref_slice %arg8[%dma_start3A_245, %dma_start3A_249] : memref<25x80xi32, #tpu.memory_space<vmem>> -> memref<1x80xi32, #tpu.memory_space<vmem>>
      %dma_start3A_251 = tpu.memref_squeeze %dma_start3A_250 : memref<1x80xi32, #tpu.memory_space<vmem>> -> memref<80xi32, #tpu.memory_space<vmem>>
      %dma_start3A_252 = arith.constant 0 : i32
      %dma_start3A_253 = arith.constant 0 : i32
      %dma_start3A_254 = tpu.memref_slice %arg2[%dma_start3A_252, %dma_start3A_253] : memref<10000x16xf32, #tpu.memory_space<hbm>> -> memref<10000x16xf32, #tpu.memory_space<hbm>>
      tpu.enqueue_indirect_dma source(%dma_start3A_254 : memref<10000x16xf32, #tpu.memory_space<hbm>>) target(%dma_start3A_248 : memref<80x16xf32, #tpu.memory_space<vmem>>) offsets(%dma_start3A_251 : memref<80xi32, #tpu.memory_space<vmem>>) semaphore(%arg18 : memref<!tpu.dma_semaphore, #tpu.memory_space<semaphore_mem>>)
      %dma_start3A_255 = arith.constant 7 : i32
      %dma_start3A_256 = arith.constant 560 : i32
      %dma_start3A_257 = arith.constant 0 : i32
      %dma_start3A_258 = tpu.memref_slice %arg11[%dma_start3A_256, %dma_start3A_257] : memref<2000x16xf32, #tpu.memory_space<vmem>> -> memref<80x16xf32, #tpu.memory_space<vmem>>
      %dma_start3A_259 = arith.constant 0 : i32
      %dma_start3A_260 = tpu.memref_slice %arg9[%dma_start3A_255, %dma_start3A_259] : memref<25x80xi32, #tpu.memory_space<vmem>> -> memref<1x80xi32, #tpu.memory_space<vmem>>
      %dma_start3A_261 = tpu.memref_squeeze %dma_start3A_260 : memref<1x80xi32, #tpu.memory_space<vmem>> -> memref<80xi32, #tpu.memory_space<vmem>>
      %dma_start3A_262 = arith.constant 0 : i32
      %dma_start3A_263 = arith.constant 0 : i32
      %dma_start3A_264 = tpu.memref_slice %arg3[%dma_start3A_262, %dma_start3A_263] : memref<10000x16xf32, #tpu.memory_space<hbm>> -> memref<10000x16xf32, #tpu.memory_space<hbm>>
      tpu.enqueue_indirect_dma source(%dma_start3A_264 : memref<10000x16xf32, #tpu.memory_space<hbm>>) target(%dma_start3A_258 : memref<80x16xf32, #tpu.memory_space<vmem>>) offsets(%dma_start3A_261 : memref<80xi32, #tpu.memory_space<vmem>>) semaphore(%arg18 : memref<!tpu.dma_semaphore, #tpu.memory_space<semaphore_mem>>)
      %dma_start3A_265 = arith.constant 8 : i32
      %dma_start3A_266 = arith.constant 640 : i32
      %dma_start3A_267 = arith.constant 0 : i32
      %dma_start3A_268 = tpu.memref_slice %arg10[%dma_start3A_266, %dma_start3A_267] : memref<2000x16xf32, #tpu.memory_space<vmem>> -> memref<80x16xf32, #tpu.memory_space<vmem>>
      %dma_start3A_269 = arith.constant 0 : i32
      %dma_start3A_270 = tpu.memref_slice %arg8[%dma_start3A_265, %dma_start3A_269] : memref<25x80xi32, #tpu.memory_space<vmem>> -> memref<1x80xi32, #tpu.memory_space<vmem>>
      %dma_start3A_271 = tpu.memref_squeeze %dma_start3A_270 : memref<1x80xi32, #tpu.memory_space<vmem>> -> memref<80xi32, #tpu.memory_space<vmem>>
      %dma_start3A_272 = arith.constant 0 : i32
      %dma_start3A_273 = arith.constant 0 : i32
      %dma_start3A_274 = tpu.memref_slice %arg2[%dma_start3A_272, %dma_start3A_273] : memref<10000x16xf32, #tpu.memory_space<hbm>> -> memref<10000x16xf32, #tpu.memory_space<hbm>>
      tpu.enqueue_indirect_dma source(%dma_start3A_274 : memref<10000x16xf32, #tpu.memory_space<hbm>>) target(%dma_start3A_268 : memref<80x16xf32, #tpu.memory_space<vmem>>) offsets(%dma_start3A_271 : memref<80xi32, #tpu.memory_space<vmem>>) semaphore(%arg18 : memref<!tpu.dma_semaphore, #tpu.memory_space<semaphore_mem>>)
      %dma_start3A_275 = arith.constant 8 : i32
      %dma_start3A_276 = arith.constant 640 : i32
      %dma_start3A_277 = arith.constant 0 : i32
      %dma_start3A_278 = tpu.memref_slice %arg11[%dma_start3A_276, %dma_start3A_277] : memref<2000x16xf32, #tpu.memory_space<vmem>> -> memref<80x16xf32, #tpu.memory_space<vmem>>
      %dma_start3A_279 = arith.constant 0 : i32
      %dma_start3A_280 = tpu.memref_slice %arg9[%dma_start3A_275, %dma_start3A_279] : memref<25x80xi32, #tpu.memory_space<vmem>> -> memref<1x80xi32, #tpu.memory_space<vmem>>
      %dma_start3A_281 = tpu.memref_squeeze %dma_start3A_280 : memref<1x80xi32, #tpu.memory_space<vmem>> -> memref<80xi32, #tpu.memory_space<vmem>>
      %dma_start3A_282 = arith.constant 0 : i32
      %dma_start3A_283 = arith.constant 0 : i32
      %dma_start3A_284 = tpu.memref_slice %arg3[%dma_start3A_282, %dma_start3A_283] : memref<10000x16xf32, #tpu.memory_space<hbm>> -> memref<10000x16xf32, #tpu.memory_space<hbm>>
      tpu.enqueue_indirect_dma source(%dma_start3A_284 : memref<10000x16xf32, #tpu.memory_space<hbm>>) target(%dma_start3A_278 : memref<80x16xf32, #tpu.memory_space<vmem>>) offsets(%dma_start3A_281 : memref<80xi32, #tpu.memory_space<vmem>>) semaphore(%arg18 : memref<!tpu.dma_semaphore, #tpu.memory_space<semaphore_mem>>)
      %dma_start3A_285 = arith.constant 9 : i32
      %dma_start3A_286 = arith.constant 720 : i32
      %dma_start3A_287 = arith.constant 0 : i32
      %dma_start3A_288 = tpu.memref_slice %arg10[%dma_start3A_286, %dma_start3A_287] : memref<2000x16xf32, #tpu.memory_space<vmem>> -> memref<80x16xf32, #tpu.memory_space<vmem>>
      %dma_start3A_289 = arith.constant 0 : i32
      %dma_start3A_290 = tpu.memref_slice %arg8[%dma_start3A_285, %dma_start3A_289] : memref<25x80xi32, #tpu.memory_space<vmem>> -> memref<1x80xi32, #tpu.memory_space<vmem>>
      %dma_start3A_291 = tpu.memref_squeeze %dma_start3A_290 : memref<1x80xi32, #tpu.memory_space<vmem>> -> memref<80xi32, #tpu.memory_space<vmem>>
      %dma_start3A_292 = arith.constant 0 : i32
      %dma_start3A_293 = arith.constant 0 : i32
      %dma_start3A_294 = tpu.memref_slice %arg2[%dma_start3A_292, %dma_start3A_293] : memref<10000x16xf32, #tpu.memory_space<hbm>> -> memref<10000x16xf32, #tpu.memory_space<hbm>>
      tpu.enqueue_indirect_dma source(%dma_start3A_294 : memref<10000x16xf32, #tpu.memory_space<hbm>>) target(%dma_start3A_288 : memref<80x16xf32, #tpu.memory_space<vmem>>) offsets(%dma_start3A_291 : memref<80xi32, #tpu.memory_space<vmem>>) semaphore(%arg18 : memref<!tpu.dma_semaphore, #tpu.memory_space<semaphore_mem>>)
      %dma_start3A_295 = arith.constant 9 : i32
      %dma_start3A_296 = arith.constant 720 : i32
      %dma_start3A_297 = arith.constant 0 : i32
      %dma_start3A_298 = tpu.memref_slice %arg11[%dma_start3A_296, %dma_start3A_297] : memref<2000x16xf32, #tpu.memory_space<vmem>> -> memref<80x16xf32, #tpu.memory_space<vmem>>
      %dma_start3A_299 = arith.constant 0 : i32
      %dma_start3A_300 = tpu.memref_slice %arg9[%dma_start3A_295, %dma_start3A_299] : memref<25x80xi32, #tpu.memory_space<vmem>> -> memref<1x80xi32, #tpu.memory_space<vmem>>
      %dma_start3A_301 = tpu.memref_squeeze %dma_start3A_300 : memref<1x80xi32, #tpu.memory_space<vmem>> -> memref<80xi32, #tpu.memory_space<vmem>>
      %dma_start3A_302 = arith.constant 0 : i32
      %dma_start3A_303 = arith.constant 0 : i32
      %dma_start3A_304 = tpu.memref_slice %arg3[%dma_start3A_302, %dma_start3A_303] : memref<10000x16xf32, #tpu.memory_space<hbm>> -> memref<10000x16xf32, #tpu.memory_space<hbm>>
      tpu.enqueue_indirect_dma source(%dma_start3A_304 : memref<10000x16xf32, #tpu.memory_space<hbm>>) target(%dma_start3A_298 : memref<80x16xf32, #tpu.memory_space<vmem>>) offsets(%dma_start3A_301 : memref<80xi32, #tpu.memory_space<vmem>>) semaphore(%arg18 : memref<!tpu.dma_semaphore, #tpu.memory_space<semaphore_mem>>)
      %dma_wait3A_305 = arith.constant 0 : i32
      %dma_wait3A_306 = arith.constant 0 : i32
      %dma_wait3A_307 = arith.constant 0 : i32
      %dma_wait3A_308 = tpu.memref_slice %arg10[%dma_wait3A_306, %dma_wait3A_307] : memref<2000x16xf32, #tpu.memory_space<vmem>> -> memref<80x16xf32, #tpu.memory_space<vmem>>
      %dma_wait3A_309 = arith.constant 0 : i32
      %dma_wait3A_310 = tpu.memref_slice %arg8[%dma_wait3A_305, %dma_wait3A_309] : memref<25x80xi32, #tpu.memory_space<vmem>> -> memref<1x80xi32, #tpu.memory_space<vmem>>
      %dma_wait3A_311 = tpu.memref_squeeze %dma_wait3A_310 : memref<1x80xi32, #tpu.memory_space<vmem>> -> memref<80xi32, #tpu.memory_space<vmem>>
      %dma_wait3A_312 = arith.constant 0 : i32
      %dma_wait3A_313 = arith.constant 0 : i32
      %dma_wait3A_314 = tpu.memref_slice %arg2[%dma_wait3A_312, %dma_wait3A_313] : memref<10000x16xf32, #tpu.memory_space<hbm>> -> memref<10000x16xf32, #tpu.memory_space<hbm>>
      tpu.wait_indirect_dma semaphore(%arg17 : memref<!tpu.dma_semaphore, #tpu.memory_space<semaphore_mem>>) src(%dma_wait3A_314 : memref<10000x16xf32, #tpu.memory_space<hbm>>) dst(%dma_wait3A_308 : memref<80x16xf32, #tpu.memory_space<vmem>>)
      %dma_wait3A_315 = arith.constant 0 : i32
      %dma_wait3A_316 = arith.constant 0 : i32
      %dma_wait3A_317 = arith.constant 0 : i32
      %dma_wait3A_318 = tpu.memref_slice %arg11[%dma_wait3A_316, %dma_wait3A_317] : memref<2000x16xf32, #tpu.memory_space<vmem>> -> memref<80x16xf32, #tpu.memory_space<vmem>>
      %dma_wait3A_319 = arith.constant 0 : i32
      %dma_wait3A_320 = tpu.memref_slice %arg9[%dma_wait3A_315, %dma_wait3A_319] : memref<25x80xi32, #tpu.memory_space<vmem>> -> memref<1x80xi32, #tpu.memory_space<vmem>>
      %dma_wait3A_321 = tpu.memref_squeeze %dma_wait3A_320 : memref<1x80xi32, #tpu.memory_space<vmem>> -> memref<80xi32, #tpu.memory_space<vmem>>
      %dma_wait3A_322 = arith.constant 0 : i32
      %dma_wait3A_323 = arith.constant 0 : i32
      %dma_wait3A_324 = tpu.memref_slice %arg3[%dma_wait3A_322, %dma_wait3A_323] : memref<10000x16xf32, #tpu.memory_space<hbm>> -> memref<10000x16xf32, #tpu.memory_space<hbm>>
      tpu.wait_indirect_dma semaphore(%arg17 : memref<!tpu.dma_semaphore, #tpu.memory_space<semaphore_mem>>) src(%dma_wait3A_324 : memref<10000x16xf32, #tpu.memory_space<hbm>>) dst(%dma_wait3A_318 : memref<80x16xf32, #tpu.memory_space<vmem>>)
      %dma_wait3A_325 = arith.constant 1 : i32
      %dma_wait3A_326 = arith.constant 80 : i32
      %dma_wait3A_327 = arith.constant 0 : i32
      %dma_wait3A_328 = tpu.memref_slice %arg10[%dma_wait3A_326, %dma_wait3A_327] : memref<2000x16xf32, #tpu.memory_space<vmem>> -> memref<80x16xf32, #tpu.memory_space<vmem>>
      %dma_wait3A_329 = arith.constant 0 : i32
      %dma_wait3A_330 = tpu.memref_slice %arg8[%dma_wait3A_325, %dma_wait3A_329] : memref<25x80xi32, #tpu.memory_space<vmem>> -> memref<1x80xi32, #tpu.memory_space<vmem>>
      %dma_wait3A_331 = tpu.memref_squeeze %dma_wait3A_330 : memref<1x80xi32, #tpu.memory_space<vmem>> -> memref<80xi32, #tpu.memory_space<vmem>>
      %dma_wait3A_332 = arith.constant 0 : i32
      %dma_wait3A_333 = arith.constant 0 : i32
      %dma_wait3A_334 = tpu.memref_slice %arg2[%dma_wait3A_332, %dma_wait3A_333] : memref<10000x16xf32, #tpu.memory_space<hbm>> -> memref<10000x16xf32, #tpu.memory_space<hbm>>
      tpu.wait_indirect_dma semaphore(%arg17 : memref<!tpu.dma_semaphore, #tpu.memory_space<semaphore_mem>>) src(%dma_wait3A_334 : memref<10000x16xf32, #tpu.memory_space<hbm>>) dst(%dma_wait3A_328 : memref<80x16xf32, #tpu.memory_space<vmem>>)
      %dma_wait3A_335 = arith.constant 1 : i32
      %dma_wait3A_336 = arith.constant 80 : i32
      %dma_wait3A_337 = arith.constant 0 : i32
      %dma_wait3A_338 = tpu.memref_slice %arg11[%dma_wait3A_336, %dma_wait3A_337] : memref<2000x16xf32, #tpu.memory_space<vmem>> -> memref<80x16xf32, #tpu.memory_space<vmem>>
      %dma_wait3A_339 = arith.constant 0 : i32
      %dma_wait3A_340 = tpu.memref_slice %arg9[%dma_wait3A_335, %dma_wait3A_339] : memref<25x80xi32, #tpu.memory_space<vmem>> -> memref<1x80xi32, #tpu.memory_space<vmem>>
      %dma_wait3A_341 = tpu.memref_squeeze %dma_wait3A_340 : memref<1x80xi32, #tpu.memory_space<vmem>> -> memref<80xi32, #tpu.memory_space<vmem>>
      %dma_wait3A_342 = arith.constant 0 : i32
      %dma_wait3A_343 = arith.constant 0 : i32
      %dma_wait3A_344 = tpu.memref_slice %arg3[%dma_wait3A_342, %dma_wait3A_343] : memref<10000x16xf32, #tpu.memory_space<hbm>> -> memref<10000x16xf32, #tpu.memory_space<hbm>>
      tpu.wait_indirect_dma semaphore(%arg17 : memref<!tpu.dma_semaphore, #tpu.memory_space<semaphore_mem>>) src(%dma_wait3A_344 : memref<10000x16xf32, #tpu.memory_space<hbm>>) dst(%dma_wait3A_338 : memref<80x16xf32, #tpu.memory_space<vmem>>)
      %dma_wait3A_345 = arith.constant 2 : i32
      %dma_wait3A_346 = arith.constant 160 : i32
      %dma_wait3A_347 = arith.constant 0 : i32
      %dma_wait3A_348 = tpu.memref_slice %arg10[%dma_wait3A_346, %dma_wait3A_347] : memref<2000x16xf32, #tpu.memory_space<vmem>> -> memref<80x16xf32, #tpu.memory_space<vmem>>
      %dma_wait3A_349 = arith.constant 0 : i32
      %dma_wait3A_350 = tpu.memref_slice %arg8[%dma_wait3A_345, %dma_wait3A_349] : memref<25x80xi32, #tpu.memory_space<vmem>> -> memref<1x80xi32, #tpu.memory_space<vmem>>
      %dma_wait3A_351 = tpu.memref_squeeze %dma_wait3A_350 : memref<1x80xi32, #tpu.memory_space<vmem>> -> memref<80xi32, #tpu.memory_space<vmem>>
      %dma_wait3A_352 = arith.constant 0 : i32
      %dma_wait3A_353 = arith.constant 0 : i32
      %dma_wait3A_354 = tpu.memref_slice %arg2[%dma_wait3A_352, %dma_wait3A_353] : memref<10000x16xf32, #tpu.memory_space<hbm>> -> memref<10000x16xf32, #tpu.memory_space<hbm>>
      tpu.wait_indirect_dma semaphore(%arg17 : memref<!tpu.dma_semaphore, #tpu.memory_space<semaphore_mem>>) src(%dma_wait3A_354 : memref<10000x16xf32, #tpu.memory_space<hbm>>) dst(%dma_wait3A_348 : memref<80x16xf32, #tpu.memory_space<vmem>>)
      %dma_wait3A_355 = arith.constant 2 : i32
      %dma_wait3A_356 = arith.constant 160 : i32
      %dma_wait3A_357 = arith.constant 0 : i32
      %dma_wait3A_358 = tpu.memref_slice %arg11[%dma_wait3A_356, %dma_wait3A_357] : memref<2000x16xf32, #tpu.memory_space<vmem>> -> memref<80x16xf32, #tpu.memory_space<vmem>>
      %dma_wait3A_359 = arith.constant 0 : i32
      %dma_wait3A_360 = tpu.memref_slice %arg9[%dma_wait3A_355, %dma_wait3A_359] : memref<25x80xi32, #tpu.memory_space<vmem>> -> memref<1x80xi32, #tpu.memory_space<vmem>>
      %dma_wait3A_361 = tpu.memref_squeeze %dma_wait3A_360 : memref<1x80xi32, #tpu.memory_space<vmem>> -> memref<80xi32, #tpu.memory_space<vmem>>
      %dma_wait3A_362 = arith.constant 0 : i32
      %dma_wait3A_363 = arith.constant 0 : i32
      %dma_wait3A_364 = tpu.memref_slice %arg3[%dma_wait3A_362, %dma_wait3A_363] : memref<10000x16xf32, #tpu.memory_space<hbm>> -> memref<10000x16xf32, #tpu.memory_space<hbm>>
      tpu.wait_indirect_dma semaphore(%arg17 : memref<!tpu.dma_semaphore, #tpu.memory_space<semaphore_mem>>) src(%dma_wait3A_364 : memref<10000x16xf32, #tpu.memory_space<hbm>>) dst(%dma_wait3A_358 : memref<80x16xf32, #tpu.memory_space<vmem>>)
      %dma_wait3A_365 = arith.constant 3 : i32
      %dma_wait3A_366 = arith.constant 240 : i32
      %dma_wait3A_367 = arith.constant 0 : i32
      %dma_wait3A_368 = tpu.memref_slice %arg10[%dma_wait3A_366, %dma_wait3A_367] : memref<2000x16xf32, #tpu.memory_space<vmem>> -> memref<80x16xf32, #tpu.memory_space<vmem>>
      %dma_wait3A_369 = arith.constant 0 : i32
      %dma_wait3A_370 = tpu.memref_slice %arg8[%dma_wait3A_365, %dma_wait3A_369] : memref<25x80xi32, #tpu.memory_space<vmem>> -> memref<1x80xi32, #tpu.memory_space<vmem>>
      %dma_wait3A_371 = tpu.memref_squeeze %dma_wait3A_370 : memref<1x80xi32, #tpu.memory_space<vmem>> -> memref<80xi32, #tpu.memory_space<vmem>>
      %dma_wait3A_372 = arith.constant 0 : i32
      %dma_wait3A_373 = arith.constant 0 : i32
      %dma_wait3A_374 = tpu.memref_slice %arg2[%dma_wait3A_372, %dma_wait3A_373] : memref<10000x16xf32, #tpu.memory_space<hbm>> -> memref<10000x16xf32, #tpu.memory_space<hbm>>
      tpu.wait_indirect_dma semaphore(%arg17 : memref<!tpu.dma_semaphore, #tpu.memory_space<semaphore_mem>>) src(%dma_wait3A_374 : memref<10000x16xf32, #tpu.memory_space<hbm>>) dst(%dma_wait3A_368 : memref<80x16xf32, #tpu.memory_space<vmem>>)
      %dma_wait3A_375 = arith.constant 3 : i32
      %dma_wait3A_376 = arith.constant 240 : i32
      %dma_wait3A_377 = arith.constant 0 : i32
      %dma_wait3A_378 = tpu.memref_slice %arg11[%dma_wait3A_376, %dma_wait3A_377] : memref<2000x16xf32, #tpu.memory_space<vmem>> -> memref<80x16xf32, #tpu.memory_space<vmem>>
      %dma_wait3A_379 = arith.constant 0 : i32
      %dma_wait3A_380 = tpu.memref_slice %arg9[%dma_wait3A_375, %dma_wait3A_379] : memref<25x80xi32, #tpu.memory_space<vmem>> -> memref<1x80xi32, #tpu.memory_space<vmem>>
      %dma_wait3A_381 = tpu.memref_squeeze %dma_wait3A_380 : memref<1x80xi32, #tpu.memory_space<vmem>> -> memref<80xi32, #tpu.memory_space<vmem>>
      %dma_wait3A_382 = arith.constant 0 : i32
      %dma_wait3A_383 = arith.constant 0 : i32
      %dma_wait3A_384 = tpu.memref_slice %arg3[%dma_wait3A_382, %dma_wait3A_383] : memref<10000x16xf32, #tpu.memory_space<hbm>> -> memref<10000x16xf32, #tpu.memory_space<hbm>>
      tpu.wait_indirect_dma semaphore(%arg17 : memref<!tpu.dma_semaphore, #tpu.memory_space<semaphore_mem>>) src(%dma_wait3A_384 : memref<10000x16xf32, #tpu.memory_space<hbm>>) dst(%dma_wait3A_378 : memref<80x16xf32, #tpu.memory_space<vmem>>)
      %dma_wait3A_385 = arith.constant 4 : i32
      %dma_wait3A_386 = arith.constant 320 : i32
      %dma_wait3A_387 = arith.constant 0 : i32
      %dma_wait3A_388 = tpu.memref_slice %arg10[%dma_wait3A_386, %dma_wait3A_387] : memref<2000x16xf32, #tpu.memory_space<vmem>> -> memref<80x16xf32, #tpu.memory_space<vmem>>
      %dma_wait3A_389 = arith.constant 0 : i32
      %dma_wait3A_390 = tpu.memref_slice %arg8[%dma_wait3A_385, %dma_wait3A_389] : memref<25x80xi32, #tpu.memory_space<vmem>> -> memref<1x80xi32, #tpu.memory_space<vmem>>
      %dma_wait3A_391 = tpu.memref_squeeze %dma_wait3A_390 : memref<1x80xi32, #tpu.memory_space<vmem>> -> memref<80xi32, #tpu.memory_space<vmem>>
      %dma_wait3A_392 = arith.constant 0 : i32
      %dma_wait3A_393 = arith.constant 0 : i32
      %dma_wait3A_394 = tpu.memref_slice %arg2[%dma_wait3A_392, %dma_wait3A_393] : memref<10000x16xf32, #tpu.memory_space<hbm>> -> memref<10000x16xf32, #tpu.memory_space<hbm>>
      tpu.wait_indirect_dma semaphore(%arg17 : memref<!tpu.dma_semaphore, #tpu.memory_space<semaphore_mem>>) src(%dma_wait3A_394 : memref<10000x16xf32, #tpu.memory_space<hbm>>) dst(%dma_wait3A_388 : memref<80x16xf32, #tpu.memory_space<vmem>>)
      %dma_wait3A_395 = arith.constant 4 : i32
      %dma_wait3A_396 = arith.constant 320 : i32
      %dma_wait3A_397 = arith.constant 0 : i32
      %dma_wait3A_398 = tpu.memref_slice %arg11[%dma_wait3A_396, %dma_wait3A_397] : memref<2000x16xf32, #tpu.memory_space<vmem>> -> memref<80x16xf32, #tpu.memory_space<vmem>>
      %dma_wait3A_399 = arith.constant 0 : i32
      %dma_wait3A_400 = tpu.memref_slice %arg9[%dma_wait3A_395, %dma_wait3A_399] : memref<25x80xi32, #tpu.memory_space<vmem>> -> memref<1x80xi32, #tpu.memory_space<vmem>>
      %dma_wait3A_401 = tpu.memref_squeeze %dma_wait3A_400 : memref<1x80xi32, #tpu.memory_space<vmem>> -> memref<80xi32, #tpu.memory_space<vmem>>
      %dma_wait3A_402 = arith.constant 0 : i32
      %dma_wait3A_403 = arith.constant 0 : i32
      %dma_wait3A_404 = tpu.memref_slice %arg3[%dma_wait3A_402, %dma_wait3A_403] : memref<10000x16xf32, #tpu.memory_space<hbm>> -> memref<10000x16xf32, #tpu.memory_space<hbm>>
      tpu.wait_indirect_dma semaphore(%arg17 : memref<!tpu.dma_semaphore, #tpu.memory_space<semaphore_mem>>) src(%dma_wait3A_404 : memref<10000x16xf32, #tpu.memory_space<hbm>>) dst(%dma_wait3A_398 : memref<80x16xf32, #tpu.memory_space<vmem>>)
      %dma_start3A_405 = arith.constant 10 : i32
      %dma_start3A_406 = arith.constant 800 : i32
      %dma_start3A_407 = arith.constant 0 : i32
      %dma_start3A_408 = tpu.memref_slice %arg10[%dma_start3A_406, %dma_start3A_407] : memref<2000x16xf32, #tpu.memory_space<vmem>> -> memref<80x16xf32, #tpu.memory_space<vmem>>
      %dma_start3A_409 = arith.constant 0 : i32
      %dma_start3A_410 = tpu.memref_slice %arg8[%dma_start3A_405, %dma_start3A_409] : memref<25x80xi32, #tpu.memory_space<vmem>> -> memref<1x80xi32, #tpu.memory_space<vmem>>
      %dma_start3A_411 = tpu.memref_squeeze %dma_start3A_410 : memref<1x80xi32, #tpu.memory_space<vmem>> -> memref<80xi32, #tpu.memory_space<vmem>>
      %dma_start3A_412 = arith.constant 0 : i32
      %dma_start3A_413 = arith.constant 0 : i32
      %dma_start3A_414 = tpu.memref_slice %arg2[%dma_start3A_412, %dma_start3A_413] : memref<10000x16xf32, #tpu.memory_space<hbm>> -> memref<10000x16xf32, #tpu.memory_space<hbm>>
      tpu.enqueue_indirect_dma source(%dma_start3A_414 : memref<10000x16xf32, #tpu.memory_space<hbm>>) target(%dma_start3A_408 : memref<80x16xf32, #tpu.memory_space<vmem>>) offsets(%dma_start3A_411 : memref<80xi32, #tpu.memory_space<vmem>>) semaphore(%arg17 : memref<!tpu.dma_semaphore, #tpu.memory_space<semaphore_mem>>)
      %dma_start3A_415 = arith.constant 10 : i32
      %dma_start3A_416 = arith.constant 800 : i32
      %dma_start3A_417 = arith.constant 0 : i32
      %dma_start3A_418 = tpu.memref_slice %arg11[%dma_start3A_416, %dma_start3A_417] : memref<2000x16xf32, #tpu.memory_space<vmem>> -> memref<80x16xf32, #tpu.memory_space<vmem>>
      %dma_start3A_419 = arith.constant 0 : i32
      %dma_start3A_420 = tpu.memref_slice %arg9[%dma_start3A_415, %dma_start3A_419] : memref<25x80xi32, #tpu.memory_space<vmem>> -> memref<1x80xi32, #tpu.memory_space<vmem>>
      %dma_start3A_421 = tpu.memref_squeeze %dma_start3A_420 : memref<1x80xi32, #tpu.memory_space<vmem>> -> memref<80xi32, #tpu.memory_space<vmem>>
      %dma_start3A_422 = arith.constant 0 : i32
      %dma_start3A_423 = arith.constant 0 : i32
      %dma_start3A_424 = tpu.memref_slice %arg3[%dma_start3A_422, %dma_start3A_423] : memref<10000x16xf32, #tpu.memory_space<hbm>> -> memref<10000x16xf32, #tpu.memory_space<hbm>>
      tpu.enqueue_indirect_dma source(%dma_start3A_424 : memref<10000x16xf32, #tpu.memory_space<hbm>>) target(%dma_start3A_418 : memref<80x16xf32, #tpu.memory_space<vmem>>) offsets(%dma_start3A_421 : memref<80xi32, #tpu.memory_space<vmem>>) semaphore(%arg17 : memref<!tpu.dma_semaphore, #tpu.memory_space<semaphore_mem>>)
      %dma_start3A_425 = arith.constant 11 : i32
      %dma_start3A_426 = arith.constant 880 : i32
      %dma_start3A_427 = arith.constant 0 : i32
      %dma_start3A_428 = tpu.memref_slice %arg10[%dma_start3A_426, %dma_start3A_427] : memref<2000x16xf32, #tpu.memory_space<vmem>> -> memref<80x16xf32, #tpu.memory_space<vmem>>
      %dma_start3A_429 = arith.constant 0 : i32
      %dma_start3A_430 = tpu.memref_slice %arg8[%dma_start3A_425, %dma_start3A_429] : memref<25x80xi32, #tpu.memory_space<vmem>> -> memref<1x80xi32, #tpu.memory_space<vmem>>
      %dma_start3A_431 = tpu.memref_squeeze %dma_start3A_430 : memref<1x80xi32, #tpu.memory_space<vmem>> -> memref<80xi32, #tpu.memory_space<vmem>>
      %dma_start3A_432 = arith.constant 0 : i32
      %dma_start3A_433 = arith.constant 0 : i32
      %dma_start3A_434 = tpu.memref_slice %arg2[%dma_start3A_432, %dma_start3A_433] : memref<10000x16xf32, #tpu.memory_space<hbm>> -> memref<10000x16xf32, #tpu.memory_space<hbm>>
      tpu.enqueue_indirect_dma source(%dma_start3A_434 : memref<10000x16xf32, #tpu.memory_space<hbm>>) target(%dma_start3A_428 : memref<80x16xf32, #tpu.memory_space<vmem>>) offsets(%dma_start3A_431 : memref<80xi32, #tpu.memory_space<vmem>>) semaphore(%arg17 : memref<!tpu.dma_semaphore, #tpu.memory_space<semaphore_mem>>)
      %dma_start3A_435 = arith.constant 11 : i32
      %dma_start3A_436 = arith.constant 880 : i32
      %dma_start3A_437 = arith.constant 0 : i32
      %dma_start3A_438 = tpu.memref_slice %arg11[%dma_start3A_436, %dma_start3A_437] : memref<2000x16xf32, #tpu.memory_space<vmem>> -> memref<80x16xf32, #tpu.memory_space<vmem>>
      %dma_start3A_439 = arith.constant 0 : i32
      %dma_start3A_440 = tpu.memref_slice %arg9[%dma_start3A_435, %dma_start3A_439] : memref<25x80xi32, #tpu.memory_space<vmem>> -> memref<1x80xi32, #tpu.memory_space<vmem>>
      %dma_start3A_441 = tpu.memref_squeeze %dma_start3A_440 : memref<1x80xi32, #tpu.memory_space<vmem>> -> memref<80xi32, #tpu.memory_space<vmem>>
      %dma_start3A_442 = arith.constant 0 : i32
      %dma_start3A_443 = arith.constant 0 : i32
      %dma_start3A_444 = tpu.memref_slice %arg3[%dma_start3A_442, %dma_start3A_443] : memref<10000x16xf32, #tpu.memory_space<hbm>> -> memref<10000x16xf32, #tpu.memory_space<hbm>>
      tpu.enqueue_indirect_dma source(%dma_start3A_444 : memref<10000x16xf32, #tpu.memory_space<hbm>>) target(%dma_start3A_438 : memref<80x16xf32, #tpu.memory_space<vmem>>) offsets(%dma_start3A_441 : memref<80xi32, #tpu.memory_space<vmem>>) semaphore(%arg17 : memref<!tpu.dma_semaphore, #tpu.memory_space<semaphore_mem>>)
      %dma_start3A_445 = arith.constant 12 : i32
      %dma_start3A_446 = arith.constant 960 : i32
      %dma_start3A_447 = arith.constant 0 : i32
      %dma_start3A_448 = tpu.memref_slice %arg10[%dma_start3A_446, %dma_start3A_447] : memref<2000x16xf32, #tpu.memory_space<vmem>> -> memref<80x16xf32, #tpu.memory_space<vmem>>
      %dma_start3A_449 = arith.constant 0 : i32
      %dma_start3A_450 = tpu.memref_slice %arg8[%dma_start3A_445, %dma_start3A_449] : memref<25x80xi32, #tpu.memory_space<vmem>> -> memref<1x80xi32, #tpu.memory_space<vmem>>
      %dma_start3A_451 = tpu.memref_squeeze %dma_start3A_450 : memref<1x80xi32, #tpu.memory_space<vmem>> -> memref<80xi32, #tpu.memory_space<vmem>>
      %dma_start3A_452 = arith.constant 0 : i32
      %dma_start3A_453 = arith.constant 0 : i32
      %dma_start3A_454 = tpu.memref_slice %arg2[%dma_start3A_452, %dma_start3A_453] : memref<10000x16xf32, #tpu.memory_space<hbm>> -> memref<10000x16xf32, #tpu.memory_space<hbm>>
      tpu.enqueue_indirect_dma source(%dma_start3A_454 : memref<10000x16xf32, #tpu.memory_space<hbm>>) target(%dma_start3A_448 : memref<80x16xf32, #tpu.memory_space<vmem>>) offsets(%dma_start3A_451 : memref<80xi32, #tpu.memory_space<vmem>>) semaphore(%arg17 : memref<!tpu.dma_semaphore, #tpu.memory_space<semaphore_mem>>)
      %dma_start3A_455 = arith.constant 12 : i32
      %dma_start3A_456 = arith.constant 960 : i32
      %dma_start3A_457 = arith.constant 0 : i32
      %dma_start3A_458 = tpu.memref_slice %arg11[%dma_start3A_456, %dma_start3A_457] : memref<2000x16xf32, #tpu.memory_space<vmem>> -> memref<80x16xf32, #tpu.memory_space<vmem>>
      %dma_start3A_459 = arith.constant 0 : i32
      %dma_start3A_460 = tpu.memref_slice %arg9[%dma_start3A_455, %dma_start3A_459] : memref<25x80xi32, #tpu.memory_space<vmem>> -> memref<1x80xi32, #tpu.memory_space<vmem>>
      %dma_start3A_461 = tpu.memref_squeeze %dma_start3A_460 : memref<1x80xi32, #tpu.memory_space<vmem>> -> memref<80xi32, #tpu.memory_space<vmem>>
      %dma_start3A_462 = arith.constant 0 : i32
      %dma_start3A_463 = arith.constant 0 : i32
      %dma_start3A_464 = tpu.memref_slice %arg3[%dma_start3A_462, %dma_start3A_463] : memref<10000x16xf32, #tpu.memory_space<hbm>> -> memref<10000x16xf32, #tpu.memory_space<hbm>>
      tpu.enqueue_indirect_dma source(%dma_start3A_464 : memref<10000x16xf32, #tpu.memory_space<hbm>>) target(%dma_start3A_458 : memref<80x16xf32, #tpu.memory_space<vmem>>) offsets(%dma_start3A_461 : memref<80xi32, #tpu.memory_space<vmem>>) semaphore(%arg17 : memref<!tpu.dma_semaphore, #tpu.memory_space<semaphore_mem>>)
      %dma_start3A_465 = arith.constant 13 : i32
      %dma_start3A_466 = arith.constant 1040 : i32
      %dma_start3A_467 = arith.constant 0 : i32
      %dma_start3A_468 = tpu.memref_slice %arg10[%dma_start3A_466, %dma_start3A_467] : memref<2000x16xf32, #tpu.memory_space<vmem>> -> memref<80x16xf32, #tpu.memory_space<vmem>>
      %dma_start3A_469 = arith.constant 0 : i32
      %dma_start3A_470 = tpu.memref_slice %arg8[%dma_start3A_465, %dma_start3A_469] : memref<25x80xi32, #tpu.memory_space<vmem>> -> memref<1x80xi32, #tpu.memory_space<vmem>>
      %dma_start3A_471 = tpu.memref_squeeze %dma_start3A_470 : memref<1x80xi32, #tpu.memory_space<vmem>> -> memref<80xi32, #tpu.memory_space<vmem>>
      %dma_start3A_472 = arith.constant 0 : i32
      %dma_start3A_473 = arith.constant 0 : i32
      %dma_start3A_474 = tpu.memref_slice %arg2[%dma_start3A_472, %dma_start3A_473] : memref<10000x16xf32, #tpu.memory_space<hbm>> -> memref<10000x16xf32, #tpu.memory_space<hbm>>
      tpu.enqueue_indirect_dma source(%dma_start3A_474 : memref<10000x16xf32, #tpu.memory_space<hbm>>) target(%dma_start3A_468 : memref<80x16xf32, #tpu.memory_space<vmem>>) offsets(%dma_start3A_471 : memref<80xi32, #tpu.memory_space<vmem>>) semaphore(%arg17 : memref<!tpu.dma_semaphore, #tpu.memory_space<semaphore_mem>>)
      %dma_start3A_475 = arith.constant 13 : i32
      %dma_start3A_476 = arith.constant 1040 : i32
      %dma_start3A_477 = arith.constant 0 : i32
      %dma_start3A_478 = tpu.memref_slice %arg11[%dma_start3A_476, %dma_start3A_477] : memref<2000x16xf32, #tpu.memory_space<vmem>> -> memref<80x16xf32, #tpu.memory_space<vmem>>
      %dma_start3A_479 = arith.constant 0 : i32
      %dma_start3A_480 = tpu.memref_slice %arg9[%dma_start3A_475, %dma_start3A_479] : memref<25x80xi32, #tpu.memory_space<vmem>> -> memref<1x80xi32, #tpu.memory_space<vmem>>
      %dma_start3A_481 = tpu.memref_squeeze %dma_start3A_480 : memref<1x80xi32, #tpu.memory_space<vmem>> -> memref<80xi32, #tpu.memory_space<vmem>>
      %dma_start3A_482 = arith.constant 0 : i32
      %dma_start3A_483 = arith.constant 0 : i32
      %dma_start3A_484 = tpu.memref_slice %arg3[%dma_start3A_482, %dma_start3A_483] : memref<10000x16xf32, #tpu.memory_space<hbm>> -> memref<10000x16xf32, #tpu.memory_space<hbm>>
      tpu.enqueue_indirect_dma source(%dma_start3A_484 : memref<10000x16xf32, #tpu.memory_space<hbm>>) target(%dma_start3A_478 : memref<80x16xf32, #tpu.memory_space<vmem>>) offsets(%dma_start3A_481 : memref<80xi32, #tpu.memory_space<vmem>>) semaphore(%arg17 : memref<!tpu.dma_semaphore, #tpu.memory_space<semaphore_mem>>)
      %dma_start3A_485 = arith.constant 14 : i32
      %dma_start3A_486 = arith.constant 1120 : i32
      %dma_start3A_487 = arith.constant 0 : i32
      %dma_start3A_488 = tpu.memref_slice %arg10[%dma_start3A_486, %dma_start3A_487] : memref<2000x16xf32, #tpu.memory_space<vmem>> -> memref<80x16xf32, #tpu.memory_space<vmem>>
      %dma_start3A_489 = arith.constant 0 : i32
      %dma_start3A_490 = tpu.memref_slice %arg8[%dma_start3A_485, %dma_start3A_489] : memref<25x80xi32, #tpu.memory_space<vmem>> -> memref<1x80xi32, #tpu.memory_space<vmem>>
      %dma_start3A_491 = tpu.memref_squeeze %dma_start3A_490 : memref<1x80xi32, #tpu.memory_space<vmem>> -> memref<80xi32, #tpu.memory_space<vmem>>
      %dma_start3A_492 = arith.constant 0 : i32
      %dma_start3A_493 = arith.constant 0 : i32
      %dma_start3A_494 = tpu.memref_slice %arg2[%dma_start3A_492, %dma_start3A_493] : memref<10000x16xf32, #tpu.memory_space<hbm>> -> memref<10000x16xf32, #tpu.memory_space<hbm>>
      tpu.enqueue_indirect_dma source(%dma_start3A_494 : memref<10000x16xf32, #tpu.memory_space<hbm>>) target(%dma_start3A_488 : memref<80x16xf32, #tpu.memory_space<vmem>>) offsets(%dma_start3A_491 : memref<80xi32, #tpu.memory_space<vmem>>) semaphore(%arg17 : memref<!tpu.dma_semaphore, #tpu.memory_space<semaphore_mem>>)
      %dma_start3A_495 = arith.constant 14 : i32
      %dma_start3A_496 = arith.constant 1120 : i32
      %dma_start3A_497 = arith.constant 0 : i32
      %dma_start3A_498 = tpu.memref_slice %arg11[%dma_start3A_496, %dma_start3A_497] : memref<2000x16xf32, #tpu.memory_space<vmem>> -> memref<80x16xf32, #tpu.memory_space<vmem>>
      %dma_start3A_499 = arith.constant 0 : i32
      %dma_start3A_500 = tpu.memref_slice %arg9[%dma_start3A_495, %dma_start3A_499] : memref<25x80xi32, #tpu.memory_space<vmem>> -> memref<1x80xi32, #tpu.memory_space<vmem>>
      %dma_start3A_501 = tpu.memref_squeeze %dma_start3A_500 : memref<1x80xi32, #tpu.memory_space<vmem>> -> memref<80xi32, #tpu.memory_space<vmem>>
      %dma_start3A_502 = arith.constant 0 : i32
      %dma_start3A_503 = arith.constant 0 : i32
      %dma_start3A_504 = tpu.memref_slice %arg3[%dma_start3A_502, %dma_start3A_503] : memref<10000x16xf32, #tpu.memory_space<hbm>> -> memref<10000x16xf32, #tpu.memory_space<hbm>>
      tpu.enqueue_indirect_dma source(%dma_start3A_504 : memref<10000x16xf32, #tpu.memory_space<hbm>>) target(%dma_start3A_498 : memref<80x16xf32, #tpu.memory_space<vmem>>) offsets(%dma_start3A_501 : memref<80xi32, #tpu.memory_space<vmem>>) semaphore(%arg17 : memref<!tpu.dma_semaphore, #tpu.memory_space<semaphore_mem>>)
      %dma_wait3A_505 = arith.constant 5 : i32
      %dma_wait3A_506 = arith.constant 400 : i32
      %dma_wait3A_507 = arith.constant 0 : i32
      %dma_wait3A_508 = tpu.memref_slice %arg10[%dma_wait3A_506, %dma_wait3A_507] : memref<2000x16xf32, #tpu.memory_space<vmem>> -> memref<80x16xf32, #tpu.memory_space<vmem>>
      %dma_wait3A_509 = arith.constant 0 : i32
      %dma_wait3A_510 = tpu.memref_slice %arg8[%dma_wait3A_505, %dma_wait3A_509] : memref<25x80xi32, #tpu.memory_space<vmem>> -> memref<1x80xi32, #tpu.memory_space<vmem>>
      %dma_wait3A_511 = tpu.memref_squeeze %dma_wait3A_510 : memref<1x80xi32, #tpu.memory_space<vmem>> -> memref<80xi32, #tpu.memory_space<vmem>>
      %dma_wait3A_512 = arith.constant 0 : i32
      %dma_wait3A_513 = arith.constant 0 : i32
      %dma_wait3A_514 = tpu.memref_slice %arg2[%dma_wait3A_512, %dma_wait3A_513] : memref<10000x16xf32, #tpu.memory_space<hbm>> -> memref<10000x16xf32, #tpu.memory_space<hbm>>
      tpu.wait_indirect_dma semaphore(%arg18 : memref<!tpu.dma_semaphore, #tpu.memory_space<semaphore_mem>>) src(%dma_wait3A_514 : memref<10000x16xf32, #tpu.memory_space<hbm>>) dst(%dma_wait3A_508 : memref<80x16xf32, #tpu.memory_space<vmem>>)
      %dma_wait3A_515 = arith.constant 5 : i32
      %dma_wait3A_516 = arith.constant 400 : i32
      %dma_wait3A_517 = arith.constant 0 : i32
      %dma_wait3A_518 = tpu.memref_slice %arg11[%dma_wait3A_516, %dma_wait3A_517] : memref<2000x16xf32, #tpu.memory_space<vmem>> -> memref<80x16xf32, #tpu.memory_space<vmem>>
      %dma_wait3A_519 = arith.constant 0 : i32
      %dma_wait3A_520 = tpu.memref_slice %arg9[%dma_wait3A_515, %dma_wait3A_519] : memref<25x80xi32, #tpu.memory_space<vmem>> -> memref<1x80xi32, #tpu.memory_space<vmem>>
      %dma_wait3A_521 = tpu.memref_squeeze %dma_wait3A_520 : memref<1x80xi32, #tpu.memory_space<vmem>> -> memref<80xi32, #tpu.memory_space<vmem>>
      %dma_wait3A_522 = arith.constant 0 : i32
      %dma_wait3A_523 = arith.constant 0 : i32
      %dma_wait3A_524 = tpu.memref_slice %arg3[%dma_wait3A_522, %dma_wait3A_523] : memref<10000x16xf32, #tpu.memory_space<hbm>> -> memref<10000x16xf32, #tpu.memory_space<hbm>>
      tpu.wait_indirect_dma semaphore(%arg18 : memref<!tpu.dma_semaphore, #tpu.memory_space<semaphore_mem>>) src(%dma_wait3A_524 : memref<10000x16xf32, #tpu.memory_space<hbm>>) dst(%dma_wait3A_518 : memref<80x16xf32, #tpu.memory_space<vmem>>)
      %dma_wait3A_525 = arith.constant 6 : i32
      %dma_wait3A_526 = arith.constant 480 : i32
      %dma_wait3A_527 = arith.constant 0 : i32
      %dma_wait3A_528 = tpu.memref_slice %arg10[%dma_wait3A_526, %dma_wait3A_527] : memref<2000x16xf32, #tpu.memory_space<vmem>> -> memref<80x16xf32, #tpu.memory_space<vmem>>
      %dma_wait3A_529 = arith.constant 0 : i32
      %dma_wait3A_530 = tpu.memref_slice %arg8[%dma_wait3A_525, %dma_wait3A_529] : memref<25x80xi32, #tpu.memory_space<vmem>> -> memref<1x80xi32, #tpu.memory_space<vmem>>
      %dma_wait3A_531 = tpu.memref_squeeze %dma_wait3A_530 : memref<1x80xi32, #tpu.memory_space<vmem>> -> memref<80xi32, #tpu.memory_space<vmem>>
      %dma_wait3A_532 = arith.constant 0 : i32
      %dma_wait3A_533 = arith.constant 0 : i32
      %dma_wait3A_534 = tpu.memref_slice %arg2[%dma_wait3A_532, %dma_wait3A_533] : memref<10000x16xf32, #tpu.memory_space<hbm>> -> memref<10000x16xf32, #tpu.memory_space<hbm>>
      tpu.wait_indirect_dma semaphore(%arg18 : memref<!tpu.dma_semaphore, #tpu.memory_space<semaphore_mem>>) src(%dma_wait3A_534 : memref<10000x16xf32, #tpu.memory_space<hbm>>) dst(%dma_wait3A_528 : memref<80x16xf32, #tpu.memory_space<vmem>>)
      %dma_wait3A_535 = arith.constant 6 : i32
      %dma_wait3A_536 = arith.constant 480 : i32
      %dma_wait3A_537 = arith.constant 0 : i32
      %dma_wait3A_538 = tpu.memref_slice %arg11[%dma_wait3A_536, %dma_wait3A_537] : memref<2000x16xf32, #tpu.memory_space<vmem>> -> memref<80x16xf32, #tpu.memory_space<vmem>>
      %dma_wait3A_539 = arith.constant 0 : i32
      %dma_wait3A_540 = tpu.memref_slice %arg9[%dma_wait3A_535, %dma_wait3A_539] : memref<25x80xi32, #tpu.memory_space<vmem>> -> memref<1x80xi32, #tpu.memory_space<vmem>>
      %dma_wait3A_541 = tpu.memref_squeeze %dma_wait3A_540 : memref<1x80xi32, #tpu.memory_space<vmem>> -> memref<80xi32, #tpu.memory_space<vmem>>
      %dma_wait3A_542 = arith.constant 0 : i32
      %dma_wait3A_543 = arith.constant 0 : i32
      %dma_wait3A_544 = tpu.memref_slice %arg3[%dma_wait3A_542, %dma_wait3A_543] : memref<10000x16xf32, #tpu.memory_space<hbm>> -> memref<10000x16xf32, #tpu.memory_space<hbm>>
      tpu.wait_indirect_dma semaphore(%arg18 : memref<!tpu.dma_semaphore, #tpu.memory_space<semaphore_mem>>) src(%dma_wait3A_544 : memref<10000x16xf32, #tpu.memory_space<hbm>>) dst(%dma_wait3A_538 : memref<80x16xf32, #tpu.memory_space<vmem>>)
      %dma_wait3A_545 = arith.constant 7 : i32
      %dma_wait3A_546 = arith.constant 560 : i32
      %dma_wait3A_547 = arith.constant 0 : i32
      %dma_wait3A_548 = tpu.memref_slice %arg10[%dma_wait3A_546, %dma_wait3A_547] : memref<2000x16xf32, #tpu.memory_space<vmem>> -> memref<80x16xf32, #tpu.memory_space<vmem>>
      %dma_wait3A_549 = arith.constant 0 : i32
      %dma_wait3A_550 = tpu.memref_slice %arg8[%dma_wait3A_545, %dma_wait3A_549] : memref<25x80xi32, #tpu.memory_space<vmem>> -> memref<1x80xi32, #tpu.memory_space<vmem>>
      %dma_wait3A_551 = tpu.memref_squeeze %dma_wait3A_550 : memref<1x80xi32, #tpu.memory_space<vmem>> -> memref<80xi32, #tpu.memory_space<vmem>>
      %dma_wait3A_552 = arith.constant 0 : i32
      %dma_wait3A_553 = arith.constant 0 : i32
      %dma_wait3A_554 = tpu.memref_slice %arg2[%dma_wait3A_552, %dma_wait3A_553] : memref<10000x16xf32, #tpu.memory_space<hbm>> -> memref<10000x16xf32, #tpu.memory_space<hbm>>
      tpu.wait_indirect_dma semaphore(%arg18 : memref<!tpu.dma_semaphore, #tpu.memory_space<semaphore_mem>>) src(%dma_wait3A_554 : memref<10000x16xf32, #tpu.memory_space<hbm>>) dst(%dma_wait3A_548 : memref<80x16xf32, #tpu.memory_space<vmem>>)
      %dma_wait3A_555 = arith.constant 7 : i32
      %dma_wait3A_556 = arith.constant 560 : i32
      %dma_wait3A_557 = arith.constant 0 : i32
      %dma_wait3A_558 = tpu.memref_slice %arg11[%dma_wait3A_556, %dma_wait3A_557] : memref<2000x16xf32, #tpu.memory_space<vmem>> -> memref<80x16xf32, #tpu.memory_space<vmem>>
      %dma_wait3A_559 = arith.constant 0 : i32
      %dma_wait3A_560 = tpu.memref_slice %arg9[%dma_wait3A_555, %dma_wait3A_559] : memref<25x80xi32, #tpu.memory_space<vmem>> -> memref<1x80xi32, #tpu.memory_space<vmem>>
      %dma_wait3A_561 = tpu.memref_squeeze %dma_wait3A_560 : memref<1x80xi32, #tpu.memory_space<vmem>> -> memref<80xi32, #tpu.memory_space<vmem>>
      %dma_wait3A_562 = arith.constant 0 : i32
      %dma_wait3A_563 = arith.constant 0 : i32
      %dma_wait3A_564 = tpu.memref_slice %arg3[%dma_wait3A_562, %dma_wait3A_563] : memref<10000x16xf32, #tpu.memory_space<hbm>> -> memref<10000x16xf32, #tpu.memory_space<hbm>>
      tpu.wait_indirect_dma semaphore(%arg18 : memref<!tpu.dma_semaphore, #tpu.memory_space<semaphore_mem>>) src(%dma_wait3A_564 : memref<10000x16xf32, #tpu.memory_space<hbm>>) dst(%dma_wait3A_558 : memref<80x16xf32, #tpu.memory_space<vmem>>)
      %dma_wait3A_565 = arith.constant 8 : i32
      %dma_wait3A_566 = arith.constant 640 : i32
      %dma_wait3A_567 = arith.constant 0 : i32
      %dma_wait3A_568 = tpu.memref_slice %arg10[%dma_wait3A_566, %dma_wait3A_567] : memref<2000x16xf32, #tpu.memory_space<vmem>> -> memref<80x16xf32, #tpu.memory_space<vmem>>
      %dma_wait3A_569 = arith.constant 0 : i32
      %dma_wait3A_570 = tpu.memref_slice %arg8[%dma_wait3A_565, %dma_wait3A_569] : memref<25x80xi32, #tpu.memory_space<vmem>> -> memref<1x80xi32, #tpu.memory_space<vmem>>
      %dma_wait3A_571 = tpu.memref_squeeze %dma_wait3A_570 : memref<1x80xi32, #tpu.memory_space<vmem>> -> memref<80xi32, #tpu.memory_space<vmem>>
      %dma_wait3A_572 = arith.constant 0 : i32
      %dma_wait3A_573 = arith.constant 0 : i32
      %dma_wait3A_574 = tpu.memref_slice %arg2[%dma_wait3A_572, %dma_wait3A_573] : memref<10000x16xf32, #tpu.memory_space<hbm>> -> memref<10000x16xf32, #tpu.memory_space<hbm>>
      tpu.wait_indirect_dma semaphore(%arg18 : memref<!tpu.dma_semaphore, #tpu.memory_space<semaphore_mem>>) src(%dma_wait3A_574 : memref<10000x16xf32, #tpu.memory_space<hbm>>) dst(%dma_wait3A_568 : memref<80x16xf32, #tpu.memory_space<vmem>>)
      %dma_wait3A_575 = arith.constant 8 : i32
      %dma_wait3A_576 = arith.constant 640 : i32
      %dma_wait3A_577 = arith.constant 0 : i32
      %dma_wait3A_578 = tpu.memref_slice %arg11[%dma_wait3A_576, %dma_wait3A_577] : memref<2000x16xf32, #tpu.memory_space<vmem>> -> memref<80x16xf32, #tpu.memory_space<vmem>>
      %dma_wait3A_579 = arith.constant 0 : i32
      %dma_wait3A_580 = tpu.memref_slice %arg9[%dma_wait3A_575, %dma_wait3A_579] : memref<25x80xi32, #tpu.memory_space<vmem>> -> memref<1x80xi32, #tpu.memory_space<vmem>>
      %dma_wait3A_581 = tpu.memref_squeeze %dma_wait3A_580 : memref<1x80xi32, #tpu.memory_space<vmem>> -> memref<80xi32, #tpu.memory_space<vmem>>
      %dma_wait3A_582 = arith.constant 0 : i32
      %dma_wait3A_583 = arith.constant 0 : i32
      %dma_wait3A_584 = tpu.memref_slice %arg3[%dma_wait3A_582, %dma_wait3A_583] : memref<10000x16xf32, #tpu.memory_space<hbm>> -> memref<10000x16xf32, #tpu.memory_space<hbm>>
      tpu.wait_indirect_dma semaphore(%arg18 : memref<!tpu.dma_semaphore, #tpu.memory_space<semaphore_mem>>) src(%dma_wait3A_584 : memref<10000x16xf32, #tpu.memory_space<hbm>>) dst(%dma_wait3A_578 : memref<80x16xf32, #tpu.memory_space<vmem>>)
      %dma_wait3A_585 = arith.constant 9 : i32
      %dma_wait3A_586 = arith.constant 720 : i32
      %dma_wait3A_587 = arith.constant 0 : i32
      %dma_wait3A_588 = tpu.memref_slice %arg10[%dma_wait3A_586, %dma_wait3A_587] : memref<2000x16xf32, #tpu.memory_space<vmem>> -> memref<80x16xf32, #tpu.memory_space<vmem>>
      %dma_wait3A_589 = arith.constant 0 : i32
      %dma_wait3A_590 = tpu.memref_slice %arg8[%dma_wait3A_585, %dma_wait3A_589] : memref<25x80xi32, #tpu.memory_space<vmem>> -> memref<1x80xi32, #tpu.memory_space<vmem>>
      %dma_wait3A_591 = tpu.memref_squeeze %dma_wait3A_590 : memref<1x80xi32, #tpu.memory_space<vmem>> -> memref<80xi32, #tpu.memory_space<vmem>>
      %dma_wait3A_592 = arith.constant 0 : i32
      %dma_wait3A_593 = arith.constant 0 : i32
      %dma_wait3A_594 = tpu.memref_slice %arg2[%dma_wait3A_592, %dma_wait3A_593] : memref<10000x16xf32, #tpu.memory_space<hbm>> -> memref<10000x16xf32, #tpu.memory_space<hbm>>
      tpu.wait_indirect_dma semaphore(%arg18 : memref<!tpu.dma_semaphore, #tpu.memory_space<semaphore_mem>>) src(%dma_wait3A_594 : memref<10000x16xf32, #tpu.memory_space<hbm>>) dst(%dma_wait3A_588 : memref<80x16xf32, #tpu.memory_space<vmem>>)
      %dma_wait3A_595 = arith.constant 9 : i32
      %dma_wait3A_596 = arith.constant 720 : i32
      %dma_wait3A_597 = arith.constant 0 : i32
      %dma_wait3A_598 = tpu.memref_slice %arg11[%dma_wait3A_596, %dma_wait3A_597] : memref<2000x16xf32, #tpu.memory_space<vmem>> -> memref<80x16xf32, #tpu.memory_space<vmem>>
      %dma_wait3A_599 = arith.constant 0 : i32
      %dma_wait3A_600 = tpu.memref_slice %arg9[%dma_wait3A_595, %dma_wait3A_599] : memref<25x80xi32, #tpu.memory_space<vmem>> -> memref<1x80xi32, #tpu.memory_space<vmem>>
      %dma_wait3A_601 = tpu.memref_squeeze %dma_wait3A_600 : memref<1x80xi32, #tpu.memory_space<vmem>> -> memref<80xi32, #tpu.memory_space<vmem>>
      %dma_wait3A_602 = arith.constant 0 : i32
      %dma_wait3A_603 = arith.constant 0 : i32
      %dma_wait3A_604 = tpu.memref_slice %arg3[%dma_wait3A_602, %dma_wait3A_603] : memref<10000x16xf32, #tpu.memory_space<hbm>> -> memref<10000x16xf32, #tpu.memory_space<hbm>>
      tpu.wait_indirect_dma semaphore(%arg18 : memref<!tpu.dma_semaphore, #tpu.memory_space<semaphore_mem>>) src(%dma_wait3A_604 : memref<10000x16xf32, #tpu.memory_space<hbm>>) dst(%dma_wait3A_598 : memref<80x16xf32, #tpu.memory_space<vmem>>)
      %dma_start3A_605 = arith.constant 15 : i32
      %dma_start3A_606 = arith.constant 1200 : i32
      %dma_start3A_607 = arith.constant 0 : i32
      %dma_start3A_608 = tpu.memref_slice %arg10[%dma_start3A_606, %dma_start3A_607] : memref<2000x16xf32, #tpu.memory_space<vmem>> -> memref<80x16xf32, #tpu.memory_space<vmem>>
      %dma_start3A_609 = arith.constant 0 : i32
      %dma_start3A_610 = tpu.memref_slice %arg8[%dma_start3A_605, %dma_start3A_609] : memref<25x80xi32, #tpu.memory_space<vmem>> -> memref<1x80xi32, #tpu.memory_space<vmem>>
      %dma_start3A_611 = tpu.memref_squeeze %dma_start3A_610 : memref<1x80xi32, #tpu.memory_space<vmem>> -> memref<80xi32, #tpu.memory_space<vmem>>
      %dma_start3A_612 = arith.constant 0 : i32
      %dma_start3A_613 = arith.constant 0 : i32
      %dma_start3A_614 = tpu.memref_slice %arg2[%dma_start3A_612, %dma_start3A_613] : memref<10000x16xf32, #tpu.memory_space<hbm>> -> memref<10000x16xf32, #tpu.memory_space<hbm>>
      tpu.enqueue_indirect_dma source(%dma_start3A_614 : memref<10000x16xf32, #tpu.memory_space<hbm>>) target(%dma_start3A_608 : memref<80x16xf32, #tpu.memory_space<vmem>>) offsets(%dma_start3A_611 : memref<80xi32, #tpu.memory_space<vmem>>) semaphore(%arg18 : memref<!tpu.dma_semaphore, #tpu.memory_space<semaphore_mem>>)
      %dma_start3A_615 = arith.constant 15 : i32
      %dma_start3A_616 = arith.constant 1200 : i32
      %dma_start3A_617 = arith.constant 0 : i32
      %dma_start3A_618 = tpu.memref_slice %arg11[%dma_start3A_616, %dma_start3A_617] : memref<2000x16xf32, #tpu.memory_space<vmem>> -> memref<80x16xf32, #tpu.memory_space<vmem>>
      %dma_start3A_619 = arith.constant 0 : i32
      %dma_start3A_620 = tpu.memref_slice %arg9[%dma_start3A_615, %dma_start3A_619] : memref<25x80xi32, #tpu.memory_space<vmem>> -> memref<1x80xi32, #tpu.memory_space<vmem>>
      %dma_start3A_621 = tpu.memref_squeeze %dma_start3A_620 : memref<1x80xi32, #tpu.memory_space<vmem>> -> memref<80xi32, #tpu.memory_space<vmem>>
      %dma_start3A_622 = arith.constant 0 : i32
      %dma_start3A_623 = arith.constant 0 : i32
      %dma_start3A_624 = tpu.memref_slice %arg3[%dma_start3A_622, %dma_start3A_623] : memref<10000x16xf32, #tpu.memory_space<hbm>> -> memref<10000x16xf32, #tpu.memory_space<hbm>>
      tpu.enqueue_indirect_dma source(%dma_start3A_624 : memref<10000x16xf32, #tpu.memory_space<hbm>>) target(%dma_start3A_618 : memref<80x16xf32, #tpu.memory_space<vmem>>) offsets(%dma_start3A_621 : memref<80xi32, #tpu.memory_space<vmem>>) semaphore(%arg18 : memref<!tpu.dma_semaphore, #tpu.memory_space<semaphore_mem>>)
      %dma_start3A_625 = arith.constant 16 : i32
      %dma_start3A_626 = arith.constant 1280 : i32
      %dma_start3A_627 = arith.constant 0 : i32
      %dma_start3A_628 = tpu.memref_slice %arg10[%dma_start3A_626, %dma_start3A_627] : memref<2000x16xf32, #tpu.memory_space<vmem>> -> memref<80x16xf32, #tpu.memory_space<vmem>>
      %dma_start3A_629 = arith.constant 0 : i32
      %dma_start3A_630 = tpu.memref_slice %arg8[%dma_start3A_625, %dma_start3A_629] : memref<25x80xi32, #tpu.memory_space<vmem>> -> memref<1x80xi32, #tpu.memory_space<vmem>>
      %dma_start3A_631 = tpu.memref_squeeze %dma_start3A_630 : memref<1x80xi32, #tpu.memory_space<vmem>> -> memref<80xi32, #tpu.memory_space<vmem>>
      %dma_start3A_632 = arith.constant 0 : i32
      %dma_start3A_633 = arith.constant 0 : i32
      %dma_start3A_634 = tpu.memref_slice %arg2[%dma_start3A_632, %dma_start3A_633] : memref<10000x16xf32, #tpu.memory_space<hbm>> -> memref<10000x16xf32, #tpu.memory_space<hbm>>
      tpu.enqueue_indirect_dma source(%dma_start3A_634 : memref<10000x16xf32, #tpu.memory_space<hbm>>) target(%dma_start3A_628 : memref<80x16xf32, #tpu.memory_space<vmem>>) offsets(%dma_start3A_631 : memref<80xi32, #tpu.memory_space<vmem>>) semaphore(%arg18 : memref<!tpu.dma_semaphore, #tpu.memory_space<semaphore_mem>>)
      %dma_start3A_635 = arith.constant 16 : i32
      %dma_start3A_636 = arith.constant 1280 : i32
      %dma_start3A_637 = arith.constant 0 : i32
      %dma_start3A_638 = tpu.memref_slice %arg11[%dma_start3A_636, %dma_start3A_637] : memref<2000x16xf32, #tpu.memory_space<vmem>> -> memref<80x16xf32, #tpu.memory_space<vmem>>
      %dma_start3A_639 = arith.constant 0 : i32
      %dma_start3A_640 = tpu.memref_slice %arg9[%dma_start3A_635, %dma_start3A_639] : memref<25x80xi32, #tpu.memory_space<vmem>> -> memref<1x80xi32, #tpu.memory_space<vmem>>
      %dma_start3A_641 = tpu.memref_squeeze %dma_start3A_640 : memref<1x80xi32, #tpu.memory_space<vmem>> -> memref<80xi32, #tpu.memory_space<vmem>>
      %dma_start3A_642 = arith.constant 0 : i32
      %dma_start3A_643 = arith.constant 0 : i32
      %dma_start3A_644 = tpu.memref_slice %arg3[%dma_start3A_642, %dma_start3A_643] : memref<10000x16xf32, #tpu.memory_space<hbm>> -> memref<10000x16xf32, #tpu.memory_space<hbm>>
      tpu.enqueue_indirect_dma source(%dma_start3A_644 : memref<10000x16xf32, #tpu.memory_space<hbm>>) target(%dma_start3A_638 : memref<80x16xf32, #tpu.memory_space<vmem>>) offsets(%dma_start3A_641 : memref<80xi32, #tpu.memory_space<vmem>>) semaphore(%arg18 : memref<!tpu.dma_semaphore, #tpu.memory_space<semaphore_mem>>)
      %dma_start3A_645 = arith.constant 17 : i32
      %dma_start3A_646 = arith.constant 1360 : i32
      %dma_start3A_647 = arith.constant 0 : i32
      %dma_start3A_648 = tpu.memref_slice %arg10[%dma_start3A_646, %dma_start3A_647] : memref<2000x16xf32, #tpu.memory_space<vmem>> -> memref<80x16xf32, #tpu.memory_space<vmem>>
      %dma_start3A_649 = arith.constant 0 : i32
      %dma_start3A_650 = tpu.memref_slice %arg8[%dma_start3A_645, %dma_start3A_649] : memref<25x80xi32, #tpu.memory_space<vmem>> -> memref<1x80xi32, #tpu.memory_space<vmem>>
      %dma_start3A_651 = tpu.memref_squeeze %dma_start3A_650 : memref<1x80xi32, #tpu.memory_space<vmem>> -> memref<80xi32, #tpu.memory_space<vmem>>
      %dma_start3A_652 = arith.constant 0 : i32
      %dma_start3A_653 = arith.constant 0 : i32
      %dma_start3A_654 = tpu.memref_slice %arg2[%dma_start3A_652, %dma_start3A_653] : memref<10000x16xf32, #tpu.memory_space<hbm>> -> memref<10000x16xf32, #tpu.memory_space<hbm>>
      tpu.enqueue_indirect_dma source(%dma_start3A_654 : memref<10000x16xf32, #tpu.memory_space<hbm>>) target(%dma_start3A_648 : memref<80x16xf32, #tpu.memory_space<vmem>>) offsets(%dma_start3A_651 : memref<80xi32, #tpu.memory_space<vmem>>) semaphore(%arg18 : memref<!tpu.dma_semaphore, #tpu.memory_space<semaphore_mem>>)
      %dma_start3A_655 = arith.constant 17 : i32
      %dma_start3A_656 = arith.constant 1360 : i32
      %dma_start3A_657 = arith.constant 0 : i32
      %dma_start3A_658 = tpu.memref_slice %arg11[%dma_start3A_656, %dma_start3A_657] : memref<2000x16xf32, #tpu.memory_space<vmem>> -> memref<80x16xf32, #tpu.memory_space<vmem>>
      %dma_start3A_659 = arith.constant 0 : i32
      %dma_start3A_660 = tpu.memref_slice %arg9[%dma_start3A_655, %dma_start3A_659] : memref<25x80xi32, #tpu.memory_space<vmem>> -> memref<1x80xi32, #tpu.memory_space<vmem>>
      %dma_start3A_661 = tpu.memref_squeeze %dma_start3A_660 : memref<1x80xi32, #tpu.memory_space<vmem>> -> memref<80xi32, #tpu.memory_space<vmem>>
      %dma_start3A_662 = arith.constant 0 : i32
      %dma_start3A_663 = arith.constant 0 : i32
      %dma_start3A_664 = tpu.memref_slice %arg3[%dma_start3A_662, %dma_start3A_663] : memref<10000x16xf32, #tpu.memory_space<hbm>> -> memref<10000x16xf32, #tpu.memory_space<hbm>>
      tpu.enqueue_indirect_dma source(%dma_start3A_664 : memref<10000x16xf32, #tpu.memory_space<hbm>>) target(%dma_start3A_658 : memref<80x16xf32, #tpu.memory_space<vmem>>) offsets(%dma_start3A_661 : memref<80xi32, #tpu.memory_space<vmem>>) semaphore(%arg18 : memref<!tpu.dma_semaphore, #tpu.memory_space<semaphore_mem>>)
      %dma_start3A_665 = arith.constant 18 : i32
      %dma_start3A_666 = arith.constant 1440 : i32
      %dma_start3A_667 = arith.constant 0 : i32
      %dma_start3A_668 = tpu.memref_slice %arg10[%dma_start3A_666, %dma_start3A_667] : memref<2000x16xf32, #tpu.memory_space<vmem>> -> memref<80x16xf32, #tpu.memory_space<vmem>>
      %dma_start3A_669 = arith.constant 0 : i32
      %dma_start3A_670 = tpu.memref_slice %arg8[%dma_start3A_665, %dma_start3A_669] : memref<25x80xi32, #tpu.memory_space<vmem>> -> memref<1x80xi32, #tpu.memory_space<vmem>>
      %dma_start3A_671 = tpu.memref_squeeze %dma_start3A_670 : memref<1x80xi32, #tpu.memory_space<vmem>> -> memref<80xi32, #tpu.memory_space<vmem>>
      %dma_start3A_672 = arith.constant 0 : i32
      %dma_start3A_673 = arith.constant 0 : i32
      %dma_start3A_674 = tpu.memref_slice %arg2[%dma_start3A_672, %dma_start3A_673] : memref<10000x16xf32, #tpu.memory_space<hbm>> -> memref<10000x16xf32, #tpu.memory_space<hbm>>
      tpu.enqueue_indirect_dma source(%dma_start3A_674 : memref<10000x16xf32, #tpu.memory_space<hbm>>) target(%dma_start3A_668 : memref<80x16xf32, #tpu.memory_space<vmem>>) offsets(%dma_start3A_671 : memref<80xi32, #tpu.memory_space<vmem>>) semaphore(%arg18 : memref<!tpu.dma_semaphore, #tpu.memory_space<semaphore_mem>>)
      %dma_start3A_675 = arith.constant 18 : i32
      %dma_start3A_676 = arith.constant 1440 : i32
      %dma_start3A_677 = arith.constant 0 : i32
      %dma_start3A_678 = tpu.memref_slice %arg11[%dma_start3A_676, %dma_start3A_677] : memref<2000x16xf32, #tpu.memory_space<vmem>> -> memref<80x16xf32, #tpu.memory_space<vmem>>
      %dma_start3A_679 = arith.constant 0 : i32
      %dma_start3A_680 = tpu.memref_slice %arg9[%dma_start3A_675, %dma_start3A_679] : memref<25x80xi32, #tpu.memory_space<vmem>> -> memref<1x80xi32, #tpu.memory_space<vmem>>
      %dma_start3A_681 = tpu.memref_squeeze %dma_start3A_680 : memref<1x80xi32, #tpu.memory_space<vmem>> -> memref<80xi32, #tpu.memory_space<vmem>>
      %dma_start3A_682 = arith.constant 0 : i32
      %dma_start3A_683 = arith.constant 0 : i32
      %dma_start3A_684 = tpu.memref_slice %arg3[%dma_start3A_682, %dma_start3A_683] : memref<10000x16xf32, #tpu.memory_space<hbm>> -> memref<10000x16xf32, #tpu.memory_space<hbm>>
      tpu.enqueue_indirect_dma source(%dma_start3A_684 : memref<10000x16xf32, #tpu.memory_space<hbm>>) target(%dma_start3A_678 : memref<80x16xf32, #tpu.memory_space<vmem>>) offsets(%dma_start3A_681 : memref<80xi32, #tpu.memory_space<vmem>>) semaphore(%arg18 : memref<!tpu.dma_semaphore, #tpu.memory_space<semaphore_mem>>)
      %dma_start3A_685 = arith.constant 19 : i32
      %dma_start3A_686 = arith.constant 1520 : i32
      %dma_start3A_687 = arith.constant 0 : i32
      %dma_start3A_688 = tpu.memref_slice %arg10[%dma_start3A_686, %dma_start3A_687] : memref<2000x16xf32, #tpu.memory_space<vmem>> -> memref<80x16xf32, #tpu.memory_space<vmem>>
      %dma_start3A_689 = arith.constant 0 : i32
      %dma_start3A_690 = tpu.memref_slice %arg8[%dma_start3A_685, %dma_start3A_689] : memref<25x80xi32, #tpu.memory_space<vmem>> -> memref<1x80xi32, #tpu.memory_space<vmem>>
      %dma_start3A_691 = tpu.memref_squeeze %dma_start3A_690 : memref<1x80xi32, #tpu.memory_space<vmem>> -> memref<80xi32, #tpu.memory_space<vmem>>
      %dma_start3A_692 = arith.constant 0 : i32
      %dma_start3A_693 = arith.constant 0 : i32
      %dma_start3A_694 = tpu.memref_slice %arg2[%dma_start3A_692, %dma_start3A_693] : memref<10000x16xf32, #tpu.memory_space<hbm>> -> memref<10000x16xf32, #tpu.memory_space<hbm>>
      tpu.enqueue_indirect_dma source(%dma_start3A_694 : memref<10000x16xf32, #tpu.memory_space<hbm>>) target(%dma_start3A_688 : memref<80x16xf32, #tpu.memory_space<vmem>>) offsets(%dma_start3A_691 : memref<80xi32, #tpu.memory_space<vmem>>) semaphore(%arg18 : memref<!tpu.dma_semaphore, #tpu.memory_space<semaphore_mem>>)
      %dma_start3A_695 = arith.constant 19 : i32
      %dma_start3A_696 = arith.constant 1520 : i32
      %dma_start3A_697 = arith.constant 0 : i32
      %dma_start3A_698 = tpu.memref_slice %arg11[%dma_start3A_696, %dma_start3A_697] : memref<2000x16xf32, #tpu.memory_space<vmem>> -> memref<80x16xf32, #tpu.memory_space<vmem>>
      %dma_start3A_699 = arith.constant 0 : i32
      %dma_start3A_700 = tpu.memref_slice %arg9[%dma_start3A_695, %dma_start3A_699] : memref<25x80xi32, #tpu.memory_space<vmem>> -> memref<1x80xi32, #tpu.memory_space<vmem>>
      %dma_start3A_701 = tpu.memref_squeeze %dma_start3A_700 : memref<1x80xi32, #tpu.memory_space<vmem>> -> memref<80xi32, #tpu.memory_space<vmem>>
      %dma_start3A_702 = arith.constant 0 : i32
      %dma_start3A_703 = arith.constant 0 : i32
      %dma_start3A_704 = tpu.memref_slice %arg3[%dma_start3A_702, %dma_start3A_703] : memref<10000x16xf32, #tpu.memory_space<hbm>> -> memref<10000x16xf32, #tpu.memory_space<hbm>>
      tpu.enqueue_indirect_dma source(%dma_start3A_704 : memref<10000x16xf32, #tpu.memory_space<hbm>>) target(%dma_start3A_698 : memref<80x16xf32, #tpu.memory_space<vmem>>) offsets(%dma_start3A_701 : memref<80xi32, #tpu.memory_space<vmem>>) semaphore(%arg18 : memref<!tpu.dma_semaphore, #tpu.memory_space<semaphore_mem>>)
      %dma_wait3A_705 = arith.constant 10 : i32
      %dma_wait3A_706 = arith.constant 800 : i32
      %dma_wait3A_707 = arith.constant 0 : i32
      %dma_wait3A_708 = tpu.memref_slice %arg10[%dma_wait3A_706, %dma_wait3A_707] : memref<2000x16xf32, #tpu.memory_space<vmem>> -> memref<80x16xf32, #tpu.memory_space<vmem>>
      %dma_wait3A_709 = arith.constant 0 : i32
      %dma_wait3A_710 = tpu.memref_slice %arg8[%dma_wait3A_705, %dma_wait3A_709] : memref<25x80xi32, #tpu.memory_space<vmem>> -> memref<1x80xi32, #tpu.memory_space<vmem>>
      %dma_wait3A_711 = tpu.memref_squeeze %dma_wait3A_710 : memref<1x80xi32, #tpu.memory_space<vmem>> -> memref<80xi32, #tpu.memory_space<vmem>>
      %dma_wait3A_712 = arith.constant 0 : i32
      %dma_wait3A_713 = arith.constant 0 : i32
      %dma_wait3A_714 = tpu.memref_slice %arg2[%dma_wait3A_712, %dma_wait3A_713] : memref<10000x16xf32, #tpu.memory_space<hbm>> -> memref<10000x16xf32, #tpu.memory_space<hbm>>
      tpu.wait_indirect_dma semaphore(%arg17 : memref<!tpu.dma_semaphore, #tpu.memory_space<semaphore_mem>>) src(%dma_wait3A_714 : memref<10000x16xf32, #tpu.memory_space<hbm>>) dst(%dma_wait3A_708 : memref<80x16xf32, #tpu.memory_space<vmem>>)
      %dma_wait3A_715 = arith.constant 10 : i32
      %dma_wait3A_716 = arith.constant 800 : i32
      %dma_wait3A_717 = arith.constant 0 : i32
      %dma_wait3A_718 = tpu.memref_slice %arg11[%dma_wait3A_716, %dma_wait3A_717] : memref<2000x16xf32, #tpu.memory_space<vmem>> -> memref<80x16xf32, #tpu.memory_space<vmem>>
      %dma_wait3A_719 = arith.constant 0 : i32
      %dma_wait3A_720 = tpu.memref_slice %arg9[%dma_wait3A_715, %dma_wait3A_719] : memref<25x80xi32, #tpu.memory_space<vmem>> -> memref<1x80xi32, #tpu.memory_space<vmem>>
      %dma_wait3A_721 = tpu.memref_squeeze %dma_wait3A_720 : memref<1x80xi32, #tpu.memory_space<vmem>> -> memref<80xi32, #tpu.memory_space<vmem>>
      %dma_wait3A_722 = arith.constant 0 : i32
      %dma_wait3A_723 = arith.constant 0 : i32
      %dma_wait3A_724 = tpu.memref_slice %arg3[%dma_wait3A_722, %dma_wait3A_723] : memref<10000x16xf32, #tpu.memory_space<hbm>> -> memref<10000x16xf32, #tpu.memory_space<hbm>>
      tpu.wait_indirect_dma semaphore(%arg17 : memref<!tpu.dma_semaphore, #tpu.memory_space<semaphore_mem>>) src(%dma_wait3A_724 : memref<10000x16xf32, #tpu.memory_space<hbm>>) dst(%dma_wait3A_718 : memref<80x16xf32, #tpu.memory_space<vmem>>)
      %dma_wait3A_725 = arith.constant 11 : i32
      %dma_wait3A_726 = arith.constant 880 : i32
      %dma_wait3A_727 = arith.constant 0 : i32
      %dma_wait3A_728 = tpu.memref_slice %arg10[%dma_wait3A_726, %dma_wait3A_727] : memref<2000x16xf32, #tpu.memory_space<vmem>> -> memref<80x16xf32, #tpu.memory_space<vmem>>
      %dma_wait3A_729 = arith.constant 0 : i32
      %dma_wait3A_730 = tpu.memref_slice %arg8[%dma_wait3A_725, %dma_wait3A_729] : memref<25x80xi32, #tpu.memory_space<vmem>> -> memref<1x80xi32, #tpu.memory_space<vmem>>
      %dma_wait3A_731 = tpu.memref_squeeze %dma_wait3A_730 : memref<1x80xi32, #tpu.memory_space<vmem>> -> memref<80xi32, #tpu.memory_space<vmem>>
      %dma_wait3A_732 = arith.constant 0 : i32
      %dma_wait3A_733 = arith.constant 0 : i32
      %dma_wait3A_734 = tpu.memref_slice %arg2[%dma_wait3A_732, %dma_wait3A_733] : memref<10000x16xf32, #tpu.memory_space<hbm>> -> memref<10000x16xf32, #tpu.memory_space<hbm>>
      tpu.wait_indirect_dma semaphore(%arg17 : memref<!tpu.dma_semaphore, #tpu.memory_space<semaphore_mem>>) src(%dma_wait3A_734 : memref<10000x16xf32, #tpu.memory_space<hbm>>) dst(%dma_wait3A_728 : memref<80x16xf32, #tpu.memory_space<vmem>>)
      %dma_wait3A_735 = arith.constant 11 : i32
      %dma_wait3A_736 = arith.constant 880 : i32
      %dma_wait3A_737 = arith.constant 0 : i32
      %dma_wait3A_738 = tpu.memref_slice %arg11[%dma_wait3A_736, %dma_wait3A_737] : memref<2000x16xf32, #tpu.memory_space<vmem>> -> memref<80x16xf32, #tpu.memory_space<vmem>>
      %dma_wait3A_739 = arith.constant 0 : i32
      %dma_wait3A_740 = tpu.memref_slice %arg9[%dma_wait3A_735, %dma_wait3A_739] : memref<25x80xi32, #tpu.memory_space<vmem>> -> memref<1x80xi32, #tpu.memory_space<vmem>>
      %dma_wait3A_741 = tpu.memref_squeeze %dma_wait3A_740 : memref<1x80xi32, #tpu.memory_space<vmem>> -> memref<80xi32, #tpu.memory_space<vmem>>
      %dma_wait3A_742 = arith.constant 0 : i32
      %dma_wait3A_743 = arith.constant 0 : i32
      %dma_wait3A_744 = tpu.memref_slice %arg3[%dma_wait3A_742, %dma_wait3A_743] : memref<10000x16xf32, #tpu.memory_space<hbm>> -> memref<10000x16xf32, #tpu.memory_space<hbm>>
      tpu.wait_indirect_dma semaphore(%arg17 : memref<!tpu.dma_semaphore, #tpu.memory_space<semaphore_mem>>) src(%dma_wait3A_744 : memref<10000x16xf32, #tpu.memory_space<hbm>>) dst(%dma_wait3A_738 : memref<80x16xf32, #tpu.memory_space<vmem>>)
      %dma_wait3A_745 = arith.constant 12 : i32
      %dma_wait3A_746 = arith.constant 960 : i32
      %dma_wait3A_747 = arith.constant 0 : i32
      %dma_wait3A_748 = tpu.memref_slice %arg10[%dma_wait3A_746, %dma_wait3A_747] : memref<2000x16xf32, #tpu.memory_space<vmem>> -> memref<80x16xf32, #tpu.memory_space<vmem>>
      %dma_wait3A_749 = arith.constant 0 : i32
      %dma_wait3A_750 = tpu.memref_slice %arg8[%dma_wait3A_745, %dma_wait3A_749] : memref<25x80xi32, #tpu.memory_space<vmem>> -> memref<1x80xi32, #tpu.memory_space<vmem>>
      %dma_wait3A_751 = tpu.memref_squeeze %dma_wait3A_750 : memref<1x80xi32, #tpu.memory_space<vmem>> -> memref<80xi32, #tpu.memory_space<vmem>>
      %dma_wait3A_752 = arith.constant 0 : i32
      %dma_wait3A_753 = arith.constant 0 : i32
      %dma_wait3A_754 = tpu.memref_slice %arg2[%dma_wait3A_752, %dma_wait3A_753] : memref<10000x16xf32, #tpu.memory_space<hbm>> -> memref<10000x16xf32, #tpu.memory_space<hbm>>
      tpu.wait_indirect_dma semaphore(%arg17 : memref<!tpu.dma_semaphore, #tpu.memory_space<semaphore_mem>>) src(%dma_wait3A_754 : memref<10000x16xf32, #tpu.memory_space<hbm>>) dst(%dma_wait3A_748 : memref<80x16xf32, #tpu.memory_space<vmem>>)
      %dma_wait3A_755 = arith.constant 12 : i32
      %dma_wait3A_756 = arith.constant 960 : i32
      %dma_wait3A_757 = arith.constant 0 : i32
      %dma_wait3A_758 = tpu.memref_slice %arg11[%dma_wait3A_756, %dma_wait3A_757] : memref<2000x16xf32, #tpu.memory_space<vmem>> -> memref<80x16xf32, #tpu.memory_space<vmem>>
      %dma_wait3A_759 = arith.constant 0 : i32
      %dma_wait3A_760 = tpu.memref_slice %arg9[%dma_wait3A_755, %dma_wait3A_759] : memref<25x80xi32, #tpu.memory_space<vmem>> -> memref<1x80xi32, #tpu.memory_space<vmem>>
      %dma_wait3A_761 = tpu.memref_squeeze %dma_wait3A_760 : memref<1x80xi32, #tpu.memory_space<vmem>> -> memref<80xi32, #tpu.memory_space<vmem>>
      %dma_wait3A_762 = arith.constant 0 : i32
      %dma_wait3A_763 = arith.constant 0 : i32
      %dma_wait3A_764 = tpu.memref_slice %arg3[%dma_wait3A_762, %dma_wait3A_763] : memref<10000x16xf32, #tpu.memory_space<hbm>> -> memref<10000x16xf32, #tpu.memory_space<hbm>>
      tpu.wait_indirect_dma semaphore(%arg17 : memref<!tpu.dma_semaphore, #tpu.memory_space<semaphore_mem>>) src(%dma_wait3A_764 : memref<10000x16xf32, #tpu.memory_space<hbm>>) dst(%dma_wait3A_758 : memref<80x16xf32, #tpu.memory_space<vmem>>)
      %dma_wait3A_765 = arith.constant 13 : i32
      %dma_wait3A_766 = arith.constant 1040 : i32
      %dma_wait3A_767 = arith.constant 0 : i32
      %dma_wait3A_768 = tpu.memref_slice %arg10[%dma_wait3A_766, %dma_wait3A_767] : memref<2000x16xf32, #tpu.memory_space<vmem>> -> memref<80x16xf32, #tpu.memory_space<vmem>>
      %dma_wait3A_769 = arith.constant 0 : i32
      %dma_wait3A_770 = tpu.memref_slice %arg8[%dma_wait3A_765, %dma_wait3A_769] : memref<25x80xi32, #tpu.memory_space<vmem>> -> memref<1x80xi32, #tpu.memory_space<vmem>>
      %dma_wait3A_771 = tpu.memref_squeeze %dma_wait3A_770 : memref<1x80xi32, #tpu.memory_space<vmem>> -> memref<80xi32, #tpu.memory_space<vmem>>
      %dma_wait3A_772 = arith.constant 0 : i32
      %dma_wait3A_773 = arith.constant 0 : i32
      %dma_wait3A_774 = tpu.memref_slice %arg2[%dma_wait3A_772, %dma_wait3A_773] : memref<10000x16xf32, #tpu.memory_space<hbm>> -> memref<10000x16xf32, #tpu.memory_space<hbm>>
      tpu.wait_indirect_dma semaphore(%arg17 : memref<!tpu.dma_semaphore, #tpu.memory_space<semaphore_mem>>) src(%dma_wait3A_774 : memref<10000x16xf32, #tpu.memory_space<hbm>>) dst(%dma_wait3A_768 : memref<80x16xf32, #tpu.memory_space<vmem>>)
      %dma_wait3A_775 = arith.constant 13 : i32
      %dma_wait3A_776 = arith.constant 1040 : i32
      %dma_wait3A_777 = arith.constant 0 : i32
      %dma_wait3A_778 = tpu.memref_slice %arg11[%dma_wait3A_776, %dma_wait3A_777] : memref<2000x16xf32, #tpu.memory_space<vmem>> -> memref<80x16xf32, #tpu.memory_space<vmem>>
      %dma_wait3A_779 = arith.constant 0 : i32
      %dma_wait3A_780 = tpu.memref_slice %arg9[%dma_wait3A_775, %dma_wait3A_779] : memref<25x80xi32, #tpu.memory_space<vmem>> -> memref<1x80xi32, #tpu.memory_space<vmem>>
      %dma_wait3A_781 = tpu.memref_squeeze %dma_wait3A_780 : memref<1x80xi32, #tpu.memory_space<vmem>> -> memref<80xi32, #tpu.memory_space<vmem>>
      %dma_wait3A_782 = arith.constant 0 : i32
      %dma_wait3A_783 = arith.constant 0 : i32
      %dma_wait3A_784 = tpu.memref_slice %arg3[%dma_wait3A_782, %dma_wait3A_783] : memref<10000x16xf32, #tpu.memory_space<hbm>> -> memref<10000x16xf32, #tpu.memory_space<hbm>>
      tpu.wait_indirect_dma semaphore(%arg17 : memref<!tpu.dma_semaphore, #tpu.memory_space<semaphore_mem>>) src(%dma_wait3A_784 : memref<10000x16xf32, #tpu.memory_space<hbm>>) dst(%dma_wait3A_778 : memref<80x16xf32, #tpu.memory_space<vmem>>)
      %dma_wait3A_785 = arith.constant 14 : i32
      %dma_wait3A_786 = arith.constant 1120 : i32
      %dma_wait3A_787 = arith.constant 0 : i32
      %dma_wait3A_788 = tpu.memref_slice %arg10[%dma_wait3A_786, %dma_wait3A_787] : memref<2000x16xf32, #tpu.memory_space<vmem>> -> memref<80x16xf32, #tpu.memory_space<vmem>>
      %dma_wait3A_789 = arith.constant 0 : i32
      %dma_wait3A_790 = tpu.memref_slice %arg8[%dma_wait3A_785, %dma_wait3A_789] : memref<25x80xi32, #tpu.memory_space<vmem>> -> memref<1x80xi32, #tpu.memory_space<vmem>>
      %dma_wait3A_791 = tpu.memref_squeeze %dma_wait3A_790 : memref<1x80xi32, #tpu.memory_space<vmem>> -> memref<80xi32, #tpu.memory_space<vmem>>
      %dma_wait3A_792 = arith.constant 0 : i32
      %dma_wait3A_793 = arith.constant 0 : i32
      %dma_wait3A_794 = tpu.memref_slice %arg2[%dma_wait3A_792, %dma_wait3A_793] : memref<10000x16xf32, #tpu.memory_space<hbm>> -> memref<10000x16xf32, #tpu.memory_space<hbm>>
      tpu.wait_indirect_dma semaphore(%arg17 : memref<!tpu.dma_semaphore, #tpu.memory_space<semaphore_mem>>) src(%dma_wait3A_794 : memref<10000x16xf32, #tpu.memory_space<hbm>>) dst(%dma_wait3A_788 : memref<80x16xf32, #tpu.memory_space<vmem>>)
      %dma_wait3A_795 = arith.constant 14 : i32
      %dma_wait3A_796 = arith.constant 1120 : i32
      %dma_wait3A_797 = arith.constant 0 : i32
      %dma_wait3A_798 = tpu.memref_slice %arg11[%dma_wait3A_796, %dma_wait3A_797] : memref<2000x16xf32, #tpu.memory_space<vmem>> -> memref<80x16xf32, #tpu.memory_space<vmem>>
      %dma_wait3A_799 = arith.constant 0 : i32
      %dma_wait3A_800 = tpu.memref_slice %arg9[%dma_wait3A_795, %dma_wait3A_799] : memref<25x80xi32, #tpu.memory_space<vmem>> -> memref<1x80xi32, #tpu.memory_space<vmem>>
      %dma_wait3A_801 = tpu.memref_squeeze %dma_wait3A_800 : memref<1x80xi32, #tpu.memory_space<vmem>> -> memref<80xi32, #tpu.memory_space<vmem>>
      %dma_wait3A_802 = arith.constant 0 : i32
      %dma_wait3A_803 = arith.constant 0 : i32
      %dma_wait3A_804 = tpu.memref_slice %arg3[%dma_wait3A_802, %dma_wait3A_803] : memref<10000x16xf32, #tpu.memory_space<hbm>> -> memref<10000x16xf32, #tpu.memory_space<hbm>>
      tpu.wait_indirect_dma semaphore(%arg17 : memref<!tpu.dma_semaphore, #tpu.memory_space<semaphore_mem>>) src(%dma_wait3A_804 : memref<10000x16xf32, #tpu.memory_space<hbm>>) dst(%dma_wait3A_798 : memref<80x16xf32, #tpu.memory_space<vmem>>)
      %dma_start3A_805 = arith.constant 20 : i32
      %dma_start3A_806 = arith.constant 1600 : i32
      %dma_start3A_807 = arith.constant 0 : i32
      %dma_start3A_808 = tpu.memref_slice %arg10[%dma_start3A_806, %dma_start3A_807] : memref<2000x16xf32, #tpu.memory_space<vmem>> -> memref<80x16xf32, #tpu.memory_space<vmem>>
      %dma_start3A_809 = arith.constant 0 : i32
      %dma_start3A_810 = tpu.memref_slice %arg8[%dma_start3A_805, %dma_start3A_809] : memref<25x80xi32, #tpu.memory_space<vmem>> -> memref<1x80xi32, #tpu.memory_space<vmem>>
      %dma_start3A_811 = tpu.memref_squeeze %dma_start3A_810 : memref<1x80xi32, #tpu.memory_space<vmem>> -> memref<80xi32, #tpu.memory_space<vmem>>
      %dma_start3A_812 = arith.constant 0 : i32
      %dma_start3A_813 = arith.constant 0 : i32
      %dma_start3A_814 = tpu.memref_slice %arg2[%dma_start3A_812, %dma_start3A_813] : memref<10000x16xf32, #tpu.memory_space<hbm>> -> memref<10000x16xf32, #tpu.memory_space<hbm>>
      tpu.enqueue_indirect_dma source(%dma_start3A_814 : memref<10000x16xf32, #tpu.memory_space<hbm>>) target(%dma_start3A_808 : memref<80x16xf32, #tpu.memory_space<vmem>>) offsets(%dma_start3A_811 : memref<80xi32, #tpu.memory_space<vmem>>) semaphore(%arg17 : memref<!tpu.dma_semaphore, #tpu.memory_space<semaphore_mem>>)
      %dma_start3A_815 = arith.constant 20 : i32
      %dma_start3A_816 = arith.constant 1600 : i32
      %dma_start3A_817 = arith.constant 0 : i32
      %dma_start3A_818 = tpu.memref_slice %arg11[%dma_start3A_816, %dma_start3A_817] : memref<2000x16xf32, #tpu.memory_space<vmem>> -> memref<80x16xf32, #tpu.memory_space<vmem>>
      %dma_start3A_819 = arith.constant 0 : i32
      %dma_start3A_820 = tpu.memref_slice %arg9[%dma_start3A_815, %dma_start3A_819] : memref<25x80xi32, #tpu.memory_space<vmem>> -> memref<1x80xi32, #tpu.memory_space<vmem>>
      %dma_start3A_821 = tpu.memref_squeeze %dma_start3A_820 : memref<1x80xi32, #tpu.memory_space<vmem>> -> memref<80xi32, #tpu.memory_space<vmem>>
      %dma_start3A_822 = arith.constant 0 : i32
      %dma_start3A_823 = arith.constant 0 : i32
      %dma_start3A_824 = tpu.memref_slice %arg3[%dma_start3A_822, %dma_start3A_823] : memref<10000x16xf32, #tpu.memory_space<hbm>> -> memref<10000x16xf32, #tpu.memory_space<hbm>>
      tpu.enqueue_indirect_dma source(%dma_start3A_824 : memref<10000x16xf32, #tpu.memory_space<hbm>>) target(%dma_start3A_818 : memref<80x16xf32, #tpu.memory_space<vmem>>) offsets(%dma_start3A_821 : memref<80xi32, #tpu.memory_space<vmem>>) semaphore(%arg17 : memref<!tpu.dma_semaphore, #tpu.memory_space<semaphore_mem>>)
      %dma_start3A_825 = arith.constant 21 : i32
      %dma_start3A_826 = arith.constant 1680 : i32
      %dma_start3A_827 = arith.constant 0 : i32
      %dma_start3A_828 = tpu.memref_slice %arg10[%dma_start3A_826, %dma_start3A_827] : memref<2000x16xf32, #tpu.memory_space<vmem>> -> memref<80x16xf32, #tpu.memory_space<vmem>>
      %dma_start3A_829 = arith.constant 0 : i32
      %dma_start3A_830 = tpu.memref_slice %arg8[%dma_start3A_825, %dma_start3A_829] : memref<25x80xi32, #tpu.memory_space<vmem>> -> memref<1x80xi32, #tpu.memory_space<vmem>>
      %dma_start3A_831 = tpu.memref_squeeze %dma_start3A_830 : memref<1x80xi32, #tpu.memory_space<vmem>> -> memref<80xi32, #tpu.memory_space<vmem>>
      %dma_start3A_832 = arith.constant 0 : i32
      %dma_start3A_833 = arith.constant 0 : i32
      %dma_start3A_834 = tpu.memref_slice %arg2[%dma_start3A_832, %dma_start3A_833] : memref<10000x16xf32, #tpu.memory_space<hbm>> -> memref<10000x16xf32, #tpu.memory_space<hbm>>
      tpu.enqueue_indirect_dma source(%dma_start3A_834 : memref<10000x16xf32, #tpu.memory_space<hbm>>) target(%dma_start3A_828 : memref<80x16xf32, #tpu.memory_space<vmem>>) offsets(%dma_start3A_831 : memref<80xi32, #tpu.memory_space<vmem>>) semaphore(%arg17 : memref<!tpu.dma_semaphore, #tpu.memory_space<semaphore_mem>>)
      %dma_start3A_835 = arith.constant 21 : i32
      %dma_start3A_836 = arith.constant 1680 : i32
      %dma_start3A_837 = arith.constant 0 : i32
      %dma_start3A_838 = tpu.memref_slice %arg11[%dma_start3A_836, %dma_start3A_837] : memref<2000x16xf32, #tpu.memory_space<vmem>> -> memref<80x16xf32, #tpu.memory_space<vmem>>
      %dma_start3A_839 = arith.constant 0 : i32
      %dma_start3A_840 = tpu.memref_slice %arg9[%dma_start3A_835, %dma_start3A_839] : memref<25x80xi32, #tpu.memory_space<vmem>> -> memref<1x80xi32, #tpu.memory_space<vmem>>
      %dma_start3A_841 = tpu.memref_squeeze %dma_start3A_840 : memref<1x80xi32, #tpu.memory_space<vmem>> -> memref<80xi32, #tpu.memory_space<vmem>>
      %dma_start3A_842 = arith.constant 0 : i32
      %dma_start3A_843 = arith.constant 0 : i32
      %dma_start3A_844 = tpu.memref_slice %arg3[%dma_start3A_842, %dma_start3A_843] : memref<10000x16xf32, #tpu.memory_space<hbm>> -> memref<10000x16xf32, #tpu.memory_space<hbm>>
      tpu.enqueue_indirect_dma source(%dma_start3A_844 : memref<10000x16xf32, #tpu.memory_space<hbm>>) target(%dma_start3A_838 : memref<80x16xf32, #tpu.memory_space<vmem>>) offsets(%dma_start3A_841 : memref<80xi32, #tpu.memory_space<vmem>>) semaphore(%arg17 : memref<!tpu.dma_semaphore, #tpu.memory_space<semaphore_mem>>)
      %dma_start3A_845 = arith.constant 22 : i32
      %dma_start3A_846 = arith.constant 1760 : i32
      %dma_start3A_847 = arith.constant 0 : i32
      %dma_start3A_848 = tpu.memref_slice %arg10[%dma_start3A_846, %dma_start3A_847] : memref<2000x16xf32, #tpu.memory_space<vmem>> -> memref<80x16xf32, #tpu.memory_space<vmem>>
      %dma_start3A_849 = arith.constant 0 : i32
      %dma_start3A_850 = tpu.memref_slice %arg8[%dma_start3A_845, %dma_start3A_849] : memref<25x80xi32, #tpu.memory_space<vmem>> -> memref<1x80xi32, #tpu.memory_space<vmem>>
      %dma_start3A_851 = tpu.memref_squeeze %dma_start3A_850 : memref<1x80xi32, #tpu.memory_space<vmem>> -> memref<80xi32, #tpu.memory_space<vmem>>
      %dma_start3A_852 = arith.constant 0 : i32
      %dma_start3A_853 = arith.constant 0 : i32
      %dma_start3A_854 = tpu.memref_slice %arg2[%dma_start3A_852, %dma_start3A_853] : memref<10000x16xf32, #tpu.memory_space<hbm>> -> memref<10000x16xf32, #tpu.memory_space<hbm>>
      tpu.enqueue_indirect_dma source(%dma_start3A_854 : memref<10000x16xf32, #tpu.memory_space<hbm>>) target(%dma_start3A_848 : memref<80x16xf32, #tpu.memory_space<vmem>>) offsets(%dma_start3A_851 : memref<80xi32, #tpu.memory_space<vmem>>) semaphore(%arg17 : memref<!tpu.dma_semaphore, #tpu.memory_space<semaphore_mem>>)
      %dma_start3A_855 = arith.constant 22 : i32
      %dma_start3A_856 = arith.constant 1760 : i32
      %dma_start3A_857 = arith.constant 0 : i32
      %dma_start3A_858 = tpu.memref_slice %arg11[%dma_start3A_856, %dma_start3A_857] : memref<2000x16xf32, #tpu.memory_space<vmem>> -> memref<80x16xf32, #tpu.memory_space<vmem>>
      %dma_start3A_859 = arith.constant 0 : i32
      %dma_start3A_860 = tpu.memref_slice %arg9[%dma_start3A_855, %dma_start3A_859] : memref<25x80xi32, #tpu.memory_space<vmem>> -> memref<1x80xi32, #tpu.memory_space<vmem>>
      %dma_start3A_861 = tpu.memref_squeeze %dma_start3A_860 : memref<1x80xi32, #tpu.memory_space<vmem>> -> memref<80xi32, #tpu.memory_space<vmem>>
      %dma_start3A_862 = arith.constant 0 : i32
      %dma_start3A_863 = arith.constant 0 : i32
      %dma_start3A_864 = tpu.memref_slice %arg3[%dma_start3A_862, %dma_start3A_863] : memref<10000x16xf32, #tpu.memory_space<hbm>> -> memref<10000x16xf32, #tpu.memory_space<hbm>>
      tpu.enqueue_indirect_dma source(%dma_start3A_864 : memref<10000x16xf32, #tpu.memory_space<hbm>>) target(%dma_start3A_858 : memref<80x16xf32, #tpu.memory_space<vmem>>) offsets(%dma_start3A_861 : memref<80xi32, #tpu.memory_space<vmem>>) semaphore(%arg17 : memref<!tpu.dma_semaphore, #tpu.memory_space<semaphore_mem>>)
      %dma_start3A_865 = arith.constant 23 : i32
      %dma_start3A_866 = arith.constant 1840 : i32
      %dma_start3A_867 = arith.constant 0 : i32
      %dma_start3A_868 = tpu.memref_slice %arg10[%dma_start3A_866, %dma_start3A_867] : memref<2000x16xf32, #tpu.memory_space<vmem>> -> memref<80x16xf32, #tpu.memory_space<vmem>>
      %dma_start3A_869 = arith.constant 0 : i32
      %dma_start3A_870 = tpu.memref_slice %arg8[%dma_start3A_865, %dma_start3A_869] : memref<25x80xi32, #tpu.memory_space<vmem>> -> memref<1x80xi32, #tpu.memory_space<vmem>>
      %dma_start3A_871 = tpu.memref_squeeze %dma_start3A_870 : memref<1x80xi32, #tpu.memory_space<vmem>> -> memref<80xi32, #tpu.memory_space<vmem>>
      %dma_start3A_872 = arith.constant 0 : i32
      %dma_start3A_873 = arith.constant 0 : i32
      %dma_start3A_874 = tpu.memref_slice %arg2[%dma_start3A_872, %dma_start3A_873] : memref<10000x16xf32, #tpu.memory_space<hbm>> -> memref<10000x16xf32, #tpu.memory_space<hbm>>
      tpu.enqueue_indirect_dma source(%dma_start3A_874 : memref<10000x16xf32, #tpu.memory_space<hbm>>) target(%dma_start3A_868 : memref<80x16xf32, #tpu.memory_space<vmem>>) offsets(%dma_start3A_871 : memref<80xi32, #tpu.memory_space<vmem>>) semaphore(%arg17 : memref<!tpu.dma_semaphore, #tpu.memory_space<semaphore_mem>>)
      %dma_start3A_875 = arith.constant 23 : i32
      %dma_start3A_876 = arith.constant 1840 : i32
      %dma_start3A_877 = arith.constant 0 : i32
      %dma_start3A_878 = tpu.memref_slice %arg11[%dma_start3A_876, %dma_start3A_877] : memref<2000x16xf32, #tpu.memory_space<vmem>> -> memref<80x16xf32, #tpu.memory_space<vmem>>
      %dma_start3A_879 = arith.constant 0 : i32
      %dma_start3A_880 = tpu.memref_slice %arg9[%dma_start3A_875, %dma_start3A_879] : memref<25x80xi32, #tpu.memory_space<vmem>> -> memref<1x80xi32, #tpu.memory_space<vmem>>
      %dma_start3A_881 = tpu.memref_squeeze %dma_start3A_880 : memref<1x80xi32, #tpu.memory_space<vmem>> -> memref<80xi32, #tpu.memory_space<vmem>>
      %dma_start3A_882 = arith.constant 0 : i32
      %dma_start3A_883 = arith.constant 0 : i32
      %dma_start3A_884 = tpu.memref_slice %arg3[%dma_start3A_882, %dma_start3A_883] : memref<10000x16xf32, #tpu.memory_space<hbm>> -> memref<10000x16xf32, #tpu.memory_space<hbm>>
      tpu.enqueue_indirect_dma source(%dma_start3A_884 : memref<10000x16xf32, #tpu.memory_space<hbm>>) target(%dma_start3A_878 : memref<80x16xf32, #tpu.memory_space<vmem>>) offsets(%dma_start3A_881 : memref<80xi32, #tpu.memory_space<vmem>>) semaphore(%arg17 : memref<!tpu.dma_semaphore, #tpu.memory_space<semaphore_mem>>)
      %dma_start3A_885 = arith.constant 24 : i32
      %dma_start3A_886 = arith.constant 1920 : i32
      %dma_start3A_887 = arith.constant 0 : i32
      %dma_start3A_888 = tpu.memref_slice %arg10[%dma_start3A_886, %dma_start3A_887] : memref<2000x16xf32, #tpu.memory_space<vmem>> -> memref<80x16xf32, #tpu.memory_space<vmem>>
      %dma_start3A_889 = arith.constant 0 : i32
      %dma_start3A_890 = tpu.memref_slice %arg8[%dma_start3A_885, %dma_start3A_889] : memref<25x80xi32, #tpu.memory_space<vmem>> -> memref<1x80xi32, #tpu.memory_space<vmem>>
      %dma_start3A_891 = tpu.memref_squeeze %dma_start3A_890 : memref<1x80xi32, #tpu.memory_space<vmem>> -> memref<80xi32, #tpu.memory_space<vmem>>
      %dma_start3A_892 = arith.constant 0 : i32
      %dma_start3A_893 = arith.constant 0 : i32
      %dma_start3A_894 = tpu.memref_slice %arg2[%dma_start3A_892, %dma_start3A_893] : memref<10000x16xf32, #tpu.memory_space<hbm>> -> memref<10000x16xf32, #tpu.memory_space<hbm>>
      tpu.enqueue_indirect_dma source(%dma_start3A_894 : memref<10000x16xf32, #tpu.memory_space<hbm>>) target(%dma_start3A_888 : memref<80x16xf32, #tpu.memory_space<vmem>>) offsets(%dma_start3A_891 : memref<80xi32, #tpu.memory_space<vmem>>) semaphore(%arg17 : memref<!tpu.dma_semaphore, #tpu.memory_space<semaphore_mem>>)
      %dma_start3A_895 = arith.constant 24 : i32
      %dma_start3A_896 = arith.constant 1920 : i32
      %dma_start3A_897 = arith.constant 0 : i32
      %dma_start3A_898 = tpu.memref_slice %arg11[%dma_start3A_896, %dma_start3A_897] : memref<2000x16xf32, #tpu.memory_space<vmem>> -> memref<80x16xf32, #tpu.memory_space<vmem>>
      %dma_start3A_899 = arith.constant 0 : i32
      %dma_start3A_900 = tpu.memref_slice %arg9[%dma_start3A_895, %dma_start3A_899] : memref<25x80xi32, #tpu.memory_space<vmem>> -> memref<1x80xi32, #tpu.memory_space<vmem>>
      %dma_start3A_901 = tpu.memref_squeeze %dma_start3A_900 : memref<1x80xi32, #tpu.memory_space<vmem>> -> memref<80xi32, #tpu.memory_space<vmem>>
      %dma_start3A_902 = arith.constant 0 : i32
      %dma_start3A_903 = arith.constant 0 : i32
      %dma_start3A_904 = tpu.memref_slice %arg3[%dma_start3A_902, %dma_start3A_903] : memref<10000x16xf32, #tpu.memory_space<hbm>> -> memref<10000x16xf32, #tpu.memory_space<hbm>>
      tpu.enqueue_indirect_dma source(%dma_start3A_904 : memref<10000x16xf32, #tpu.memory_space<hbm>>) target(%dma_start3A_898 : memref<80x16xf32, #tpu.memory_space<vmem>>) offsets(%dma_start3A_901 : memref<80xi32, #tpu.memory_space<vmem>>) semaphore(%arg17 : memref<!tpu.dma_semaphore, #tpu.memory_space<semaphore_mem>>)
      %dma_wait3A_905 = arith.constant 15 : i32
      %dma_wait3A_906 = arith.constant 1200 : i32
      %dma_wait3A_907 = arith.constant 0 : i32
      %dma_wait3A_908 = tpu.memref_slice %arg10[%dma_wait3A_906, %dma_wait3A_907] : memref<2000x16xf32, #tpu.memory_space<vmem>> -> memref<80x16xf32, #tpu.memory_space<vmem>>
      %dma_wait3A_909 = arith.constant 0 : i32
      %dma_wait3A_910 = tpu.memref_slice %arg8[%dma_wait3A_905, %dma_wait3A_909] : memref<25x80xi32, #tpu.memory_space<vmem>> -> memref<1x80xi32, #tpu.memory_space<vmem>>
      %dma_wait3A_911 = tpu.memref_squeeze %dma_wait3A_910 : memref<1x80xi32, #tpu.memory_space<vmem>> -> memref<80xi32, #tpu.memory_space<vmem>>
      %dma_wait3A_912 = arith.constant 0 : i32
      %dma_wait3A_913 = arith.constant 0 : i32
      %dma_wait3A_914 = tpu.memref_slice %arg2[%dma_wait3A_912, %dma_wait3A_913] : memref<10000x16xf32, #tpu.memory_space<hbm>> -> memref<10000x16xf32, #tpu.memory_space<hbm>>
      tpu.wait_indirect_dma semaphore(%arg18 : memref<!tpu.dma_semaphore, #tpu.memory_space<semaphore_mem>>) src(%dma_wait3A_914 : memref<10000x16xf32, #tpu.memory_space<hbm>>) dst(%dma_wait3A_908 : memref<80x16xf32, #tpu.memory_space<vmem>>)
      %dma_wait3A_915 = arith.constant 15 : i32
      %dma_wait3A_916 = arith.constant 1200 : i32
      %dma_wait3A_917 = arith.constant 0 : i32
      %dma_wait3A_918 = tpu.memref_slice %arg11[%dma_wait3A_916, %dma_wait3A_917] : memref<2000x16xf32, #tpu.memory_space<vmem>> -> memref<80x16xf32, #tpu.memory_space<vmem>>
      %dma_wait3A_919 = arith.constant 0 : i32
      %dma_wait3A_920 = tpu.memref_slice %arg9[%dma_wait3A_915, %dma_wait3A_919] : memref<25x80xi32, #tpu.memory_space<vmem>> -> memref<1x80xi32, #tpu.memory_space<vmem>>
      %dma_wait3A_921 = tpu.memref_squeeze %dma_wait3A_920 : memref<1x80xi32, #tpu.memory_space<vmem>> -> memref<80xi32, #tpu.memory_space<vmem>>
      %dma_wait3A_922 = arith.constant 0 : i32
      %dma_wait3A_923 = arith.constant 0 : i32
      %dma_wait3A_924 = tpu.memref_slice %arg3[%dma_wait3A_922, %dma_wait3A_923] : memref<10000x16xf32, #tpu.memory_space<hbm>> -> memref<10000x16xf32, #tpu.memory_space<hbm>>
      tpu.wait_indirect_dma semaphore(%arg18 : memref<!tpu.dma_semaphore, #tpu.memory_space<semaphore_mem>>) src(%dma_wait3A_924 : memref<10000x16xf32, #tpu.memory_space<hbm>>) dst(%dma_wait3A_918 : memref<80x16xf32, #tpu.memory_space<vmem>>)
      %dma_wait3A_925 = arith.constant 16 : i32
      %dma_wait3A_926 = arith.constant 1280 : i32
      %dma_wait3A_927 = arith.constant 0 : i32
      %dma_wait3A_928 = tpu.memref_slice %arg10[%dma_wait3A_926, %dma_wait3A_927] : memref<2000x16xf32, #tpu.memory_space<vmem>> -> memref<80x16xf32, #tpu.memory_space<vmem>>
      %dma_wait3A_929 = arith.constant 0 : i32
      %dma_wait3A_930 = tpu.memref_slice %arg8[%dma_wait3A_925, %dma_wait3A_929] : memref<25x80xi32, #tpu.memory_space<vmem>> -> memref<1x80xi32, #tpu.memory_space<vmem>>
      %dma_wait3A_931 = tpu.memref_squeeze %dma_wait3A_930 : memref<1x80xi32, #tpu.memory_space<vmem>> -> memref<80xi32, #tpu.memory_space<vmem>>
      %dma_wait3A_932 = arith.constant 0 : i32
      %dma_wait3A_933 = arith.constant 0 : i32
      %dma_wait3A_934 = tpu.memref_slice %arg2[%dma_wait3A_932, %dma_wait3A_933] : memref<10000x16xf32, #tpu.memory_space<hbm>> -> memref<10000x16xf32, #tpu.memory_space<hbm>>
      tpu.wait_indirect_dma semaphore(%arg18 : memref<!tpu.dma_semaphore, #tpu.memory_space<semaphore_mem>>) src(%dma_wait3A_934 : memref<10000x16xf32, #tpu.memory_space<hbm>>) dst(%dma_wait3A_928 : memref<80x16xf32, #tpu.memory_space<vmem>>)
      %dma_wait3A_935 = arith.constant 16 : i32
      %dma_wait3A_936 = arith.constant 1280 : i32
      %dma_wait3A_937 = arith.constant 0 : i32
      %dma_wait3A_938 = tpu.memref_slice %arg11[%dma_wait3A_936, %dma_wait3A_937] : memref<2000x16xf32, #tpu.memory_space<vmem>> -> memref<80x16xf32, #tpu.memory_space<vmem>>
      %dma_wait3A_939 = arith.constant 0 : i32
      %dma_wait3A_940 = tpu.memref_slice %arg9[%dma_wait3A_935, %dma_wait3A_939] : memref<25x80xi32, #tpu.memory_space<vmem>> -> memref<1x80xi32, #tpu.memory_space<vmem>>
      %dma_wait3A_941 = tpu.memref_squeeze %dma_wait3A_940 : memref<1x80xi32, #tpu.memory_space<vmem>> -> memref<80xi32, #tpu.memory_space<vmem>>
      %dma_wait3A_942 = arith.constant 0 : i32
      %dma_wait3A_943 = arith.constant 0 : i32
      %dma_wait3A_944 = tpu.memref_slice %arg3[%dma_wait3A_942, %dma_wait3A_943] : memref<10000x16xf32, #tpu.memory_space<hbm>> -> memref<10000x16xf32, #tpu.memory_space<hbm>>
      tpu.wait_indirect_dma semaphore(%arg18 : memref<!tpu.dma_semaphore, #tpu.memory_space<semaphore_mem>>) src(%dma_wait3A_944 : memref<10000x16xf32, #tpu.memory_space<hbm>>) dst(%dma_wait3A_938 : memref<80x16xf32, #tpu.memory_space<vmem>>)
      %dma_wait3A_945 = arith.constant 17 : i32
      %dma_wait3A_946 = arith.constant 1360 : i32
      %dma_wait3A_947 = arith.constant 0 : i32
      %dma_wait3A_948 = tpu.memref_slice %arg10[%dma_wait3A_946, %dma_wait3A_947] : memref<2000x16xf32, #tpu.memory_space<vmem>> -> memref<80x16xf32, #tpu.memory_space<vmem>>
      %dma_wait3A_949 = arith.constant 0 : i32
      %dma_wait3A_950 = tpu.memref_slice %arg8[%dma_wait3A_945, %dma_wait3A_949] : memref<25x80xi32, #tpu.memory_space<vmem>> -> memref<1x80xi32, #tpu.memory_space<vmem>>
      %dma_wait3A_951 = tpu.memref_squeeze %dma_wait3A_950 : memref<1x80xi32, #tpu.memory_space<vmem>> -> memref<80xi32, #tpu.memory_space<vmem>>
      %dma_wait3A_952 = arith.constant 0 : i32
      %dma_wait3A_953 = arith.constant 0 : i32
      %dma_wait3A_954 = tpu.memref_slice %arg2[%dma_wait3A_952, %dma_wait3A_953] : memref<10000x16xf32, #tpu.memory_space<hbm>> -> memref<10000x16xf32, #tpu.memory_space<hbm>>
      tpu.wait_indirect_dma semaphore(%arg18 : memref<!tpu.dma_semaphore, #tpu.memory_space<semaphore_mem>>) src(%dma_wait3A_954 : memref<10000x16xf32, #tpu.memory_space<hbm>>) dst(%dma_wait3A_948 : memref<80x16xf32, #tpu.memory_space<vmem>>)
      %dma_wait3A_955 = arith.constant 17 : i32
      %dma_wait3A_956 = arith.constant 1360 : i32
      %dma_wait3A_957 = arith.constant 0 : i32
      %dma_wait3A_958 = tpu.memref_slice %arg11[%dma_wait3A_956, %dma_wait3A_957] : memref<2000x16xf32, #tpu.memory_space<vmem>> -> memref<80x16xf32, #tpu.memory_space<vmem>>
      %dma_wait3A_959 = arith.constant 0 : i32
      %dma_wait3A_960 = tpu.memref_slice %arg9[%dma_wait3A_955, %dma_wait3A_959] : memref<25x80xi32, #tpu.memory_space<vmem>> -> memref<1x80xi32, #tpu.memory_space<vmem>>
      %dma_wait3A_961 = tpu.memref_squeeze %dma_wait3A_960 : memref<1x80xi32, #tpu.memory_space<vmem>> -> memref<80xi32, #tpu.memory_space<vmem>>
      %dma_wait3A_962 = arith.constant 0 : i32
      %dma_wait3A_963 = arith.constant 0 : i32
      %dma_wait3A_964 = tpu.memref_slice %arg3[%dma_wait3A_962, %dma_wait3A_963] : memref<10000x16xf32, #tpu.memory_space<hbm>> -> memref<10000x16xf32, #tpu.memory_space<hbm>>
      tpu.wait_indirect_dma semaphore(%arg18 : memref<!tpu.dma_semaphore, #tpu.memory_space<semaphore_mem>>) src(%dma_wait3A_964 : memref<10000x16xf32, #tpu.memory_space<hbm>>) dst(%dma_wait3A_958 : memref<80x16xf32, #tpu.memory_space<vmem>>)
      %dma_wait3A_965 = arith.constant 18 : i32
      %dma_wait3A_966 = arith.constant 1440 : i32
      %dma_wait3A_967 = arith.constant 0 : i32
      %dma_wait3A_968 = tpu.memref_slice %arg10[%dma_wait3A_966, %dma_wait3A_967] : memref<2000x16xf32, #tpu.memory_space<vmem>> -> memref<80x16xf32, #tpu.memory_space<vmem>>
      %dma_wait3A_969 = arith.constant 0 : i32
      %dma_wait3A_970 = tpu.memref_slice %arg8[%dma_wait3A_965, %dma_wait3A_969] : memref<25x80xi32, #tpu.memory_space<vmem>> -> memref<1x80xi32, #tpu.memory_space<vmem>>
      %dma_wait3A_971 = tpu.memref_squeeze %dma_wait3A_970 : memref<1x80xi32, #tpu.memory_space<vmem>> -> memref<80xi32, #tpu.memory_space<vmem>>
      %dma_wait3A_972 = arith.constant 0 : i32
      %dma_wait3A_973 = arith.constant 0 : i32
      %dma_wait3A_974 = tpu.memref_slice %arg2[%dma_wait3A_972, %dma_wait3A_973] : memref<10000x16xf32, #tpu.memory_space<hbm>> -> memref<10000x16xf32, #tpu.memory_space<hbm>>
      tpu.wait_indirect_dma semaphore(%arg18 : memref<!tpu.dma_semaphore, #tpu.memory_space<semaphore_mem>>) src(%dma_wait3A_974 : memref<10000x16xf32, #tpu.memory_space<hbm>>) dst(%dma_wait3A_968 : memref<80x16xf32, #tpu.memory_space<vmem>>)
      %dma_wait3A_975 = arith.constant 18 : i32
      %dma_wait3A_976 = arith.constant 1440 : i32
      %dma_wait3A_977 = arith.constant 0 : i32
      %dma_wait3A_978 = tpu.memref_slice %arg11[%dma_wait3A_976, %dma_wait3A_977] : memref<2000x16xf32, #tpu.memory_space<vmem>> -> memref<80x16xf32, #tpu.memory_space<vmem>>
      %dma_wait3A_979 = arith.constant 0 : i32
      %dma_wait3A_980 = tpu.memref_slice %arg9[%dma_wait3A_975, %dma_wait3A_979] : memref<25x80xi32, #tpu.memory_space<vmem>> -> memref<1x80xi32, #tpu.memory_space<vmem>>
      %dma_wait3A_981 = tpu.memref_squeeze %dma_wait3A_980 : memref<1x80xi32, #tpu.memory_space<vmem>> -> memref<80xi32, #tpu.memory_space<vmem>>
      %dma_wait3A_982 = arith.constant 0 : i32
      %dma_wait3A_983 = arith.constant 0 : i32
      %dma_wait3A_984 = tpu.memref_slice %arg3[%dma_wait3A_982, %dma_wait3A_983] : memref<10000x16xf32, #tpu.memory_space<hbm>> -> memref<10000x16xf32, #tpu.memory_space<hbm>>
      tpu.wait_indirect_dma semaphore(%arg18 : memref<!tpu.dma_semaphore, #tpu.memory_space<semaphore_mem>>) src(%dma_wait3A_984 : memref<10000x16xf32, #tpu.memory_space<hbm>>) dst(%dma_wait3A_978 : memref<80x16xf32, #tpu.memory_space<vmem>>)
      %dma_wait3A_985 = arith.constant 19 : i32
      %dma_wait3A_986 = arith.constant 1520 : i32
      %dma_wait3A_987 = arith.constant 0 : i32
      %dma_wait3A_988 = tpu.memref_slice %arg10[%dma_wait3A_986, %dma_wait3A_987] : memref<2000x16xf32, #tpu.memory_space<vmem>> -> memref<80x16xf32, #tpu.memory_space<vmem>>
      %dma_wait3A_989 = arith.constant 0 : i32
      %dma_wait3A_990 = tpu.memref_slice %arg8[%dma_wait3A_985, %dma_wait3A_989] : memref<25x80xi32, #tpu.memory_space<vmem>> -> memref<1x80xi32, #tpu.memory_space<vmem>>
      %dma_wait3A_991 = tpu.memref_squeeze %dma_wait3A_990 : memref<1x80xi32, #tpu.memory_space<vmem>> -> memref<80xi32, #tpu.memory_space<vmem>>
      %dma_wait3A_992 = arith.constant 0 : i32
      %dma_wait3A_993 = arith.constant 0 : i32
      %dma_wait3A_994 = tpu.memref_slice %arg2[%dma_wait3A_992, %dma_wait3A_993] : memref<10000x16xf32, #tpu.memory_space<hbm>> -> memref<10000x16xf32, #tpu.memory_space<hbm>>
      tpu.wait_indirect_dma semaphore(%arg18 : memref<!tpu.dma_semaphore, #tpu.memory_space<semaphore_mem>>) src(%dma_wait3A_994 : memref<10000x16xf32, #tpu.memory_space<hbm>>) dst(%dma_wait3A_988 : memref<80x16xf32, #tpu.memory_space<vmem>>)
      %dma_wait3A_995 = arith.constant 19 : i32
      %dma_wait3A_996 = arith.constant 1520 : i32
      %dma_wait3A_997 = arith.constant 0 : i32
      %dma_wait3A_998 = tpu.memref_slice %arg11[%dma_wait3A_996, %dma_wait3A_997] : memref<2000x16xf32, #tpu.memory_space<vmem>> -> memref<80x16xf32, #tpu.memory_space<vmem>>
      %dma_wait3A_999 = arith.constant 0 : i32
      %dma_wait3A_1000 = tpu.memref_slice %arg9[%dma_wait3A_995, %dma_wait3A_999] : memref<25x80xi32, #tpu.memory_space<vmem>> -> memref<1x80xi32, #tpu.memory_space<vmem>>
      %dma_wait3A_1001 = tpu.memref_squeeze %dma_wait3A_1000 : memref<1x80xi32, #tpu.memory_space<vmem>> -> memref<80xi32, #tpu.memory_space<vmem>>
      %dma_wait3A_1002 = arith.constant 0 : i32
      %dma_wait3A_1003 = arith.constant 0 : i32
      %dma_wait3A_1004 = tpu.memref_slice %arg3[%dma_wait3A_1002, %dma_wait3A_1003] : memref<10000x16xf32, #tpu.memory_space<hbm>> -> memref<10000x16xf32, #tpu.memory_space<hbm>>
      tpu.wait_indirect_dma semaphore(%arg18 : memref<!tpu.dma_semaphore, #tpu.memory_space<semaphore_mem>>) src(%dma_wait3A_1004 : memref<10000x16xf32, #tpu.memory_space<hbm>>) dst(%dma_wait3A_998 : memref<80x16xf32, #tpu.memory_space<vmem>>)
      %dma_wait3A_1005 = arith.constant 20 : i32
      %dma_wait3A_1006 = arith.constant 1600 : i32
      %dma_wait3A_1007 = arith.constant 0 : i32
      %dma_wait3A_1008 = tpu.memref_slice %arg10[%dma_wait3A_1006, %dma_wait3A_1007] : memref<2000x16xf32, #tpu.memory_space<vmem>> -> memref<80x16xf32, #tpu.memory_space<vmem>>
      %dma_wait3A_1009 = arith.constant 0 : i32
      %dma_wait3A_1010 = tpu.memref_slice %arg8[%dma_wait3A_1005, %dma_wait3A_1009] : memref<25x80xi32, #tpu.memory_space<vmem>> -> memref<1x80xi32, #tpu.memory_space<vmem>>
      %dma_wait3A_1011 = tpu.memref_squeeze %dma_wait3A_1010 : memref<1x80xi32, #tpu.memory_space<vmem>> -> memref<80xi32, #tpu.memory_space<vmem>>
      %dma_wait3A_1012 = arith.constant 0 : i32
      %dma_wait3A_1013 = arith.constant 0 : i32
      %dma_wait3A_1014 = tpu.memref_slice %arg2[%dma_wait3A_1012, %dma_wait3A_1013] : memref<10000x16xf32, #tpu.memory_space<hbm>> -> memref<10000x16xf32, #tpu.memory_space<hbm>>
      tpu.wait_indirect_dma semaphore(%arg17 : memref<!tpu.dma_semaphore, #tpu.memory_space<semaphore_mem>>) src(%dma_wait3A_1014 : memref<10000x16xf32, #tpu.memory_space<hbm>>) dst(%dma_wait3A_1008 : memref<80x16xf32, #tpu.memory_space<vmem>>)
      %dma_wait3A_1015 = arith.constant 20 : i32
      %dma_wait3A_1016 = arith.constant 1600 : i32
      %dma_wait3A_1017 = arith.constant 0 : i32
      %dma_wait3A_1018 = tpu.memref_slice %arg11[%dma_wait3A_1016, %dma_wait3A_1017] : memref<2000x16xf32, #tpu.memory_space<vmem>> -> memref<80x16xf32, #tpu.memory_space<vmem>>
      %dma_wait3A_1019 = arith.constant 0 : i32
      %dma_wait3A_1020 = tpu.memref_slice %arg9[%dma_wait3A_1015, %dma_wait3A_1019] : memref<25x80xi32, #tpu.memory_space<vmem>> -> memref<1x80xi32, #tpu.memory_space<vmem>>
      %dma_wait3A_1021 = tpu.memref_squeeze %dma_wait3A_1020 : memref<1x80xi32, #tpu.memory_space<vmem>> -> memref<80xi32, #tpu.memory_space<vmem>>
      %dma_wait3A_1022 = arith.constant 0 : i32
      %dma_wait3A_1023 = arith.constant 0 : i32
      %dma_wait3A_1024 = tpu.memref_slice %arg3[%dma_wait3A_1022, %dma_wait3A_1023] : memref<10000x16xf32, #tpu.memory_space<hbm>> -> memref<10000x16xf32, #tpu.memory_space<hbm>>
      tpu.wait_indirect_dma semaphore(%arg17 : memref<!tpu.dma_semaphore, #tpu.memory_space<semaphore_mem>>) src(%dma_wait3A_1024 : memref<10000x16xf32, #tpu.memory_space<hbm>>) dst(%dma_wait3A_1018 : memref<80x16xf32, #tpu.memory_space<vmem>>)
      %dma_wait3A_1025 = arith.constant 21 : i32
      %dma_wait3A_1026 = arith.constant 1680 : i32
      %dma_wait3A_1027 = arith.constant 0 : i32
      %dma_wait3A_1028 = tpu.memref_slice %arg10[%dma_wait3A_1026, %dma_wait3A_1027] : memref<2000x16xf32, #tpu.memory_space<vmem>> -> memref<80x16xf32, #tpu.memory_space<vmem>>
      %dma_wait3A_1029 = arith.constant 0 : i32
      %dma_wait3A_1030 = tpu.memref_slice %arg8[%dma_wait3A_1025, %dma_wait3A_1029] : memref<25x80xi32, #tpu.memory_space<vmem>> -> memref<1x80xi32, #tpu.memory_space<vmem>>
      %dma_wait3A_1031 = tpu.memref_squeeze %dma_wait3A_1030 : memref<1x80xi32, #tpu.memory_space<vmem>> -> memref<80xi32, #tpu.memory_space<vmem>>
      %dma_wait3A_1032 = arith.constant 0 : i32
      %dma_wait3A_1033 = arith.constant 0 : i32
      %dma_wait3A_1034 = tpu.memref_slice %arg2[%dma_wait3A_1032, %dma_wait3A_1033] : memref<10000x16xf32, #tpu.memory_space<hbm>> -> memref<10000x16xf32, #tpu.memory_space<hbm>>
      tpu.wait_indirect_dma semaphore(%arg17 : memref<!tpu.dma_semaphore, #tpu.memory_space<semaphore_mem>>) src(%dma_wait3A_1034 : memref<10000x16xf32, #tpu.memory_space<hbm>>) dst(%dma_wait3A_1028 : memref<80x16xf32, #tpu.memory_space<vmem>>)
      %dma_wait3A_1035 = arith.constant 21 : i32
      %dma_wait3A_1036 = arith.constant 1680 : i32
      %dma_wait3A_1037 = arith.constant 0 : i32
      %dma_wait3A_1038 = tpu.memref_slice %arg11[%dma_wait3A_1036, %dma_wait3A_1037] : memref<2000x16xf32, #tpu.memory_space<vmem>> -> memref<80x16xf32, #tpu.memory_space<vmem>>
      %dma_wait3A_1039 = arith.constant 0 : i32
      %dma_wait3A_1040 = tpu.memref_slice %arg9[%dma_wait3A_1035, %dma_wait3A_1039] : memref<25x80xi32, #tpu.memory_space<vmem>> -> memref<1x80xi32, #tpu.memory_space<vmem>>
      %dma_wait3A_1041 = tpu.memref_squeeze %dma_wait3A_1040 : memref<1x80xi32, #tpu.memory_space<vmem>> -> memref<80xi32, #tpu.memory_space<vmem>>
      %dma_wait3A_1042 = arith.constant 0 : i32
      %dma_wait3A_1043 = arith.constant 0 : i32
      %dma_wait3A_1044 = tpu.memref_slice %arg3[%dma_wait3A_1042, %dma_wait3A_1043] : memref<10000x16xf32, #tpu.memory_space<hbm>> -> memref<10000x16xf32, #tpu.memory_space<hbm>>
      tpu.wait_indirect_dma semaphore(%arg17 : memref<!tpu.dma_semaphore, #tpu.memory_space<semaphore_mem>>) src(%dma_wait3A_1044 : memref<10000x16xf32, #tpu.memory_space<hbm>>) dst(%dma_wait3A_1038 : memref<80x16xf32, #tpu.memory_space<vmem>>)
      %dma_wait3A_1045 = arith.constant 22 : i32
      %dma_wait3A_1046 = arith.constant 1760 : i32
      %dma_wait3A_1047 = arith.constant 0 : i32
      %dma_wait3A_1048 = tpu.memref_slice %arg10[%dma_wait3A_1046, %dma_wait3A_1047] : memref<2000x16xf32, #tpu.memory_space<vmem>> -> memref<80x16xf32, #tpu.memory_space<vmem>>
      %dma_wait3A_1049 = arith.constant 0 : i32
      %dma_wait3A_1050 = tpu.memref_slice %arg8[%dma_wait3A_1045, %dma_wait3A_1049] : memref<25x80xi32, #tpu.memory_space<vmem>> -> memref<1x80xi32, #tpu.memory_space<vmem>>
      %dma_wait3A_1051 = tpu.memref_squeeze %dma_wait3A_1050 : memref<1x80xi32, #tpu.memory_space<vmem>> -> memref<80xi32, #tpu.memory_space<vmem>>
      %dma_wait3A_1052 = arith.constant 0 : i32
      %dma_wait3A_1053 = arith.constant 0 : i32
      %dma_wait3A_1054 = tpu.memref_slice %arg2[%dma_wait3A_1052, %dma_wait3A_1053] : memref<10000x16xf32, #tpu.memory_space<hbm>> -> memref<10000x16xf32, #tpu.memory_space<hbm>>
      tpu.wait_indirect_dma semaphore(%arg17 : memref<!tpu.dma_semaphore, #tpu.memory_space<semaphore_mem>>) src(%dma_wait3A_1054 : memref<10000x16xf32, #tpu.memory_space<hbm>>) dst(%dma_wait3A_1048 : memref<80x16xf32, #tpu.memory_space<vmem>>)
      %dma_wait3A_1055 = arith.constant 22 : i32
      %dma_wait3A_1056 = arith.constant 1760 : i32
      %dma_wait3A_1057 = arith.constant 0 : i32
      %dma_wait3A_1058 = tpu.memref_slice %arg11[%dma_wait3A_1056, %dma_wait3A_1057] : memref<2000x16xf32, #tpu.memory_space<vmem>> -> memref<80x16xf32, #tpu.memory_space<vmem>>
      %dma_wait3A_1059 = arith.constant 0 : i32
      %dma_wait3A_1060 = tpu.memref_slice %arg9[%dma_wait3A_1055, %dma_wait3A_1059] : memref<25x80xi32, #tpu.memory_space<vmem>> -> memref<1x80xi32, #tpu.memory_space<vmem>>
      %dma_wait3A_1061 = tpu.memref_squeeze %dma_wait3A_1060 : memref<1x80xi32, #tpu.memory_space<vmem>> -> memref<80xi32, #tpu.memory_space<vmem>>
      %dma_wait3A_1062 = arith.constant 0 : i32
      %dma_wait3A_1063 = arith.constant 0 : i32
      %dma_wait3A_1064 = tpu.memref_slice %arg3[%dma_wait3A_1062, %dma_wait3A_1063] : memref<10000x16xf32, #tpu.memory_space<hbm>> -> memref<10000x16xf32, #tpu.memory_space<hbm>>
      tpu.wait_indirect_dma semaphore(%arg17 : memref<!tpu.dma_semaphore, #tpu.memory_space<semaphore_mem>>) src(%dma_wait3A_1064 : memref<10000x16xf32, #tpu.memory_space<hbm>>) dst(%dma_wait3A_1058 : memref<80x16xf32, #tpu.memory_space<vmem>>)
      %dma_wait3A_1065 = arith.constant 23 : i32
      %dma_wait3A_1066 = arith.constant 1840 : i32
      %dma_wait3A_1067 = arith.constant 0 : i32
      %dma_wait3A_1068 = tpu.memref_slice %arg10[%dma_wait3A_1066, %dma_wait3A_1067] : memref<2000x16xf32, #tpu.memory_space<vmem>> -> memref<80x16xf32, #tpu.memory_space<vmem>>
      %dma_wait3A_1069 = arith.constant 0 : i32
      %dma_wait3A_1070 = tpu.memref_slice %arg8[%dma_wait3A_1065, %dma_wait3A_1069] : memref<25x80xi32, #tpu.memory_space<vmem>> -> memref<1x80xi32, #tpu.memory_space<vmem>>
      %dma_wait3A_1071 = tpu.memref_squeeze %dma_wait3A_1070 : memref<1x80xi32, #tpu.memory_space<vmem>> -> memref<80xi32, #tpu.memory_space<vmem>>
      %dma_wait3A_1072 = arith.constant 0 : i32
      %dma_wait3A_1073 = arith.constant 0 : i32
      %dma_wait3A_1074 = tpu.memref_slice %arg2[%dma_wait3A_1072, %dma_wait3A_1073] : memref<10000x16xf32, #tpu.memory_space<hbm>> -> memref<10000x16xf32, #tpu.memory_space<hbm>>
      tpu.wait_indirect_dma semaphore(%arg17 : memref<!tpu.dma_semaphore, #tpu.memory_space<semaphore_mem>>) src(%dma_wait3A_1074 : memref<10000x16xf32, #tpu.memory_space<hbm>>) dst(%dma_wait3A_1068 : memref<80x16xf32, #tpu.memory_space<vmem>>)
      %dma_wait3A_1075 = arith.constant 23 : i32
      %dma_wait3A_1076 = arith.constant 1840 : i32
      %dma_wait3A_1077 = arith.constant 0 : i32
      %dma_wait3A_1078 = tpu.memref_slice %arg11[%dma_wait3A_1076, %dma_wait3A_1077] : memref<2000x16xf32, #tpu.memory_space<vmem>> -> memref<80x16xf32, #tpu.memory_space<vmem>>
      %dma_wait3A_1079 = arith.constant 0 : i32
      %dma_wait3A_1080 = tpu.memref_slice %arg9[%dma_wait3A_1075, %dma_wait3A_1079] : memref<25x80xi32, #tpu.memory_space<vmem>> -> memref<1x80xi32, #tpu.memory_space<vmem>>
      %dma_wait3A_1081 = tpu.memref_squeeze %dma_wait3A_1080 : memref<1x80xi32, #tpu.memory_space<vmem>> -> memref<80xi32, #tpu.memory_space<vmem>>
      %dma_wait3A_1082 = arith.constant 0 : i32
      %dma_wait3A_1083 = arith.constant 0 : i32
      %dma_wait3A_1084 = tpu.memref_slice %arg3[%dma_wait3A_1082, %dma_wait3A_1083] : memref<10000x16xf32, #tpu.memory_space<hbm>> -> memref<10000x16xf32, #tpu.memory_space<hbm>>
      tpu.wait_indirect_dma semaphore(%arg17 : memref<!tpu.dma_semaphore, #tpu.memory_space<semaphore_mem>>) src(%dma_wait3A_1084 : memref<10000x16xf32, #tpu.memory_space<hbm>>) dst(%dma_wait3A_1078 : memref<80x16xf32, #tpu.memory_space<vmem>>)
      %dma_wait3A_1085 = arith.constant 24 : i32
      %dma_wait3A_1086 = arith.constant 1920 : i32
      %dma_wait3A_1087 = arith.constant 0 : i32
      %dma_wait3A_1088 = tpu.memref_slice %arg10[%dma_wait3A_1086, %dma_wait3A_1087] : memref<2000x16xf32, #tpu.memory_space<vmem>> -> memref<80x16xf32, #tpu.memory_space<vmem>>
      %dma_wait3A_1089 = arith.constant 0 : i32
      %dma_wait3A_1090 = tpu.memref_slice %arg8[%dma_wait3A_1085, %dma_wait3A_1089] : memref<25x80xi32, #tpu.memory_space<vmem>> -> memref<1x80xi32, #tpu.memory_space<vmem>>
      %dma_wait3A_1091 = tpu.memref_squeeze %dma_wait3A_1090 : memref<1x80xi32, #tpu.memory_space<vmem>> -> memref<80xi32, #tpu.memory_space<vmem>>
      %dma_wait3A_1092 = arith.constant 0 : i32
      %dma_wait3A_1093 = arith.constant 0 : i32
      %dma_wait3A_1094 = tpu.memref_slice %arg2[%dma_wait3A_1092, %dma_wait3A_1093] : memref<10000x16xf32, #tpu.memory_space<hbm>> -> memref<10000x16xf32, #tpu.memory_space<hbm>>
      tpu.wait_indirect_dma semaphore(%arg17 : memref<!tpu.dma_semaphore, #tpu.memory_space<semaphore_mem>>) src(%dma_wait3A_1094 : memref<10000x16xf32, #tpu.memory_space<hbm>>) dst(%dma_wait3A_1088 : memref<80x16xf32, #tpu.memory_space<vmem>>)
      %dma_wait3A_1095 = arith.constant 24 : i32
      %dma_wait3A_1096 = arith.constant 1920 : i32
      %dma_wait3A_1097 = arith.constant 0 : i32
      %dma_wait3A_1098 = tpu.memref_slice %arg11[%dma_wait3A_1096, %dma_wait3A_1097] : memref<2000x16xf32, #tpu.memory_space<vmem>> -> memref<80x16xf32, #tpu.memory_space<vmem>>
      %dma_wait3A_1099 = arith.constant 0 : i32
      %dma_wait3A_1100 = tpu.memref_slice %arg9[%dma_wait3A_1095, %dma_wait3A_1099] : memref<25x80xi32, #tpu.memory_space<vmem>> -> memref<1x80xi32, #tpu.memory_space<vmem>>
      %dma_wait3A_1101 = tpu.memref_squeeze %dma_wait3A_1100 : memref<1x80xi32, #tpu.memory_space<vmem>> -> memref<80xi32, #tpu.memory_space<vmem>>
      %dma_wait3A_1102 = arith.constant 0 : i32
      %dma_wait3A_1103 = arith.constant 0 : i32
      %dma_wait3A_1104 = tpu.memref_slice %arg3[%dma_wait3A_1102, %dma_wait3A_1103] : memref<10000x16xf32, #tpu.memory_space<hbm>> -> memref<10000x16xf32, #tpu.memory_space<hbm>>
      tpu.wait_indirect_dma semaphore(%arg17 : memref<!tpu.dma_semaphore, #tpu.memory_space<semaphore_mem>>) src(%dma_wait3A_1104 : memref<10000x16xf32, #tpu.memory_space<hbm>>) dst(%dma_wait3A_1098 : memref<80x16xf32, #tpu.memory_space<vmem>>)
      %scan3A_1105 = arith.constant 0 : i32
      %scan3A_1106 = arith.constant 250 : i32
      %scan3A_1107 = arith.addi %scan3A_1105, %scan3A_1106 : i32
      %scan3A_1108 = arith.constant 1 : i32
      scf.for %scan3A_1126 = %scan3A_1105 to %scan3A_1107 step %scan3A_1108  : i32 {
        %mul3A_1127 = arith.constant 4 : i32
        %mul3A_1128 = arith.muli %scan3A_1126, %mul3A_1127 : i32
        %add3A_1129 = arith.constant 0 : i32
        %add3A_1130 = arith.addi %add3A_1129, %mul3A_1128 : i32
        %add3A_1131 = arith.constant 0 : i32
        %add3A_1132 = arith.addi %add3A_1130, %add3A_1131 : i32
        %add3A_1133 = arith.constant 0 : i32
        %add3A_1134 = arith.addi %add3A_1133, %add3A_1132 : i32
        %broadcast_in_dim3A = vector.broadcast %add3A_1132 : i32 to vector<16xi32>
        %gather3A = tpu.vector_load_idx %arg12[%iota3A, %broadcast_in_dim3A] : memref<16x1000xf32, #tpu.memory_space<vmem>>[vector<16xi32>, vector<16xi32>], vector<16xf32>,
        %get3A = arith.index_cast %add3A_1134 : i32 to index
        %get3A_1135 = arith.constant 0 : index
        %get3A_1136 = tpu.vector_load %arg10[%get3A, %get3A_1135] {strides = array<i32>} : memref<2000x16xf32, #tpu.memory_space<vmem>>, vector<16xf32>,
        %get3A_1137 = arith.index_cast %add3A_1134 : i32 to index
        %get3A_1138 = arith.constant 0 : index
        %get3A_1139 = tpu.vector_load %arg11[%get3A_1137, %get3A_1138] {strides = array<i32>} : memref<2000x16xf32, #tpu.memory_space<vmem>>, vector<16xf32>,
        %add3A_1140 = arith.addf %get3A_1136, %get3A_1139 : vector<16xf32>
        %add3A_1141 = arith.addf %add3A_1140, %gather3A : vector<16xf32>
        %max3A = arith.constant 0.000000e+00 : f32
        %max3A_1142 = vector.broadcast %max3A : f32 to vector<16xf32>
        %max3A_1143 = arith.maximumf %add3A_1141, %max3A_1142 : vector<16xf32>
        %swap3A = arith.index_cast %add3A_1134 : i32 to index
        %swap3A_1144 = arith.constant 0 : index
        %swap3A_1145 = tpu.vector_load %arg10[%swap3A, %swap3A_1144] {strides = array<i32>} : memref<2000x16xf32, #tpu.memory_space<vmem>>, vector<16xf32>,
        tpu.vector_store %arg10[%swap3A, %swap3A_1144], %max3A_1143 {strides = array<i32>} : memref<2000x16xf32, #tpu.memory_space<vmem>>, vector<16xf32>,
        tpu.vector_store_idx %arg13[%iota3A, %broadcast_in_dim3A], %max3A_1143 : memref<16x1000xf32, #tpu.memory_space<vmem>>[vector<16xi32>, vector<16xi32>], vector<16xf32>,
        %add3A_1146 = arith.constant 1 : i32
        %add3A_1147 = arith.addi %add3A_1130, %add3A_1146 : i32
        %add3A_1148 = arith.constant 0 : i32
        %add3A_1149 = arith.addi %add3A_1148, %add3A_1147 : i32
        %broadcast_in_dim3A_1150 = vector.broadcast %add3A_1147 : i32 to vector<16xi32>
        %gather3A_1151 = tpu.vector_load_idx %arg12[%iota3A, %broadcast_in_dim3A_1150] : memref<16x1000xf32, #tpu.memory_space<vmem>>[vector<16xi32>, vector<16xi32>], vector<16xf32>,
        %get3A_1152 = arith.index_cast %add3A_1149 : i32 to index
        %get3A_1153 = arith.constant 0 : index
        %get3A_1154 = tpu.vector_load %arg10[%get3A_1152, %get3A_1153] {strides = array<i32>} : memref<2000x16xf32, #tpu.memory_space<vmem>>, vector<16xf32>,
        %get3A_1155 = arith.index_cast %add3A_1149 : i32 to index
        %get3A_1156 = arith.constant 0 : index
        %get3A_1157 = tpu.vector_load %arg11[%get3A_1155, %get3A_1156] {strides = array<i32>} : memref<2000x16xf32, #tpu.memory_space<vmem>>, vector<16xf32>,
        %add3A_1158 = arith.addf %get3A_1154, %get3A_1157 : vector<16xf32>
        %add3A_1159 = arith.addf %add3A_1158, %gather3A_1151 : vector<16xf32>
        %max3A_1160 = arith.constant 0.000000e+00 : f32
        %max3A_1161 = vector.broadcast %max3A_1160 : f32 to vector<16xf32>
        %max3A_1162 = arith.maximumf %add3A_1159, %max3A_1161 : vector<16xf32>
        %swap3A_1163 = arith.index_cast %add3A_1149 : i32 to index
        %swap3A_1164 = arith.constant 0 : index
        %swap3A_1165 = tpu.vector_load %arg10[%swap3A_1163, %swap3A_1164] {strides = array<i32>} : memref<2000x16xf32, #tpu.memory_space<vmem>>, vector<16xf32>,
        tpu.vector_store %arg10[%swap3A_1163, %swap3A_1164], %max3A_1162 {strides = array<i32>} : memref<2000x16xf32, #tpu.memory_space<vmem>>, vector<16xf32>,
        tpu.vector_store_idx %arg13[%iota3A, %broadcast_in_dim3A_1150], %max3A_1162 : memref<16x1000xf32, #tpu.memory_space<vmem>>[vector<16xi32>, vector<16xi32>], vector<16xf32>,
        %add3A_1166 = arith.constant 2 : i32
        %add3A_1167 = arith.addi %add3A_1130, %add3A_1166 : i32
        %add3A_1168 = arith.constant 0 : i32
        %add3A_1169 = arith.addi %add3A_1168, %add3A_1167 : i32
        %broadcast_in_dim3A_1170 = vector.broadcast %add3A_1167 : i32 to vector<16xi32>
        %gather3A_1171 = tpu.vector_load_idx %arg12[%iota3A, %broadcast_in_dim3A_1170] : memref<16x1000xf32, #tpu.memory_space<vmem>>[vector<16xi32>, vector<16xi32>], vector<16xf32>,
        %get3A_1172 = arith.index_cast %add3A_1169 : i32 to index
        %get3A_1173 = arith.constant 0 : index
        %get3A_1174 = tpu.vector_load %arg10[%get3A_1172, %get3A_1173] {strides = array<i32>} : memref<2000x16xf32, #tpu.memory_space<vmem>>, vector<16xf32>,
        %get3A_1175 = arith.index_cast %add3A_1169 : i32 to index
        %get3A_1176 = arith.constant 0 : index
        %get3A_1177 = tpu.vector_load %arg11[%get3A_1175, %get3A_1176] {strides = array<i32>} : memref<2000x16xf32, #tpu.memory_space<vmem>>, vector<16xf32>,
        %add3A_1178 = arith.addf %get3A_1174, %get3A_1177 : vector<16xf32>
        %add3A_1179 = arith.addf %add3A_1178, %gather3A_1171 : vector<16xf32>
        %max3A_1180 = arith.constant 0.000000e+00 : f32
        %max3A_1181 = vector.broadcast %max3A_1180 : f32 to vector<16xf32>
        %max3A_1182 = arith.maximumf %add3A_1179, %max3A_1181 : vector<16xf32>
        %swap3A_1183 = arith.index_cast %add3A_1169 : i32 to index
        %swap3A_1184 = arith.constant 0 : index
        %swap3A_1185 = tpu.vector_load %arg10[%swap3A_1183, %swap3A_1184] {strides = array<i32>} : memref<2000x16xf32, #tpu.memory_space<vmem>>, vector<16xf32>,
        tpu.vector_store %arg10[%swap3A_1183, %swap3A_1184], %max3A_1182 {strides = array<i32>} : memref<2000x16xf32, #tpu.memory_space<vmem>>, vector<16xf32>,
        tpu.vector_store_idx %arg13[%iota3A, %broadcast_in_dim3A_1170], %max3A_1182 : memref<16x1000xf32, #tpu.memory_space<vmem>>[vector<16xi32>, vector<16xi32>], vector<16xf32>,
        %add3A_1186 = arith.constant 3 : i32
        %add3A_1187 = arith.addi %add3A_1130, %add3A_1186 : i32
        %add3A_1188 = arith.constant 0 : i32
        %add3A_1189 = arith.addi %add3A_1188, %add3A_1187 : i32
        %broadcast_in_dim3A_1190 = vector.broadcast %add3A_1187 : i32 to vector<16xi32>
        %gather3A_1191 = tpu.vector_load_idx %arg12[%iota3A, %broadcast_in_dim3A_1190] : memref<16x1000xf32, #tpu.memory_space<vmem>>[vector<16xi32>, vector<16xi32>], vector<16xf32>,
        %get3A_1192 = arith.index_cast %add3A_1189 : i32 to index
        %get3A_1193 = arith.constant 0 : index
        %get3A_1194 = tpu.vector_load %arg10[%get3A_1192, %get3A_1193] {strides = array<i32>} : memref<2000x16xf32, #tpu.memory_space<vmem>>, vector<16xf32>,
        %get3A_1195 = arith.index_cast %add3A_1189 : i32 to index
        %get3A_1196 = arith.constant 0 : index
        %get3A_1197 = tpu.vector_load %arg11[%get3A_1195, %get3A_1196] {strides = array<i32>} : memref<2000x16xf32, #tpu.memory_space<vmem>>, vector<16xf32>,
        %add3A_1198 = arith.addf %get3A_1194, %get3A_1197 : vector<16xf32>
        %add3A_1199 = arith.addf %add3A_1198, %gather3A_1191 : vector<16xf32>
        %max3A_1200 = arith.constant 0.000000e+00 : f32
        %max3A_1201 = vector.broadcast %max3A_1200 : f32 to vector<16xf32>
        %max3A_1202 = arith.maximumf %add3A_1199, %max3A_1201 : vector<16xf32>
        %swap3A_1203 = arith.index_cast %add3A_1189 : i32 to index
        %swap3A_1204 = arith.constant 0 : index
        %swap3A_1205 = tpu.vector_load %arg10[%swap3A_1203, %swap3A_1204] {strides = array<i32>} : memref<2000x16xf32, #tpu.memory_space<vmem>>, vector<16xf32>,
        tpu.vector_store %arg10[%swap3A_1203, %swap3A_1204], %max3A_1202 {strides = array<i32>} : memref<2000x16xf32, #tpu.memory_space<vmem>>, vector<16xf32>,
        tpu.vector_store_idx %arg13[%iota3A, %broadcast_in_dim3A_1190], %max3A_1202 : memref<16x1000xf32, #tpu.memory_space<vmem>>[vector<16xi32>, vector<16xi32>], vector<16xf32>,
      }
      %scan3A_1109 = arith.constant 250 : i32
      %add3A_1110 = arith.constant 0 : i32
      %add3A_1111 = arith.addi %add3A_30, %add3A_1110 : i32
      "tpu.region"() ({
        %run_scoped3A = tpu.sem_alloc : memref<!tpu.dma_semaphore, #tpu.memory_space<semaphore_mem>>
        %dma_start3A_1126 = arith.constant 0 : i32
        %dma_start3A_1127 = tpu.memref_slice %arg6[%dma_start3A_1126, %add3A_1111] : memref<16x320000xf32, #tpu.memory_space<hbm>> -> memref<16x1000xf32, #tpu.memory_space<hbm>>
        %dma_start3A_1128 = arith.constant 0 : i32
        %dma_start3A_1129 = tpu.memref_slice %arg6[%dma_start3A_1128, %add3A_1111] : memref<16x320000xf32, #tpu.memory_space<hbm>> -> memref<16x1000xf32, #tpu.memory_space<hbm>>
        tpu.enqueue_dma source(%arg13 : memref<16x1000xf32, #tpu.memory_space<vmem>>) target(%dma_start3A_1129 : memref<16x1000xf32, #tpu.memory_space<hbm>>) target_semaphore(%run_scoped3A : memref<!tpu.dma_semaphore, #tpu.memory_space<semaphore_mem>>)
        %dma_wait3A_1130 = arith.constant 0 : i32
        %dma_wait3A_1131 = tpu.memref_slice %arg6[%dma_wait3A_1130, %add3A_1111] : memref<16x320000xf32, #tpu.memory_space<hbm>> -> memref<16x1000xf32, #tpu.memory_space<hbm>>
        %dma_wait3A_1132 = arith.constant 0 : i32
        %dma_wait3A_1133 = tpu.memref_slice %arg6[%dma_wait3A_1132, %add3A_1111] : memref<16x320000xf32, #tpu.memory_space<hbm>> -> memref<16x1000xf32, #tpu.memory_space<hbm>>
        tpu.wait_dma2 semaphore(%run_scoped3A : memref<!tpu.dma_semaphore, #tpu.memory_space<semaphore_mem>>) src(%arg13 : memref<16x1000xf32, #tpu.memory_space<vmem>>) dst(%dma_wait3A_1133 : memref<16x1000xf32, #tpu.memory_space<hbm>>)
        tpu.yield
      }) : () -> ()
      %add3A_1112 = arith.constant 1000 : i32
      %add3A_1113 = arith.addi %add3A_30, %add3A_1112 : i32
      "tpu.region"() ({
        %run_scoped3A = tpu.sem_alloc : memref<!tpu.dma_semaphore, #tpu.memory_space<semaphore_mem>>
        %dma_start3A_1126 = arith.constant 0 : i32
        %dma_start3A_1127 = tpu.memref_slice %arg5[%dma_start3A_1126, %add3A_1113] : memref<16x320000xf32, #tpu.memory_space<hbm>> -> memref<16x1000xf32, #tpu.memory_space<hbm>>
        %dma_start3A_1128 = arith.constant 0 : i32
        %dma_start3A_1129 = tpu.memref_slice %arg5[%dma_start3A_1128, %add3A_1113] : memref<16x320000xf32, #tpu.memory_space<hbm>> -> memref<16x1000xf32, #tpu.memory_space<hbm>>
        tpu.enqueue_dma source(%dma_start3A_1129 : memref<16x1000xf32, #tpu.memory_space<hbm>>) target(%arg12 : memref<16x1000xf32, #tpu.memory_space<vmem>>) target_semaphore(%run_scoped3A : memref<!tpu.dma_semaphore, #tpu.memory_space<semaphore_mem>>)
        %dma_wait3A_1130 = arith.constant 0 : i32
        %dma_wait3A_1131 = tpu.memref_slice %arg5[%dma_wait3A_1130, %add3A_1113] : memref<16x320000xf32, #tpu.memory_space<hbm>> -> memref<16x1000xf32, #tpu.memory_space<hbm>>
        %dma_wait3A_1132 = arith.constant 0 : i32
        %dma_wait3A_1133 = tpu.memref_slice %arg5[%dma_wait3A_1132, %add3A_1113] : memref<16x320000xf32, #tpu.memory_space<hbm>> -> memref<16x1000xf32, #tpu.memory_space<hbm>>
        tpu.wait_dma2 semaphore(%run_scoped3A : memref<!tpu.dma_semaphore, #tpu.memory_space<semaphore_mem>>) src(%dma_wait3A_1133 : memref<16x1000xf32, #tpu.memory_space<hbm>>) dst(%arg12 : memref<16x1000xf32, #tpu.memory_space<vmem>>)
        tpu.yield
      }) : () -> ()
      %scan3A_1114 = arith.constant 0 : i32
      %scan3A_1115 = arith.constant 250 : i32
      %scan3A_1116 = arith.addi %scan3A_1114, %scan3A_1115 : i32
      %scan3A_1117 = arith.constant 1 : i32
      scf.for %scan3A_1126 = %scan3A_1114 to %scan3A_1116 step %scan3A_1117  : i32 {
        %mul3A_1127 = arith.constant 4 : i32
        %mul3A_1128 = arith.muli %scan3A_1126, %mul3A_1127 : i32
        %add3A_1129 = arith.constant 0 : i32
        %add3A_1130 = arith.addi %add3A_1129, %mul3A_1128 : i32
        %add3A_1131 = arith.constant 0 : i32
        %add3A_1132 = arith.addi %add3A_1130, %add3A_1131 : i32
        %add3A_1133 = arith.constant 1000 : i32
        %add3A_1134 = arith.addi %add3A_1133, %add3A_1132 : i32
        %broadcast_in_dim3A = vector.broadcast %add3A_1132 : i32 to vector<16xi32>
        %gather3A = tpu.vector_load_idx %arg12[%iota3A, %broadcast_in_dim3A] : memref<16x1000xf32, #tpu.memory_space<vmem>>[vector<16xi32>, vector<16xi32>], vector<16xf32>,
        %get3A = arith.index_cast %add3A_1134 : i32 to index
        %get3A_1135 = arith.constant 0 : index
        %get3A_1136 = tpu.vector_load %arg10[%get3A, %get3A_1135] {strides = array<i32>} : memref<2000x16xf32, #tpu.memory_space<vmem>>, vector<16xf32>,
        %get3A_1137 = arith.index_cast %add3A_1134 : i32 to index
        %get3A_1138 = arith.constant 0 : index
        %get3A_1139 = tpu.vector_load %arg11[%get3A_1137, %get3A_1138] {strides = array<i32>} : memref<2000x16xf32, #tpu.memory_space<vmem>>, vector<16xf32>,
        %add3A_1140 = arith.addf %get3A_1136, %get3A_1139 : vector<16xf32>
        %add3A_1141 = arith.addf %add3A_1140, %gather3A : vector<16xf32>
        %max3A = arith.constant 0.000000e+00 : f32
        %max3A_1142 = vector.broadcast %max3A : f32 to vector<16xf32>
        %max3A_1143 = arith.maximumf %add3A_1141, %max3A_1142 : vector<16xf32>
        %swap3A = arith.index_cast %add3A_1134 : i32 to index
        %swap3A_1144 = arith.constant 0 : index
        %swap3A_1145 = tpu.vector_load %arg10[%swap3A, %swap3A_1144] {strides = array<i32>} : memref<2000x16xf32, #tpu.memory_space<vmem>>, vector<16xf32>,
        tpu.vector_store %arg10[%swap3A, %swap3A_1144], %max3A_1143 {strides = array<i32>} : memref<2000x16xf32, #tpu.memory_space<vmem>>, vector<16xf32>,
        tpu.vector_store_idx %arg13[%iota3A, %broadcast_in_dim3A], %max3A_1143 : memref<16x1000xf32, #tpu.memory_space<vmem>>[vector<16xi32>, vector<16xi32>], vector<16xf32>,
        %add3A_1146 = arith.constant 1 : i32
        %add3A_1147 = arith.addi %add3A_1130, %add3A_1146 : i32
        %add3A_1148 = arith.constant 1000 : i32
        %add3A_1149 = arith.addi %add3A_1148, %add3A_1147 : i32
        %broadcast_in_dim3A_1150 = vector.broadcast %add3A_1147 : i32 to vector<16xi32>
        %gather3A_1151 = tpu.vector_load_idx %arg12[%iota3A, %broadcast_in_dim3A_1150] : memref<16x1000xf32, #tpu.memory_space<vmem>>[vector<16xi32>, vector<16xi32>], vector<16xf32>,
        %get3A_1152 = arith.index_cast %add3A_1149 : i32 to index
        %get3A_1153 = arith.constant 0 : index
        %get3A_1154 = tpu.vector_load %arg10[%get3A_1152, %get3A_1153] {strides = array<i32>} : memref<2000x16xf32, #tpu.memory_space<vmem>>, vector<16xf32>,
        %get3A_1155 = arith.index_cast %add3A_1149 : i32 to index
        %get3A_1156 = arith.constant 0 : index
        %get3A_1157 = tpu.vector_load %arg11[%get3A_1155, %get3A_1156] {strides = array<i32>} : memref<2000x16xf32, #tpu.memory_space<vmem>>, vector<16xf32>,
        %add3A_1158 = arith.addf %get3A_1154, %get3A_1157 : vector<16xf32>
        %add3A_1159 = arith.addf %add3A_1158, %gather3A_1151 : vector<16xf32>
        %max3A_1160 = arith.constant 0.000000e+00 : f32
        %max3A_1161 = vector.broadcast %max3A_1160 : f32 to vector<16xf32>
        %max3A_1162 = arith.maximumf %add3A_1159, %max3A_1161 : vector<16xf32>
        %swap3A_1163 = arith.index_cast %add3A_1149 : i32 to index
        %swap3A_1164 = arith.constant 0 : index
        %swap3A_1165 = tpu.vector_load %arg10[%swap3A_1163, %swap3A_1164] {strides = array<i32>} : memref<2000x16xf32, #tpu.memory_space<vmem>>, vector<16xf32>,
        tpu.vector_store %arg10[%swap3A_1163, %swap3A_1164], %max3A_1162 {strides = array<i32>} : memref<2000x16xf32, #tpu.memory_space<vmem>>, vector<16xf32>,
        tpu.vector_store_idx %arg13[%iota3A, %broadcast_in_dim3A_1150], %max3A_1162 : memref<16x1000xf32, #tpu.memory_space<vmem>>[vector<16xi32>, vector<16xi32>], vector<16xf32>,
        %add3A_1166 = arith.constant 2 : i32
        %add3A_1167 = arith.addi %add3A_1130, %add3A_1166 : i32
        %add3A_1168 = arith.constant 1000 : i32
        %add3A_1169 = arith.addi %add3A_1168, %add3A_1167 : i32
        %broadcast_in_dim3A_1170 = vector.broadcast %add3A_1167 : i32 to vector<16xi32>
        %gather3A_1171 = tpu.vector_load_idx %arg12[%iota3A, %broadcast_in_dim3A_1170] : memref<16x1000xf32, #tpu.memory_space<vmem>>[vector<16xi32>, vector<16xi32>], vector<16xf32>,
        %get3A_1172 = arith.index_cast %add3A_1169 : i32 to index
        %get3A_1173 = arith.constant 0 : index
        %get3A_1174 = tpu.vector_load %arg10[%get3A_1172, %get3A_1173] {strides = array<i32>} : memref<2000x16xf32, #tpu.memory_space<vmem>>, vector<16xf32>,
        %get3A_1175 = arith.index_cast %add3A_1169 : i32 to index
        %get3A_1176 = arith.constant 0 : index
        %get3A_1177 = tpu.vector_load %arg11[%get3A_1175, %get3A_1176] {strides = array<i32>} : memref<2000x16xf32, #tpu.memory_space<vmem>>, vector<16xf32>,
        %add3A_1178 = arith.addf %get3A_1174, %get3A_1177 : vector<16xf32>
        %add3A_1179 = arith.addf %add3A_1178, %gather3A_1171 : vector<16xf32>
        %max3A_1180 = arith.constant 0.000000e+00 : f32
        %max3A_1181 = vector.broadcast %max3A_1180 : f32 to vector<16xf32>
        %max3A_1182 = arith.maximumf %add3A_1179, %max3A_1181 : vector<16xf32>
        %swap3A_1183 = arith.index_cast %add3A_1169 : i32 to index
        %swap3A_1184 = arith.constant 0 : index
        %swap3A_1185 = tpu.vector_load %arg10[%swap3A_1183, %swap3A_1184] {strides = array<i32>} : memref<2000x16xf32, #tpu.memory_space<vmem>>, vector<16xf32>,
        tpu.vector_store %arg10[%swap3A_1183, %swap3A_1184], %max3A_1182 {strides = array<i32>} : memref<2000x16xf32, #tpu.memory_space<vmem>>, vector<16xf32>,
        tpu.vector_store_idx %arg13[%iota3A, %broadcast_in_dim3A_1170], %max3A_1182 : memref<16x1000xf32, #tpu.memory_space<vmem>>[vector<16xi32>, vector<16xi32>], vector<16xf32>,
        %add3A_1186 = arith.constant 3 : i32
        %add3A_1187 = arith.addi %add3A_1130, %add3A_1186 : i32
        %add3A_1188 = arith.constant 1000 : i32
        %add3A_1189 = arith.addi %add3A_1188, %add3A_1187 : i32
        %broadcast_in_dim3A_1190 = vector.broadcast %add3A_1187 : i32 to vector<16xi32>
        %gather3A_1191 = tpu.vector_load_idx %arg12[%iota3A, %broadcast_in_dim3A_1190] : memref<16x1000xf32, #tpu.memory_space<vmem>>[vector<16xi32>, vector<16xi32>], vector<16xf32>,
        %get3A_1192 = arith.index_cast %add3A_1189 : i32 to index
        %get3A_1193 = arith.constant 0 : index
        %get3A_1194 = tpu.vector_load %arg10[%get3A_1192, %get3A_1193] {strides = array<i32>} : memref<2000x16xf32, #tpu.memory_space<vmem>>, vector<16xf32>,
        %get3A_1195 = arith.index_cast %add3A_1189 : i32 to index
        %get3A_1196 = arith.constant 0 : index
        %get3A_1197 = tpu.vector_load %arg11[%get3A_1195, %get3A_1196] {strides = array<i32>} : memref<2000x16xf32, #tpu.memory_space<vmem>>, vector<16xf32>,
        %add3A_1198 = arith.addf %get3A_1194, %get3A_1197 : vector<16xf32>
        %add3A_1199 = arith.addf %add3A_1198, %gather3A_1191 : vector<16xf32>
        %max3A_1200 = arith.constant 0.000000e+00 : f32
        %max3A_1201 = vector.broadcast %max3A_1200 : f32 to vector<16xf32>
        %max3A_1202 = arith.maximumf %add3A_1199, %max3A_1201 : vector<16xf32>
        %swap3A_1203 = arith.index_cast %add3A_1189 : i32 to index
        %swap3A_1204 = arith.constant 0 : index
        %swap3A_1205 = tpu.vector_load %arg10[%swap3A_1203, %swap3A_1204] {strides = array<i32>} : memref<2000x16xf32, #tpu.memory_space<vmem>>, vector<16xf32>,
        tpu.vector_store %arg10[%swap3A_1203, %swap3A_1204], %max3A_1202 {strides = array<i32>} : memref<2000x16xf32, #tpu.memory_space<vmem>>, vector<16xf32>,
        tpu.vector_store_idx %arg13[%iota3A, %broadcast_in_dim3A_1190], %max3A_1202 : memref<16x1000xf32, #tpu.memory_space<vmem>>[vector<16xi32>, vector<16xi32>], vector<16xf32>,
      }
      %scan3A_1118 = arith.constant 250 : i32
      %add3A_1119 = arith.constant 1000 : i32
      %add3A_1120 = arith.addi %add3A_30, %add3A_1119 : i32
      "tpu.region"() ({
        %run_scoped3A = tpu.sem_alloc : memref<!tpu.dma_semaphore, #tpu.memory_space<semaphore_mem>>
        %dma_start3A_1126 = arith.constant 0 : i32
        %dma_start3A_1127 = tpu.memref_slice %arg6[%dma_start3A_1126, %add3A_1120] : memref<16x320000xf32, #tpu.memory_space<hbm>> -> memref<16x1000xf32, #tpu.memory_space<hbm>>
        %dma_start3A_1128 = arith.constant 0 : i32
        %dma_start3A_1129 = tpu.memref_slice %arg6[%dma_start3A_1128, %add3A_1120] : memref<16x320000xf32, #tpu.memory_space<hbm>> -> memref<16x1000xf32, #tpu.memory_space<hbm>>
        tpu.enqueue_dma source(%arg13 : memref<16x1000xf32, #tpu.memory_space<vmem>>) target(%dma_start3A_1129 : memref<16x1000xf32, #tpu.memory_space<hbm>>) target_semaphore(%run_scoped3A : memref<!tpu.dma_semaphore, #tpu.memory_space<semaphore_mem>>)
        %dma_wait3A_1130 = arith.constant 0 : i32
        %dma_wait3A_1131 = tpu.memref_slice %arg6[%dma_wait3A_1130, %add3A_1120] : memref<16x320000xf32, #tpu.memory_space<hbm>> -> memref<16x1000xf32, #tpu.memory_space<hbm>>
        %dma_wait3A_1132 = arith.constant 0 : i32
        %dma_wait3A_1133 = tpu.memref_slice %arg6[%dma_wait3A_1132, %add3A_1120] : memref<16x320000xf32, #tpu.memory_space<hbm>> -> memref<16x1000xf32, #tpu.memory_space<hbm>>
        tpu.wait_dma2 semaphore(%run_scoped3A : memref<!tpu.dma_semaphore, #tpu.memory_space<semaphore_mem>>) src(%arg13 : memref<16x1000xf32, #tpu.memory_space<vmem>>) dst(%dma_wait3A_1133 : memref<16x1000xf32, #tpu.memory_space<hbm>>)
        tpu.yield
      }) : () -> ()
      %scan3A_1121 = arith.constant 0 : i32
      %scan3A_1122 = arith.constant 25 : i32
      %scan3A_1123 = arith.addi %scan3A_1121, %scan3A_1122 : i32
      %scan3A_1124 = arith.constant 1 : i32
      scf.for %scan3A_1126 = %scan3A_1121 to %scan3A_1123 step %scan3A_1124  : i32 {
        %mul3A_1127 = arith.constant 1 : i32
        %mul3A_1128 = arith.muli %scan3A_1126, %mul3A_1127 : i32
        %add3A_1129 = arith.constant 0 : i32
        %add3A_1130 = arith.addi %add3A_1129, %mul3A_1128 : i32
        %mul3A_1131 = arith.constant 80 : i32
        %mul3A_1132 = arith.muli %add3A_1130, %mul3A_1131 : i32
        "tpu.region"() ({
          %run_scoped3A = tpu.sem_alloc : memref<!tpu.dma_semaphore, #tpu.memory_space<semaphore_mem>>
          %dma_start3A_1133 = arith.constant 0 : i32
          %dma_start3A_1134 = tpu.memref_slice %arg10[%mul3A_1132, %dma_start3A_1133] : memref<2000x16xf32, #tpu.memory_space<vmem>> -> memref<80x16xf32, #tpu.memory_space<vmem>>
          %dma_start3A_1135 = arith.constant 0 : i32
          %dma_start3A_1136 = tpu.memref_slice %arg9[%add3A_1130, %dma_start3A_1135] : memref<25x80xi32, #tpu.memory_space<vmem>> -> memref<1x80xi32, #tpu.memory_space<vmem>>
          %dma_start3A_1137 = tpu.memref_squeeze %dma_start3A_1136 : memref<1x80xi32, #tpu.memory_space<vmem>> -> memref<80xi32, #tpu.memory_space<vmem>>
          %dma_start3A_1138 = arith.constant 0 : i32
          %dma_start3A_1139 = arith.constant 0 : i32
          %dma_start3A_1140 = tpu.memref_slice %arg15[%dma_start3A_1138, %dma_start3A_1139] : memref<10240x16xf32, #tpu.memory_space<vmem_shared>> -> memref<10240x16xf32, #tpu.memory_space<vmem_shared>>
          tpu.enqueue_indirect_dma source(%dma_start3A_1134 : memref<80x16xf32, #tpu.memory_space<vmem>>) target(%dma_start3A_1140 : memref<10240x16xf32, #tpu.memory_space<vmem_shared>>) offsets(%dma_start3A_1137 : memref<80xi32, #tpu.memory_space<vmem>>) semaphore(%run_scoped3A : memref<!tpu.dma_semaphore, #tpu.memory_space<semaphore_mem>>) {add = true}
          %dma_wait3A_1141 = arith.constant 0 : i32
          %dma_wait3A_1142 = tpu.memref_slice %arg10[%mul3A_1132, %dma_wait3A_1141] : memref<2000x16xf32, #tpu.memory_space<vmem>> -> memref<80x16xf32, #tpu.memory_space<vmem>>
          %dma_wait3A_1143 = arith.constant 0 : i32
          %dma_wait3A_1144 = tpu.memref_slice %arg9[%add3A_1130, %dma_wait3A_1143] : memref<25x80xi32, #tpu.memory_space<vmem>> -> memref<1x80xi32, #tpu.memory_space<vmem>>
          %dma_wait3A_1145 = tpu.memref_squeeze %dma_wait3A_1144 : memref<1x80xi32, #tpu.memory_space<vmem>> -> memref<80xi32, #tpu.memory_space<vmem>>
          %dma_wait3A_1146 = arith.constant 0 : i32
          %dma_wait3A_1147 = arith.constant 0 : i32
          %dma_wait3A_1148 = tpu.memref_slice %arg15[%dma_wait3A_1146, %dma_wait3A_1147] : memref<10240x16xf32, #tpu.memory_space<vmem_shared>> -> memref<10240x16xf32, #tpu.memory_space<vmem_shared>>
          tpu.wait_indirect_dma semaphore(%run_scoped3A : memref<!tpu.dma_semaphore, #tpu.memory_space<semaphore_mem>>) src(%dma_wait3A_1142 : memref<80x16xf32, #tpu.memory_space<vmem>>) dst(%dma_wait3A_1148 : memref<10240x16xf32, #tpu.memory_space<vmem_shared>>)
          tpu.yield
        }) : () -> ()
      }
      %scan3A_1125 = arith.constant 25 : i32
    }
    %scan3A_14 = arith.constant 5 : i32
    %barrier3A_15 = arith.constant 0 : index
    tpu.barrier barrier_id(%barrier3A_15)
    %scan3A_16 = arith.constant 0 : i32
    %scan3A_17 = arith.constant 10 : i32
    %scan3A_18 = arith.addi %scan3A_16, %scan3A_17 : i32
    %scan3A_19 = arith.constant 1 : i32
    scf.for %scan3A_21 = %scan3A_16 to %scan3A_18 step %scan3A_19  : i32 {
      %mul3A_22 = arith.constant 1 : i32
      %mul3A_23 = arith.muli %scan3A_21, %mul3A_22 : i32
      %add3A_24 = arith.constant 0 : i32
      %add3A_25 = arith.addi %add3A_24, %mul3A_23 : i32
      %mul3A_26 = arith.constant 640 : i32
      %mul3A_27 = arith.muli %arg1, %mul3A_26 : i32
      %mul3A_28 = arith.constant 64 : i32
      %mul3A_29 = arith.muli %add3A_25, %mul3A_28 : i32
      %add3A_30 = arith.addi %mul3A_27, %mul3A_29 : i32
      "tpu.region"() ({
        %run_scoped3A = tpu.sem_alloc : memref<!tpu.dma_semaphore, #tpu.memory_space<semaphore_mem>>
        %dma_start3A = arith.constant 0 : i32
        %dma_start3A_31 = tpu.memref_slice %arg15[%add3A_30, %dma_start3A] : memref<10240x16xf32, #tpu.memory_space<vmem_shared>> -> memref<64x16xf32, #tpu.memory_space<vmem_shared>>
        %dma_start3A_32 = arith.constant 0 : i32
        %dma_start3A_33 = tpu.memref_slice %arg15[%add3A_30, %dma_start3A_32] : memref<10240x16xf32, #tpu.memory_space<vmem_shared>> -> memref<64x16xf32, #tpu.memory_space<vmem_shared>>
        tpu.enqueue_dma source(%dma_start3A_33 : memref<64x16xf32, #tpu.memory_space<vmem_shared>>) target(%arg14 : memref<64x16xf32, #tpu.memory_space<vmem>>) target_semaphore(%run_scoped3A : memref<!tpu.dma_semaphore, #tpu.memory_space<semaphore_mem>>)
        %dma_wait3A = arith.constant 0 : i32
        %dma_wait3A_34 = tpu.memref_slice %arg15[%add3A_30, %dma_wait3A] : memref<10240x16xf32, #tpu.memory_space<vmem_shared>> -> memref<64x16xf32, #tpu.memory_space<vmem_shared>>
        %dma_wait3A_35 = arith.constant 0 : i32
        %dma_wait3A_36 = tpu.memref_slice %arg15[%add3A_30, %dma_wait3A_35] : memref<10240x16xf32, #tpu.memory_space<vmem_shared>> -> memref<64x16xf32, #tpu.memory_space<vmem_shared>>
        tpu.wait_dma2 semaphore(%run_scoped3A : memref<!tpu.dma_semaphore, #tpu.memory_space<semaphore_mem>>) src(%dma_wait3A_36 : memref<64x16xf32, #tpu.memory_space<vmem_shared>>) dst(%arg14 : memref<64x16xf32, #tpu.memory_space<vmem>>)
        tpu.yield
      }) : () -> ()
      "tpu.region"() ({
        %run_scoped3A = tpu.sem_alloc : memref<!tpu.dma_semaphore, #tpu.memory_space<semaphore_mem>>
        %dma_start3A = arith.constant 0 : i32
        %dma_start3A_31 = arith.constant 0 : i32
        %dma_start3A_32 = tpu.memref_slice %arg7[%arg0, %dma_start3A, %dma_start3A_31] : memref<2x10240x16xf32, #tpu.memory_space<hbm>> -> memref<1x10240x16xf32, #tpu.memory_space<hbm>>
        %dma_start3A_33 = tpu.memref_squeeze %dma_start3A_32 : memref<1x10240x16xf32, #tpu.memory_space<hbm>> -> memref<10240x16xf32, #tpu.memory_space<hbm>>
        %dma_start3A_34 = arith.constant 0 : i32
        %dma_start3A_35 = tpu.memref_slice %dma_start3A_33[%add3A_30, %dma_start3A_34] : memref<10240x16xf32, #tpu.memory_space<hbm>> -> memref<64x16xf32, #tpu.memory_space<hbm>>
        %dma_start3A_36 = arith.constant 0 : i32
        %dma_start3A_37 = arith.constant 0 : i32
        %dma_start3A_38 = tpu.memref_slice %arg7[%arg0, %dma_start3A_36, %dma_start3A_37] : memref<2x10240x16xf32, #tpu.memory_space<hbm>> -> memref<1x10240x16xf32, #tpu.memory_space<hbm>>
        %dma_start3A_39 = tpu.memref_squeeze %dma_start3A_38 : memref<1x10240x16xf32, #tpu.memory_space<hbm>> -> memref<10240x16xf32, #tpu.memory_space<hbm>>
        %dma_start3A_40 = arith.constant 0 : i32
        %dma_start3A_41 = tpu.memref_slice %dma_start3A_39[%add3A_30, %dma_start3A_40] : memref<10240x16xf32, #tpu.memory_space<hbm>> -> memref<64x16xf32, #tpu.memory_space<hbm>>
        tpu.enqueue_dma source(%arg14 : memref<64x16xf32, #tpu.memory_space<vmem>>) target(%dma_start3A_41 : memref<64x16xf32, #tpu.memory_space<hbm>>) target_semaphore(%run_scoped3A : memref<!tpu.dma_semaphore, #tpu.memory_space<semaphore_mem>>)
        %dma_wait3A = arith.constant 0 : i32
        %dma_wait3A_42 = arith.constant 0 : i32
        %dma_wait3A_43 = tpu.memref_slice %arg7[%arg0, %dma_wait3A, %dma_wait3A_42] : memref<2x10240x16xf32, #tpu.memory_space<hbm>> -> memref<1x10240x16xf32, #tpu.memory_space<hbm>>
        %dma_wait3A_44 = tpu.memref_squeeze %dma_wait3A_43 : memref<1x10240x16xf32, #tpu.memory_space<hbm>> -> memref<10240x16xf32, #tpu.memory_space<hbm>>
        %dma_wait3A_45 = arith.constant 0 : i32
        %dma_wait3A_46 = tpu.memref_slice %dma_wait3A_44[%add3A_30, %dma_wait3A_45] : memref<10240x16xf32, #tpu.memory_space<hbm>> -> memref<64x16xf32, #tpu.memory_space<hbm>>
        %dma_wait3A_47 = arith.constant 0 : i32
        %dma_wait3A_48 = arith.constant 0 : i32
        %dma_wait3A_49 = tpu.memref_slice %arg7[%arg0, %dma_wait3A_47, %dma_wait3A_48] : memref<2x10240x16xf32, #tpu.memory_space<hbm>> -> memref<1x10240x16xf32, #tpu.memory_space<hbm>>
        %dma_wait3A_50 = tpu.memref_squeeze %dma_wait3A_49 : memref<1x10240x16xf32, #tpu.memory_space<hbm>> -> memref<10240x16xf32, #tpu.memory_space<hbm>>
        %dma_wait3A_51 = arith.constant 0 : i32
        %dma_wait3A_52 = tpu.memref_slice %dma_wait3A_50[%add3A_30, %dma_wait3A_51] : memref<10240x16xf32, #tpu.memory_space<hbm>> -> memref<64x16xf32, #tpu.memory_space<hbm>>
        tpu.wait_dma2 semaphore(%run_scoped3A : memref<!tpu.dma_semaphore, #tpu.memory_space<semaphore_mem>>) src(%arg14 : memref<64x16xf32, #tpu.memory_space<vmem>>) dst(%dma_wait3A_52 : memref<64x16xf32, #tpu.memory_space<hbm>>)
        tpu.yield
      }) : () -> ()
    }
    %scan3A_20 = arith.constant 10 : i32
    return
  }
}

module attributes {stable_mosaic.version = 14 : i64} {
  func.func @_pre_body(%arg0: i32, %arg1: memref<2000x128xf32, #tpu.memory_space<vmem>>, %arg2: memref<16x64000xf32, #tpu.memory_space<vmem>>, %arg3: memref<272x16xf32, #tpu.memory_space<vmem>>, %arg4: memref<16x1xf32, #tpu.memory_space<vmem>>, %arg5: memref<2000x16xf32, #tpu.memory_space<vmem>>, %arg6: memref<2000x16xf32, #tpu.memory_space<vmem>>, %arg7: memref<16x64000xf32, #tpu.memory_space<vmem>>) attributes {dimension_semantics = [#tpu.dimension_semantics<arbitrary>], iteration_bounds = array<i64: 5>, scalar_prefetch = 0 : i64, scratch_operands = 0 : i64, tpu.core_type = #tpu.core_type<tc>, window_params = [{transform_indices = @transform_0, window_bounds = array<i64: 2000, 128>}, {transform_indices = @transform_1, window_bounds = array<i64: 16, 64000>}, {pipeline_mode = #tpu.pipeline_mode<synchronous>, transform_indices = @transform_2, window_bounds = array<i64: 272, 16>}, {pipeline_mode = #tpu.pipeline_mode<synchronous>, transform_indices = @transform_3, window_bounds = array<i64: 16, 1>}, {transform_indices = @transform_4, window_bounds = array<i64: 2000, 16>}, {transform_indices = @transform_5, window_bounds = array<i64: 2000, 16>}, {transform_indices = @transform_6, window_bounds = array<i64: 16, 64000>}]} {
    %get3A = arith.constant 0 : index
    %get3A_0 = arith.constant 0 : index
    %get3A_1 = vector.load %arg1[%get3A, %get3A_0] : memref<2000x128xf32, #tpu.memory_space<vmem>>, vector<2000x128xf32>
    %get3A_2 = arith.constant 0 : index
    %get3A_3 = arith.constant 0 : index
    %get3A_4 = vector.load %arg3[%get3A_2, %get3A_3] : memref<272x16xf32, #tpu.memory_space<vmem>>, vector<272x16xf32>
    %slice3A = vector.extract_strided_slice %get3A_4 {offsets = [0, 0], sizes = [128, 16], strides = [1, 1]} : vector<272x16xf32> to vector<128x16xf32>
    %dot_general3A = arith.constant dense<0.000000e+00> : vector<2000x16xf32>
    %dot_general3A_5 = tpu.matmul %get3A_1, %slice3A, %dot_general3A {dimension_numbers = #tpu.dot_dimension_numbers<[1], [0], [0], [1], [0, 0, 1, 1], [], []>, transpose_lhs_hint = false} : vector<2000x128xf32>, vector<128x16xf32>, vector<2000x16xf32> -> vector<2000x16xf32>
    %swap3A = arith.constant 0 : index
    %swap3A_6 = arith.constant 0 : index
    %swap3A_7 = vector.load %arg5[%swap3A, %swap3A_6] : memref<2000x16xf32, #tpu.memory_space<vmem>>, vector<2000x16xf32>
    tpu.vector_store %arg5[%swap3A, %swap3A_6], %dot_general3A_5 {strides = array<i32>} : memref<2000x16xf32, #tpu.memory_space<vmem>>, vector<2000x16xf32>,
    %slice3A_8 = vector.extract_strided_slice %get3A_4 {offsets = [128, 0], sizes = [128, 16], strides = [1, 1]} : vector<272x16xf32> to vector<128x16xf32>
    %dot_general3A_9 = arith.constant dense<0.000000e+00> : vector<2000x16xf32>
    %dot_general3A_10 = tpu.matmul %get3A_1, %slice3A_8, %dot_general3A_9 {dimension_numbers = #tpu.dot_dimension_numbers<[1], [0], [0], [1], [0, 0, 1, 1], [], []>, transpose_lhs_hint = false} : vector<2000x128xf32>, vector<128x16xf32>, vector<2000x16xf32> -> vector<2000x16xf32>
    %swap3A_11 = arith.constant 0 : index
    %swap3A_12 = arith.constant 0 : index
    %swap3A_13 = vector.load %arg6[%swap3A_11, %swap3A_12] : memref<2000x16xf32, #tpu.memory_space<vmem>>, vector<2000x16xf32>
    tpu.vector_store %arg6[%swap3A_11, %swap3A_12], %dot_general3A_10 {strides = array<i32>} : memref<2000x16xf32, #tpu.memory_space<vmem>>, vector<2000x16xf32>,
    %slice3A_14 = vector.extract_strided_slice %get3A_4 {offsets = [256, 0], sizes = [16, 16], strides = [1, 1]} : vector<272x16xf32> to vector<16x16xf32>
    %get3A_15 = arith.constant 0 : index
    %get3A_16 = arith.constant 0 : index
    %get3A_17 = vector.load %arg2[%get3A_15, %get3A_16] : memref<16x64000xf32, #tpu.memory_space<vmem>>, vector<16x64000xf32>
    %dot_general3A_18 = arith.constant dense<0.000000e+00> : vector<16x64000xf32>
    %dot_general3A_19 = tpu.matmul %slice3A_14, %get3A_17, %dot_general3A_18 {dimension_numbers = #tpu.dot_dimension_numbers<[0], [0], [1], [1], [0, 1, 1, 1], [], []>, transpose_lhs_hint = false} : vector<16x16xf32>, vector<16x64000xf32>, vector<16x64000xf32> -> vector<16x64000xf32>
    %get3A_20 = arith.constant 0 : index
    %get3A_21 = arith.constant 0 : index
    %get3A_22 = vector.load %arg4[%get3A_20, %get3A_21] : memref<16x1xf32, #tpu.memory_space<vmem>>, vector<16x1xf32>
    %add3A = vector.broadcast %get3A_22 : vector<16x1xf32> to vector<16x64000xf32>
    %add3A_23 = arith.addf %dot_general3A_19, %add3A : vector<16x64000xf32>
    %swap3A_24 = arith.constant 0 : index
    %swap3A_25 = arith.constant 0 : index
    %swap3A_26 = vector.load %arg7[%swap3A_24, %swap3A_25] : memref<16x64000xf32, #tpu.memory_space<vmem>>, vector<16x64000xf32>
    tpu.vector_store %arg7[%swap3A_24, %swap3A_25], %add3A_23 {strides = array<i32>} : memref<16x64000xf32, #tpu.memory_space<vmem>>, vector<16x64000xf32>,
    return
  }
  func.func @transform_0(%arg0: i32) -> (i32, i32) {
    %c0_i32 = arith.constant 0 : i32
    %c0_i32_0 = arith.constant 0 : i32
    return %arg0, %c0_i32 : i32, i32
  }
  func.func @transform_1(%arg0: i32) -> (i32, i32) {
    %c0_i32 = arith.constant 0 : i32
    %c0_i32_0 = arith.constant 0 : i32
    return %c0_i32, %arg0 : i32, i32
  }
  func.func @transform_2(%arg0: i32) -> (i32, i32) {
    %c0_i32 = arith.constant 0 : i32
    %c0_i32_0 = arith.constant 0 : i32
    %c0_i32_1 = arith.constant 0 : i32
    return %c0_i32, %c0_i32_0 : i32, i32
  }
  func.func @transform_3(%arg0: i32) -> (i32, i32) {
    %c0_i32 = arith.constant 0 : i32
    %c0_i32_0 = arith.constant 0 : i32
    %c0_i32_1 = arith.constant 0 : i32
    return %c0_i32, %c0_i32_0 : i32, i32
  }
  func.func @transform_4(%arg0: i32) -> (i32, i32) {
    %c0_i32 = arith.constant 0 : i32
    %c0_i32_0 = arith.constant 0 : i32
    return %arg0, %c0_i32 : i32, i32
  }
  func.func @transform_5(%arg0: i32) -> (i32, i32) {
    %c0_i32 = arith.constant 0 : i32
    %c0_i32_0 = arith.constant 0 : i32
    return %arg0, %c0_i32 : i32, i32
  }
  func.func @transform_6(%arg0: i32) -> (i32, i32) {
    %c0_i32 = arith.constant 0 : i32
    %c0_i32_0 = arith.constant 0 : i32
    return %c0_i32, %arg0 : i32, i32
  }
}

module attributes {stable_mosaic.version = 14 : i64} {
  func.func @_node_body(%arg0: i32, %arg1: memref<2000x128xf32, #tpu.memory_space<vmem>>, %arg2: memref<2x2000x16xf32, #tpu.memory_space<vmem>>, %arg3: memref<144x128xf32, #tpu.memory_space<vmem>>, %arg4: memref<1x128xf32, #tpu.memory_space<vmem>>, %arg5: memref<2000x128xf32, #tpu.memory_space<vmem>>) attributes {dimension_semantics = [#tpu.dimension_semantics<arbitrary>], iteration_bounds = array<i64: 5>, scalar_prefetch = 0 : i64, scratch_operands = 0 : i64, tpu.core_type = #tpu.core_type<tc>, window_params = [{transform_indices = @transform_0, window_bounds = array<i64: 2000, 128>}, {transform_indices = @transform_1, window_bounds = array<i64: 2, 2000, 16>}, {pipeline_mode = #tpu.pipeline_mode<synchronous>, transform_indices = @transform_2, window_bounds = array<i64: 144, 128>}, {pipeline_mode = #tpu.pipeline_mode<synchronous>, transform_indices = @transform_3, window_bounds = array<i64: 1, 128>}, {transform_indices = @transform_4, window_bounds = array<i64: 2000, 128>}]} {
    %get3A = arith.constant 0 : index
    %get3A_0 = arith.constant 0 : index
    %get3A_1 = vector.load %arg3[%get3A, %get3A_0] : memref<144x128xf32, #tpu.memory_space<vmem>>, vector<144x128xf32>
    %get3A_2 = arith.constant 0 : index
    %get3A_3 = arith.constant 0 : index
    %get3A_4 = arith.constant 0 : index
    %get3A_5 = vector.load %arg2[%get3A_2, %get3A_3, %get3A_4] : memref<2x2000x16xf32, #tpu.memory_space<vmem>>, vector<1x2000x16xf32>
    %get3A_6 = vector.shape_cast %get3A_5 : vector<1x2000x16xf32> to vector<2000x16xf32>
    %get3A_7 = arith.constant 1 : index
    %get3A_8 = arith.constant 0 : index
    %get3A_9 = arith.constant 0 : index
    %get3A_10 = vector.load %arg2[%get3A_7, %get3A_8, %get3A_9] : memref<2x2000x16xf32, #tpu.memory_space<vmem>>, vector<1x2000x16xf32>
    %get3A_11 = vector.shape_cast %get3A_10 : vector<1x2000x16xf32> to vector<2000x16xf32>
    %add3A = arith.addf %get3A_6, %get3A_11 : vector<2000x16xf32>
    %get3A_12 = arith.constant 0 : index
    %get3A_13 = arith.constant 0 : index
    %get3A_14 = vector.load %arg1[%get3A_12, %get3A_13] : memref<2000x128xf32, #tpu.memory_space<vmem>>, vector<2000x128xf32>
    %slice3A = vector.extract_strided_slice %get3A_1 {offsets = [0, 0], sizes = [128, 128], strides = [1, 1]} : vector<144x128xf32> to vector<128x128xf32>
    %dot_general3A = arith.constant dense<0.000000e+00> : vector<2000x128xf32>
    %dot_general3A_15 = tpu.matmul %get3A_14, %slice3A, %dot_general3A {dimension_numbers = #tpu.dot_dimension_numbers<[1], [0], [0], [1], [0, 0, 1, 1], [], []>, transpose_lhs_hint = false} : vector<2000x128xf32>, vector<128x128xf32>, vector<2000x128xf32> -> vector<2000x128xf32>
    %slice3A_16 = vector.extract_strided_slice %get3A_1 {offsets = [128, 0], sizes = [16, 128], strides = [1, 1]} : vector<144x128xf32> to vector<16x128xf32>
    %dot_general3A_17 = arith.constant dense<0.000000e+00> : vector<2000x128xf32>
    %dot_general3A_18 = tpu.matmul %add3A, %slice3A_16, %dot_general3A_17 {dimension_numbers = #tpu.dot_dimension_numbers<[1], [0], [0], [1], [0, 0, 1, 1], [], []>, transpose_lhs_hint = false} : vector<2000x16xf32>, vector<16x128xf32>, vector<2000x128xf32> -> vector<2000x128xf32>
    %add3A_19 = arith.addf %dot_general3A_15, %dot_general3A_18 : vector<2000x128xf32>
    %get3A_20 = arith.constant 0 : index
    %get3A_21 = arith.constant 0 : index
    %get3A_22 = vector.load %arg4[%get3A_20, %get3A_21] : memref<1x128xf32, #tpu.memory_space<vmem>>, vector<1x128xf32>
    %add3A_23 = vector.broadcast %get3A_22 : vector<1x128xf32> to vector<2000x128xf32>
    %add3A_24 = arith.addf %add3A_19, %add3A_23 : vector<2000x128xf32>
    %swap3A = arith.constant 0 : index
    %swap3A_25 = arith.constant 0 : index
    %swap3A_26 = vector.load %arg5[%swap3A, %swap3A_25] : memref<2000x128xf32, #tpu.memory_space<vmem>>, vector<2000x128xf32>
    tpu.vector_store %arg5[%swap3A, %swap3A_25], %add3A_24 {strides = array<i32>} : memref<2000x128xf32, #tpu.memory_space<vmem>>, vector<2000x128xf32>,
    return
  }
  func.func @transform_0(%arg0: i32) -> (i32, i32) {
    %c0_i32 = arith.constant 0 : i32
    %c0_i32_0 = arith.constant 0 : i32
    return %arg0, %c0_i32 : i32, i32
  }
  func.func @transform_1(%arg0: i32) -> (i32, i32, i32) {
    %c0_i32 = arith.constant 0 : i32
    %c0_i32_0 = arith.constant 0 : i32
    %c0_i32_1 = arith.constant 0 : i32
    return %c0_i32, %arg0, %c0_i32_0 : i32, i32, i32
  }
  func.func @transform_2(%arg0: i32) -> (i32, i32) {
    %c0_i32 = arith.constant 0 : i32
    %c0_i32_0 = arith.constant 0 : i32
    %c0_i32_1 = arith.constant 0 : i32
    return %c0_i32, %c0_i32_0 : i32, i32
  }
  func.func @transform_3(%arg0: i32) -> (i32, i32) {
    %c0_i32 = arith.constant 0 : i32
    %c0_i32_0 = arith.constant 0 : i32
    %c0_i32_1 = arith.constant 0 : i32
    return %c0_i32, %c0_i32_0 : i32, i32
  }
  func.func @transform_4(%arg0: i32) -> (i32, i32) {
    %c0_i32 = arith.constant 0 : i32
    %c0_i32_0 = arith.constant 0 : i32
    return %arg0, %c0_i32 : i32, i32
  }
}

</mosaic_0001>

<sc_bundles>
// kernel: kernel.5.cloned.1.call-start
scs
__scs_entry_jumppad:
0x0: {  	(pc) =	sbr.rel $0x88, $3  }
0x1: {  	(tag) =	ssettag $0x0;
	lr =	simm.s32 $0x1  }
0x2: {  	[smem:$0x3F9A] =	sst lr;
	_ =	strace $0xD0000000  }
0x3: {  	_ = 	snop  }
0x4: {  	_ = 	snop  }
0x5: {  	_ = 	snop  }
0x6: {  	_ = 	snop  }
0x7: {  	_ = 	snop  }
__scs_overlays_trampoline_lowered:
0x8: {  	[smem:$0x3FA9] =	sst s0  }
0x9: {  	[smem:$0x3FAA] =	sst s1  }
0xa: {  	[smem:$0x3FAB] =	sst s2  }
0xb: {  	[smem:$0x3FAC] =	sst s3  }
0xc: {  	[smem:$0x3FAD] =	sst s4  }
0xd: {  	[smem:$0x3FAE] =	sst s5  }
0xe: {  	[smem:$0x3FAF] =	sst s6  }
0xf: {  	[smem:$0x3FB0] =	sst s7  }
0x10: {  	[smem:$0x3FB1] =	sst s8  }
0x11: {  	[smem:$0x3FB2] =	sst s9;
	s0 =	simm.s32 @!p0 $0x0  }
0x12: {  	s1 =	sld [smem:$0x3F98];
	s0 =	simm.s32 @p0 $0x1  }
0x13: {  	[smem:$0x3FB3] =	sst s0;
	s0 =	simm.s32 @!p1 $0x0  }
0x14: {  	s2 =	sld [smem:$0x3F97];
	s0 =	simm.s32 @p1 $0x1  }
0x15: {  	[smem:$0x3FB4] =	sst s0;
	s0 =	simm.s32 @!p2 $0x0  }
0x16: {  	s3 =	sld [smem:$0x3FDB];
	s0 =	simm.s32 @p2 $0x1  }
0x17: {  	s4 =	simm.s32 $0x1BF5;
	[smem:$0x3FB6] =	sst s0  }
0x18: {  	s0 =	sld [smem:$0x3F99];
	_ =	swait.ge [sflag:s4], $0x0  }
0x19: {  	s7 =	sld [smem:$0x3F9A]  }
0x1a: {  	s8 =	sadd.s32 $0xFFFFE003, lr  }
0x1b: {  	s9 =	sadd.s32 $0xFFFFFEF7, lr;
	s5 =	simm.s32 $0xFFFFFFFF;
	p2 =	slt.u32 s8, $0xFFFFF086  }
0x1c: {  	p1 =	slt.u32 s9, $0xF7A;
	s5 =	simm.s32 @!p2 $0x0  }
0x1d: {  	s5 =	simm.s32 @p1 $0x1;
	p0 =	seq.s32 s7, s2  }
0x1e: {  	s7 =	smul.u32 @!p0 $0xF7A, s2;
	p2 =	seq.s32 @!p0 s5, $0x0  }
0x1f: {  	s9 =	smul.u32 $0xF7A, s1;
	s8 =	simm.s32 @!p0 $0x1BF5;
	p2 =	por !p2, p0  }
0x20: {  	[sflag:s8] =	ssyncset.s32 @!p0 $0xFFFFF086;
	s6 =	sadd.s32 @!p0 s3, s7;
	s7 =	simm.s32 @!p0 $0x108  }
0x21: {  	s3 =	sadd.s32 s3, s9;
	s6 =	sadd.s32 @!p0 $0x88, s6;
	s7 =	simm.s32 @p2 $0x1082  }
0x22: {  	[simem:s7], [sflag:s8] =	dma.local @!p0 [hbm:s6], $0xF7A  }
0x23: {  	s9 =	sor.u32 $0xD0000000, s2;
	s6 =	simm.s32 $0x108;
	_ =	swait.ge @!p0 [sflag:s8], $0x0  }
0x24: {  	s3 =	sadd.s32 $0x88, s3;
	s6 =	simm.s32 @!p1 $0x1082;
	[sflag:s4] =	ssyncset.s32 $0xFFFFF086  }
0x25: {  	[simem:s6], [sflag:s4] =	dma.local [hbm:s3], $0xF7A  }
0x26: {  	[smem:$0x3F9A] =	sst s1;
	(tag) =	ssettag s2;
	_ =	strace s9  }
0x27: {  	s1 =	sld [smem:$0x3FAA]  }
0x28: {  	s2 =	sld [smem:$0x3FAB]  }
0x29: {  	s4 =	sld [smem:$0x3FAD]  }
0x2a: {  	p0 =	seq.s32 s5, $0x0;
	s5 =	sld [smem:$0x3FAE]  }
0x2b: {  	s6 =	sld [smem:$0x3FAF]  }
0x2c: {  	s7 =	sld [smem:$0x3FB0]  }
0x2d: {  	s3 =	simm.s32 $0x108;
	s8 =	sld [smem:$0x3FB1]  }
0x2e: {  	s3 =	simm.s32 @!p0 $0x1082;
	s9 =	sld [smem:$0x3FB2]  }
0x2f: {  	lr =	sadd.s32 s0, s3;
	s0 =	sld [smem:$0x3FA9]  }
0x30: {  	s3 =	sld [smem:$0x3FAC]  }
0x31: {  	[smem:$0x3FB5] =	sst s10  }
0x32: {  	s10 =	sld [smem:$0x3FB3];
	_ =	sdelay $0x3  }
0x33: {  	p0 =	seq.s32 s10, $0x1;
	s10 =	sld [smem:$0x3FB5];
	_ =	sdelay $0x3  }
0x34: {  	[smem:$0x3FB5] =	sst s10  }
0x35: {  	s10 =	sld [smem:$0x3FB4];
	_ =	sdelay $0x3  }
0x36: {  	p1 =	seq.s32 s10, $0x1;
	s10 =	sld [smem:$0x3FB5];
	_ =	sdelay $0x3  }
0x37: {  	[smem:$0x3FB5] =	sst s10  }
0x38: {  	s10 =	sld [smem:$0x3FB6]  }
0x39: {  	_ = 	snop;
	(pc) =	sbr.ind lr, $3  }
0x3a: {  	_ = 	snop  }
0x3b: {  	_ = 	snop  }
0x3c: {  	p2 =	seq.s32 s10, $0x1;
	s10 =	sld [smem:$0x3FB5]  }
0x3d: {  	_ =	shalt  }
0x3e: {  	_ =	shalt  }
0x3f: {  	_ =	shalt  }
0x40: {  	_ =	shalt  }
0x41: {  	_ =	shalt  }
0x42: {  	_ =	shalt  }
0x43: {  	_ =	shalt  }
0x44: {  	_ =	shalt  }
0x45: {  	_ =	shalt  }
0x46: {  	_ =	shalt  }
0x47: {  	_ =	shalt  }
0x48: {  	_ =	shalt  }
0x49: {  	_ =	shalt  }
0x4a: {  	_ =	shalt  }
0x4b: {  	_ =	shalt  }
0x4c: {  	_ =	shalt  }
0x4d: {  	_ =	shalt  }
0x4e: {  	_ =	shalt  }
0x4f: {  	_ =	shalt  }
0x50: {  	_ =	shalt  }
0x51: {  	_ =	shalt  }
0x52: {  	_ =	shalt  }
0x53: {  	_ =	shalt  }
0x54: {  	_ =	shalt  }
0x55: {  	_ =	shalt  }
0x56: {  	_ =	shalt  }
0x57: {  	_ =	shalt  }
0x58: {  	_ =	shalt  }
0x59: {  	_ =	shalt  }
0x5a: {  	_ =	shalt  }
0x5b: {  	_ =	shalt  }
0x5c: {  	_ =	shalt  }
0x5d: {  	_ =	shalt  }
0x5e: {  	_ =	shalt  }
0x5f: {  	_ =	shalt  }
0x60: {  	_ =	shalt  }
0x61: {  	_ =	shalt  }
0x62: {  	_ =	shalt  }
0x63: {  	_ =	shalt  }
0x64: {  	_ =	shalt  }
0x65: {  	_ =	shalt  }
0x66: {  	_ =	shalt  }
0x67: {  	_ =	shalt  }
0x68: {  	_ =	shalt  }
0x69: {  	_ =	shalt  }
0x6a: {  	_ =	shalt  }
0x6b: {  	_ =	shalt  }
0x6c: {  	_ =	shalt  }
0x6d: {  	_ =	shalt  }
0x6e: {  	_ =	shalt  }
0x6f: {  	_ =	shalt  }
0x70: {  	_ =	shalt  }
0x71: {  	_ =	shalt  }
0x72: {  	_ =	shalt  }
0x73: {  	_ =	shalt  }
0x74: {  	_ =	shalt  }
0x75: {  	_ =	shalt  }
0x76: {  	_ =	shalt  }
0x77: {  	_ =	shalt  }
0x78: {  	_ =	shalt  }
0x79: {  	_ =	shalt  }
0x7a: {  	_ =	shalt  }
0x7b: {  	_ =	shalt  }
0x7c: {  	_ =	shalt  }
0x7d: {  	_ =	shalt  }
0x7e: {  	_ =	shalt  }
0x7f: {  	_ =	shalt  }
0x80: {  	_ =	shalt  }
0x81: {  	_ =	shalt  }
0x82: {  	_ =	shalt  }
0x83: {  	_ =	shalt  }
0x84: {  	_ =	shalt  }
0x85: {  	_ =	shalt  }
0x86: {  	_ =	shalt  }
0x87: {  	_ =	shalt  }
.Lfunc_end0:
.L_simem_size_0:
called_computation_lowered:
.L_overlay_start_0:
0x88: {  	s2 =	sld [smem:$0x3FD9]  }
0x89: {  	s3 =	sld [smem:$0x3FFE];
	_ =	sdelay $0x1  }
0x8a: {  	s1 =	srdreg.scid  }
0x8b: {  	s0 =	sand.u32 $0x1, s1  }
0x8c: {  	s14 =	sshll.u32 s0, $0xA;
	s2 =	sadd.s32 s3, s2  }
0x8d: {  	s2 =	sadd.s32 s2, s14  }
0x8e: {  	[smem:$0x3FC1] =	sst s2  }
0x8f: {  	_ = 	snop  }
0x90: {  	s2 =	sld [smem:$0x3FD0];
	_ =	sdelay $0x2  }
0x91: {  	s15 =	simm.s32 $0xA;
	s4 =	simm.s32 $0x10  }
0x92: {  	[smem:s4], [sflag:s15] =	dma.local [hbm:s2], $0x1  }
0x93: {  	_ =	swait.eq [sflag:s15], $0x1  }
0x94: {  	[sflag:s15] =	ssyncset.done $0x0  }
0x95: {  	[sflag:s15] =	ssyncadd.s32 $0xFFFFFFFF  }
0x96: {  	s16 =	sld [smem:$0x10];
	(tm) =	ssettm $0x1  }
0x97: {  	s17 =	sld [smem:$0x3FFB];
	_ =	sdelay $0x3  }
0x98: {  	_ =	strace s17  }
0x99: {  	s3 =	sld [smem:$0x3FFC];
	_ =	sdelay $0x3  }
0x9a: {  	_ =	strace s3  }
0x9b: {  	s3 =	sld [smem:$0x3FFD];
	_ =	sdelay $0x3  }
0x9c: {  	_ =	strace s3  }
0x9d: {  	_ =	strace $0x8FFFFFFF  }
0x9e: {  	s18 =	sld [smem:$0x3FDB];
	_ =	sdelay $0x1  }
0x9f: {  	s19 =	simm.s32 $_scs_section_size  }
0xa0: {  	s5 =	simm.s32 $_size__tile_overlayer_lowered;
	s6 =	simm.s32 $_tile_overlayer_lowered  }
0xa1: {  	s22 =	simm.s32 $0x1BFF;
	s21 =	sshll.u32 s6, $0x1;
	s3 =	sadd.s32 s19, s18  }
0xa2: {  	s7 =	simm.s32 $0x0;
	s20 =	sshll.u32 s5, $0x1;
	s5 =	sadd.s32 s21, s3  }
0xa3: {  	[timem:s7], [sflag:s22] =	dma.local [hbm:s5], s20  }
0xa4: {  	_ =	swait.ge [sflag:s22], s20  }
0xa5: {  	s4 =	ssub.s32 $0x0, s20;
	[sflag:s22] =	ssyncset.done $0x0  }
0xa6: {  	[sflag:s22] =	ssyncadd.s32 s4;
	_ =	sdelay $0x1  }
0xa7: {  	s23 =	simm.s32 $0x1B8B  }
0xa8: {  	_ =	swait.ge [sflag:s23], $0x1  }
0xa9: {  	[sflag:s23] =	ssyncset.done $0x0  }
0xaa: {  	s25 =	simm.s32 $0x1B8E;
	s24 =	sld [smem:$0x3FFE];
	[sflag:s23] =	ssyncadd.s32 $0xFFFFFFFF  }
0xab: {  	s26 =	simm.s32 $execute0_lowered;
	[smem:$0x3FD2] =	sst s25  }
0xac: {  	s5 =	sshll.u32 s26, $0x1;
	_ =	strace $0x80000046;
	[dreg:$0x1] =	wrdreg $0xFFFFFFFF  }
0xad: {  	s28 =	simm.s32 $_size_execute0_lowered;
	s3 =	sadd.s32 s3, s5;
	[dreg:$0x0] =	wrdreg $0x0  }
0xae: {  	s5 =	sshll.u32 s28, $0x1;
	[dreg:$0x2] =	wrdreg s3  }
0xaf: {  	[dreg:$0x3] =	wrdreg s5  }
0xb0: {  	[dreg:$0x4] =	wrdreg $0xC0  }
0xb1: {  	_ =	task [dreg:s7], $0x5FFFF  }
0xb2: {  	[dreg:$0x1] =	wrdreg $0xFFFFFFFF  }
0xb3: {  	[dreg:$0x0] =	wrdreg $0x60  }
0xb4: {  	[dreg:$0x2] =	wrdreg s24  }
0xb5: {  	[dreg:$0x3] =	wrdreg s16  }
0xb6: {  	[dreg:$0x4] =	wrdreg $0x18AA00  }
0xb7: {  	[dreg:$0x5] =	wrdreg $0x9  }
0xb8: {  	_ =	task.clear_ibuf [dreg:s7], $0x6FFFF;
	_ =	strace $0x90000046  }
0xb9: {  	s29 =	simm.s32 $0x9;
	_ =	strace $0x80000048  }
0xba: {  	_ =	swait.ge [sflag:s29], $0x1  }
0xbb: {  	[sflag:s29] =	ssyncadd.s32 $0xFFFFFFFF  }
0xbc: {  	_ =	strace $0x90000048  }
0xbd: {  	_ =	sfence  }
0xbe: {  	s30 =	sld [smem:$0x0];
	_ =	sdelay $0x2  }
0xbf: {  	s31 =	sshll.u32 s1, $0xD;
	s1 =	sshrl.u32 s1, $0x2  }
0xc0: {  	s3 =	sand.u32 $0x4000, s31;
	s1 =	sadd.s32 s1, s30  }
0xc1: {  	s0 =	sor.u32 s3, s0;
	s1 =	sshll.u32 s1, $0x11  }
0xc2: {  	s0 =	sor.u32 s1, s0  }
0xc3: {  	s0 =	sadd.s32 $0x8F2B, s0  }
0xc4: {  	[sflag:s0] =	ssyncadd.remote.s32 $0x1  }
0xc5: {  	_ =	sfence.sel $0xFFFF  }
0xc6: {  	[dreg:$0x0] =	wrdreg $0xFFFFFFFF;
	(pc) =	sbr.abs _section_cstart, $3  }
0xc7: {  	[dreg:$0x1] =	wrdreg $0xFFFFFFFF  }
0xc8: {  	_ =	task.clear_ibuf [dreg:s7], $0x2FFFF;
	_ =	strace $0x9FFFFFFF  }
0xc9: {  	(tm) =	ssettm $0x7FFFFFFF  }
tec
execute0_lowered:
.L_overlay_start_1:
0x0: {  	(tag) =	ssettag $0x1  }
0x1: {  	s0 =	rddreg [dreg:$0x0]  }
0x2: {  	s1 =	srdreg.scid;
	s25 =	rddreg [dreg:$0x1];
	s3 =	simm.s32 $0x0  }
0x3: {  	s9 =	stileid.u32;
	s2 =	sand.u32 $0x1, s1;
	s1 =	rddreg [dreg:$0x2]  }
0x4: {  	[smem:$0x7FF] =	sst s3;
	s8 =	smul.u32 $0x2800, s9  }
0x5: {  	s7 =	sshll.u32 s9, $0x1;
	s4 =	smul.u32 $0x5000, s2;
	s5 =	ssub.s32 $0x2, s2  }
0x6: {  	s2 =	sor.u32 s2, s7;
	s6 =	sshrl.u32 s5, $0x1;
	s29 =	sshrl.u32 s8, $0x3  }
0x7: {  	s11 =	sadd.s32 $0x800, s8;
	s12 =	sadd.s32 $0xC00, s8;
	s19 =	sadd.s32 $0x1000, s8  }
0x8: {  	s21 =	sadd.s32 $0x1400, s8;
	s22 =	sadd.s32 $0x1800, s8;
	s23 =	sadd.s32 $0x1C00, s8  }
0x9: {  	s24 =	sadd.s32 $0x2000, s8;
	s4 =	sadd.s32 s4, s0;
	s5 =	ssub.s32 s5, s6  }
0xa: {  	s6 =	smul.u32 $0xA000, s9;
	s9 =	sor.u32 $0x400, s8;
	s4 =	sadd.s32 $0x143A00, s4  }
0xb: {  	s13 =	sshrl.u32 s11, $0x3;
	s10 =	sshrl.u32 s9, $0x3;
	s7 =	sadd.s32 s29, s4  }
0xc: {  	s14 =	sshrl.u32 s12, $0x3;
	s10 =	sadd.s32 s10, s4;
	[dreg:$0x4] =	wrdreg s7  }
0xd: {  	s15 =	sshrl.u32 s19, $0x3;
	s13 =	sadd.s32 s13, s4;
	[dreg:$0x5] =	wrdreg s10  }
0xe: {  	s16 =	sshrl.u32 s21, $0x3;
	s14 =	sadd.s32 s14, s4;
	[dreg:$0x6] =	wrdreg s13  }
0xf: {  	s17 =	sshrl.u32 s22, $0x3;
	s15 =	sadd.s32 s15, s4;
	[dreg:$0x7] =	wrdreg s14  }
0x10: {  	s18 =	sshrl.u32 s23, $0x3;
	s16 =	sadd.s32 s16, s4;
	[dreg:$0x8] =	wrdreg s15  }
0x11: {  	s20 =	sshrl.u32 s24, $0x3;
	s17 =	sadd.s32 s17, s4;
	[dreg:$0x9] =	wrdreg s16  }
0x12: {  	s18 =	sadd.s32 s18, s4;
	[dreg:$0xa] =	wrdreg s17;
	s10 =	sadd.s32 $0x2400, s8  }
0x13: {  	[dreg:$0xb] =	wrdreg s18;
	s7 =	sadd.s32 s20, s4;
	s26 =	sshrl.u32 s10, $0x3  }
0x14: {  	[dreg:$0xc] =	wrdreg s7;
	s4 =	sadd.s32 s26, s4  }
0x15: {  	[dreg:$0xd] =	wrdreg s4;
	s4 =	sadd.s32 s8, s1  }
0x16: {  	s5 =	smax.u32 s5, $0x1;
	_ =	strace $0x80000047;
	[dreg:$0xf] =	wrdreg s4  }
0x17: {  	s29 =	sshrl.u32 s6, $0x2;
	s6 =	sadd.s32 s9, s1;
	[dreg:$0x10] =	wrdreg s5  }
0x18: {  	s7 =	sadd.s32 s11, s1;
	[dreg:$0x11] =	wrdreg s6  }
0x19: {  	s8 =	sadd.s32 s12, s1;
	[dreg:$0x12] =	wrdreg s7  }
0x1a: {  	s9 =	sadd.s32 s19, s1;
	[dreg:$0x13] =	wrdreg s8  }
0x1b: {  	s15 =	sadd.s32 $0x1200, s0;
	s11 =	sadd.s32 s21, s1;
	[dreg:$0x14] =	wrdreg s9  }
0x1c: {  	s16 =	sadd.s32 $0x6200, s0;
	s12 =	sadd.s32 s22, s1;
	[dreg:$0x15] =	wrdreg s11  }
0x1d: {  	s17 =	sadd.s32 $0xB200, s0;
	s13 =	sadd.s32 s23, s1;
	[dreg:$0x16] =	wrdreg s12  }
0x1e: {  	s18 =	sadd.s32 $0xA7600, s0;
	s14 =	sadd.s32 s24, s1;
	[dreg:$0x17] =	wrdreg s13  }
0x1f: {  	s0 =	sadd.s32 s29, s1;
	s19 =	sadd.s32 s10, s1;
	[dreg:$0x18] =	wrdreg s14  }
0x20: {  	s21 =	sadd.s32 $0x800, s0;
	[dreg:$0x19] =	wrdreg s19  }
0x21: {  	s22 =	sadd.s32 $0xC00, s0;
	[dreg:$0x1b] =	wrdreg s21  }
0x22: {  	s23 =	sadd.s32 $0x1000, s0;
	[dreg:$0x1c] =	wrdreg s22  }
0x23: {  	s20 =	smul.u32 $0x2710, s2;
	s24 =	sadd.s32 $0x1400, s0;
	[dreg:$0x1d] =	wrdreg s23  }
0x24: {  	s2 =	sadd.s32 $0x9C40, s25;
	s25 =	sadd.s32 $0x1800, s0;
	[dreg:$0x1e] =	wrdreg s24  }
0x25: {  	s26 =	sadd.s32 $0x1C00, s0;
	[dreg:$0x1f] =	wrdreg s25  }
0x26: {  	s29 =	sadd.s32 $0x2000, s0;
	[smem:$0x7FB] =	sst s26  }
0x27: {  	s28 =	simm.s32 $0x50;
	s30 =	simm.s32 $0x780;
	[smem:$0x7FC] =	sst s29  }
0x28: {  	s31 =	simm.s32 $0x87A0;
	s4 =	sadd.s32 $0x400, s0;
	[dreg:$0xe] =	wrdreg s0  }
0x29: {  	s0 =	sadd.s32 $0x2400, s0;
	s8 =	simm.s32 $0x186A0;
	s21 =	simm.s32 $0x4  }
0x2a: {  	s22 =	simm.s32 $0x7D0;
	s23 =	simm.s32 $0x3E8;
	s24 =	simm.s32 $0x4E200  }
0x2b: {  	s25 =	simm.s32 $0x109A0;
	s26 =	simm.s32 $0x1;
	s5 =	simm.s32 $0x2  }
0x2c: {  	v1 =	vlaneseq.u32;
	s9 =	simm.s32 $0xF50;
	s6 =	simm.s32 $0x14820;
	[dreg:$0x1a] =	wrdreg s4  }
0x2d: {  	v0 =	vimm.f32 $0.0e+00;
	v1 =	vmul.u32 $0x3E8, v1;
	s7 =	simm.s32 $0x0;
	[smem:$0x7FD] =	sst s0;
	s4 =	simm.s32 $0x104A0  }
.LBB2_1:
0x2e: {  	[smem:$0x7FA] =	sst s7;
	s0 =	simm.s32 $0x40;
	s7 =	simm.s32 $0x0  }
.LBB2_2:
0x2f: {  	p0 =	sne.s32 s0, $0xFC0;
	[tilespmem:s7+$0x186A0] =	vst v0;
	s7 =	smov.u32 s0;
	s0 =	sadd.s32 $0x40, s0  }
.Ltmp0:
0x30: {  	(pc) =	sbr.rel @p0 .LBB2_2-.Ltmp0, $2  }
0x31: {  	_ =	sdelay $0x2  }
0x32: {  	s7 =	sshra.s32 s7, $0x2  }
0x33: {  	[tilespmem:s7+$0x186A0] =	vst v0;
	s0 =	rddreg [dreg:$0xe]  }
0x34: {  	[spmem:s0] =	stream.linear.scatter [tilespmem:s8], [sflag:$0x4], $0x400, $0x38;
	[tilespmem:$0x1B2A0] =	vst v63  }
0x35: {  	_ =	swait.ge [sflag:s21], $0x400  }
0x36: {  	[sflag:s21] =	ssyncset.done $0x0  }
0x37: {  	s29 =	rddreg [dreg:$0x1a];
	[sflag:s21] =	ssyncadd.s32 $0xFFFFFC00  }
0x38: {  	[spmem:s29] =	stream.linear.scatter [tilespmem:s8], [sflag:$0x4], $0x400, $0x38;
	[tilespmem:$0x1B2A0] =	vst v63  }
0x39: {  	_ =	swait.ge [sflag:s21], $0x400  }
0x3a: {  	[sflag:s21] =	ssyncset.done $0x0  }
0x3b: {  	s7 =	rddreg [dreg:$0x1b];
	[sflag:s21] =	ssyncadd.s32 $0xFFFFFC00  }
0x3c: {  	[spmem:s7] =	stream.linear.scatter [tilespmem:s8], [sflag:$0x4], $0x400, $0x38;
	[tilespmem:$0x1B2A0] =	vst v63  }
0x3d: {  	_ =	swait.ge [sflag:s21], $0x400  }
0x3e: {  	[sflag:s21] =	ssyncset.done $0x0  }
0x3f: {  	s10 =	rddreg [dreg:$0x1c];
	[sflag:s21] =	ssyncadd.s32 $0xFFFFFC00  }
0x40: {  	[spmem:s10] =	stream.linear.scatter [tilespmem:s8], [sflag:$0x4], $0x400, $0x38;
	[tilespmem:$0x1B2A0] =	vst v63  }
0x41: {  	_ =	swait.ge [sflag:s21], $0x400  }
0x42: {  	[sflag:s21] =	ssyncset.done $0x0  }
0x43: {  	s11 =	rddreg [dreg:$0x1d];
	[sflag:s21] =	ssyncadd.s32 $0xFFFFFC00  }
0x44: {  	[spmem:s11] =	stream.linear.scatter [tilespmem:s8], [sflag:$0x4], $0x400, $0x38;
	[tilespmem:$0x1B2A0] =	vst v63  }
0x45: {  	_ =	swait.ge [sflag:s21], $0x400  }
0x46: {  	[sflag:s21] =	ssyncset.done $0x0  }
0x47: {  	s12 =	rddreg [dreg:$0x1e];
	[sflag:s21] =	ssyncadd.s32 $0xFFFFFC00  }
0x48: {  	[spmem:s12] =	stream.linear.scatter [tilespmem:s8], [sflag:$0x4], $0x400, $0x38;
	[tilespmem:$0x1B2A0] =	vst v63  }
0x49: {  	_ =	swait.ge [sflag:s21], $0x400  }
0x4a: {  	[sflag:s21] =	ssyncset.done $0x0  }
0x4b: {  	s13 =	rddreg [dreg:$0x1f];
	[sflag:s21] =	ssyncadd.s32 $0xFFFFFC00  }
0x4c: {  	[spmem:s13] =	stream.linear.scatter [tilespmem:s8], [sflag:$0x4], $0x400, $0x38;
	[tilespmem:$0x1B2A0] =	vst v63  }
0x4d: {  	_ =	swait.ge [sflag:s21], $0x400  }
0x4e: {  	s14 =	sld [smem:$0x7FB]  }
0x4f: {  	[sflag:s21] =	ssyncset.done $0x0  }
0x50: {  	[sflag:s21] =	ssyncadd.s32 $0xFFFFFC00  }
0x51: {  	[spmem:s14] =	stream.linear.scatter [tilespmem:s8], [sflag:$0x4], $0x400, $0x38;
	[tilespmem:$0x1B2A0] =	vst v63  }
0x52: {  	_ =	swait.ge [sflag:s21], $0x400  }
0x53: {  	s19 =	sld [smem:$0x7FC]  }
0x54: {  	[sflag:s21] =	ssyncset.done $0x0  }
0x55: {  	[sflag:s21] =	ssyncadd.s32 $0xFFFFFC00  }
0x56: {  	[spmem:s19] =	stream.linear.scatter [tilespmem:s8], [sflag:$0x4], $0x400, $0x38;
	[tilespmem:$0x1B2A0] =	vst v63  }
0x57: {  	_ =	swait.ge [sflag:s21], $0x400  }
0x58: {  	s29 =	sld [smem:$0x7FD]  }
0x59: {  	[sflag:s21] =	ssyncset.done $0x0  }
0x5a: {  	[sflag:s21] =	ssyncadd.s32 $0xFFFFFC00  }
0x5b: {  	[spmem:s29] =	stream.linear.scatter [tilespmem:s8], [sflag:$0x4], $0x400, $0x38;
	[tilespmem:$0x1B2A0] =	vst v63  }
0x5c: {  	_ =	swait.ge [sflag:s21], $0x400  }
0x5d: {  	[sflag:s21] =	ssyncset.done $0x0  }
0x5e: {  	[sflag:s21] =	ssyncadd.s32 $0xFFFFFC00  }
0x5f: {  	s7 =	simm.s32 $0x0;
	[bflag:$0x0] =	sbarrier.arrive $0xFFFF  }
.LBB2_4:
0x60: {  	s0 =	smul.u32 $0x7D0, s7;
	_ =	sdelay $0x1  }
0x61: {  	s8 =	sadd.s32 s20, s0  }
0x62: {  	s0 =	smulhi.u32 $0xCCCCCCCD, s8;
	_ =	sdelay $0x1  }
0x63: {  	s0 =	sshrl.u32 s0, $0x6  }
0x64: {  	s0 =	smul.u32 $0x50, s0;
	_ =	sdelay $0x1  }
0x65: {  	s10 =	rddreg [dreg:$0x1];
	s0 =	sshrl.u32 s0, $0x3  }
0x66: {  	s10 =	sadd.s32 s10, s0  }
0x67: {  	[tilespmem:s3], [sflag:$0x1] =	stream.linear.gather [hbm4b:s10+s3], $0x7D0, $0x38;
	[tilespmem:$0x1B2A0] =	vst v63  }
0x68: {  	s0 =	sadd.s32 s0, s2;
	s10 =	sshrl.u32 s8, $0x3  }
0x69: {  	[tilespmem:s22], [sflag:$0x1] =	stream.linear.gather [hbm4b:s0+s3], $0x7D0, $0x38;
	[tilespmem:$0x1B2A0] =	vst v63  }
0x6a: {  	s12 =	sadd.s32 s17, s10  }
0x6b: {  	[tilespmem:s25], [sflag:$0x1] =	stream.strided.gather [hbm4b:s12+s23], $0x3E80, s24, s23, $0x38;
	[tilespmem:$0x1B2A0] =	vst v63  }
0x6c: {  	_ =	swait.ge [sflag:s26], $0x7D0  }
0x6d: {  	[sflag:s26] =	ssyncset.done $0x0  }
0x6e: {  	[sflag:s26] =	ssyncadd.s32 $0xFFFFF830  }
0x6f: {  	_ =	swait.ge [sflag:s26], $0x7D0  }
0x70: {  	[sflag:s26] =	ssyncset.done $0x0  }
0x71: {  	[sflag:s26] =	ssyncadd.s32 $0xFFFFF830  }
0x72: {  	_ =	swait.ge [sflag:s26], $0x3E80  }
0x73: {  	[sflag:s26] =	ssyncset.done $0x0  }
0x74: {  	s13 =	simm.s32 $0xFA0;
	[sflag:s26] =	ssyncadd.s32 $0xFFFFC180  }
0x75: {  	[tilespmem:s13], [sflag:$0x2] =	stream.indirect.gather [hbm4b:s15+s28], $0x10, s3, s28, $0xb8;
	[tilespmem:$0x1B2A0] =	vst v63  }
0x76: {  	s14 =	simm.s32 $0x8CA0  }
0x77: {  	[tilespmem:s14], [sflag:$0x2] =	stream.indirect.gather [hbm4b:s16+s28], $0x10, s22, s28, $0xb8;
	[tilespmem:$0x1B2A0] =	vst v63  }
0x78: {  	s19 =	simm.s32 $0x14A0  }
0x79: {  	[tilespmem:s19], [sflag:$0x2] =	stream.indirect.gather [hbm4b:s15+s28], $0x10, s28, s28, $0xb8;
	[tilespmem:$0x1B2A0] =	vst v63  }
0x7a: {  	s29 =	simm.s32 $0x820;
	s11 =	simm.s32 $0x91A0  }
0x7b: {  	[tilespmem:s11], [sflag:$0x2] =	stream.indirect.gather [hbm4b:s16+s28], $0x10, s29, s28, $0xb8;
	[tilespmem:$0x1B2A0] =	vst v63  }
0x7c: {  	s12 =	simm.s32 $0x19A0;
	s11 =	simm.s32 $0xA0  }
0x7d: {  	[tilespmem:s12], [sflag:$0x2] =	stream.indirect.gather [hbm4b:s15+s28], $0x10, s11, s28, $0xb8;
	[tilespmem:$0x1B2A0] =	vst v63  }
0x7e: {  	s13 =	simm.s32 $0x870;
	s14 =	simm.s32 $0x96A0  }
0x7f: {  	[tilespmem:s14], [sflag:$0x2] =	stream.indirect.gather [hbm4b:s16+s28], $0x10, s13, s28, $0xb8;
	[tilespmem:$0x1B2A0] =	vst v63  }
0x80: {  	s19 =	simm.s32 $0xF0;
	s29 =	simm.s32 $0x1EA0  }
0x81: {  	[tilespmem:s29], [sflag:$0x2] =	stream.indirect.gather [hbm4b:s15+s28], $0x10, s19, s28, $0xb8;
	[tilespmem:$0x1B2A0] =	vst v63  }
0x82: {  	s11 =	simm.s32 $0x8C0;
	s12 =	simm.s32 $0x9BA0  }
0x83: {  	[tilespmem:s12], [sflag:$0x2] =	stream.indirect.gather [hbm4b:s16+s28], $0x10, s11, s28, $0xb8;
	[tilespmem:$0x1B2A0] =	vst v63  }
0x84: {  	s13 =	simm.s32 $0x140;
	s14 =	simm.s32 $0x23A0  }
0x85: {  	[tilespmem:s14], [sflag:$0x2] =	stream.indirect.gather [hbm4b:s15+s28], $0x10, s13, s28, $0xb8;
	[tilespmem:$0x1B2A0] =	vst v63  }
0x86: {  	s19 =	simm.s32 $0x910;
	s29 =	simm.s32 $0xA0A0  }
0x87: {  	[tilespmem:s29], [sflag:$0x2] =	stream.indirect.gather [hbm4b:s16+s28], $0x10, s19, s28, $0xb8;
	[tilespmem:$0x1B2A0] =	vst v63  }
0x88: {  	s11 =	simm.s32 $0x190;
	s12 =	simm.s32 $0x28A0  }
0x89: {  	[tilespmem:s12], [sflag:$0x3] =	stream.indirect.gather [hbm4b:s15+s28], $0x10, s11, s28, $0xb8;
	[tilespmem:$0x1B2A0] =	vst v63  }
0x8a: {  	s13 =	simm.s32 $0x960;
	s14 =	simm.s32 $0xA5A0  }
0x8b: {  	[tilespmem:s14], [sflag:$0x3] =	stream.indirect.gather [hbm4b:s16+s28], $0x10, s13, s28, $0xb8;
	[tilespmem:$0x1B2A0] =	vst v63  }
0x8c: {  	s19 =	simm.s32 $0x1E0;
	s29 =	simm.s32 $0x2DA0  }
0x8d: {  	[tilespmem:s29], [sflag:$0x3] =	stream.indirect.gather [hbm4b:s15+s28], $0x10, s19, s28, $0xb8;
	[tilespmem:$0x1B2A0] =	vst v63  }
0x8e: {  	s11 =	simm.s32 $0x9B0;
	s12 =	simm.s32 $0xAAA0  }
0x8f: {  	[tilespmem:s12], [sflag:$0x3] =	stream.indirect.gather [hbm4b:s16+s28], $0x10, s11, s28, $0xb8;
	[tilespmem:$0x1B2A0] =	vst v63  }
0x90: {  	s13 =	simm.s32 $0x230;
	s14 =	simm.s32 $0x32A0  }
0x91: {  	[tilespmem:s14], [sflag:$0x3] =	stream.indirect.gather [hbm4b:s15+s28], $0x10, s13, s28, $0xb8;
	[tilespmem:$0x1B2A0] =	vst v63  }
0x92: {  	s19 =	simm.s32 $0xA00;
	s29 =	simm.s32 $0xAFA0  }
0x93: {  	[tilespmem:s29], [sflag:$0x3] =	stream.indirect.gather [hbm4b:s16+s28], $0x10, s19, s28, $0xb8;
	[tilespmem:$0x1B2A0] =	vst v63  }
0x94: {  	s11 =	simm.s32 $0x280;
	s12 =	simm.s32 $0x37A0  }
0x95: {  	[tilespmem:s12], [sflag:$0x3] =	stream.indirect.gather [hbm4b:s15+s28], $0x10, s11, s28, $0xb8;
	[tilespmem:$0x1B2A0] =	vst v63  }
0x96: {  	s13 =	simm.s32 $0xA50;
	s14 =	simm.s32 $0xB4A0  }
0x97: {  	[tilespmem:s14], [sflag:$0x3] =	stream.indirect.gather [hbm4b:s16+s28], $0x10, s13, s28, $0xb8;
	[tilespmem:$0x1B2A0] =	vst v63  }
0x98: {  	s19 =	simm.s32 $0x2D0;
	s29 =	simm.s32 $0x3CA0  }
0x99: {  	[tilespmem:s29], [sflag:$0x3] =	stream.indirect.gather [hbm4b:s15+s28], $0x10, s19, s28, $0xb8;
	[tilespmem:$0x1B2A0] =	vst v63  }
0x9a: {  	s11 =	simm.s32 $0xAA0;
	s12 =	simm.s32 $0xB9A0  }
0x9b: {  	[tilespmem:s12], [sflag:$0x3] =	stream.indirect.gather [hbm4b:s16+s28], $0x10, s11, s28, $0xb8;
	[tilespmem:$0x1B2A0] =	vst v63  }
0x9c: {  	_ =	swait.ge [sflag:s5], $0x500  }
0x9d: {  	[sflag:s5] =	ssyncset.done $0x0  }
0x9e: {  	[sflag:s5] =	ssyncadd.s32 $0xFFFFFB00  }
0x9f: {  	_ =	swait.ge [sflag:s5], $0x500  }
0xa0: {  	[sflag:s5] =	ssyncset.done $0x0  }
0xa1: {  	[sflag:s5] =	ssyncadd.s32 $0xFFFFFB00  }
0xa2: {  	_ =	swait.ge [sflag:s5], $0x500  }
0xa3: {  	[sflag:s5] =	ssyncset.done $0x0  }
0xa4: {  	[sflag:s5] =	ssyncadd.s32 $0xFFFFFB00  }
0xa5: {  	_ =	swait.ge [sflag:s5], $0x500  }
0xa6: {  	[sflag:s5] =	ssyncset.done $0x0  }
0xa7: {  	[sflag:s5] =	ssyncadd.s32 $0xFFFFFB00  }
0xa8: {  	_ =	swait.ge [sflag:s5], $0x500  }
0xa9: {  	[sflag:s5] =	ssyncset.done $0x0  }
0xaa: {  	[sflag:s5] =	ssyncadd.s32 $0xFFFFFB00  }
0xab: {  	_ =	swait.ge [sflag:s5], $0x500  }
0xac: {  	[sflag:s5] =	ssyncset.done $0x0  }
0xad: {  	[sflag:s5] =	ssyncadd.s32 $0xFFFFFB00  }
0xae: {  	_ =	swait.ge [sflag:s5], $0x500  }
0xaf: {  	[sflag:s5] =	ssyncset.done $0x0  }
0xb0: {  	[sflag:s5] =	ssyncadd.s32 $0xFFFFFB00  }
0xb1: {  	_ =	swait.ge [sflag:s5], $0x500  }
0xb2: {  	[sflag:s5] =	ssyncset.done $0x0  }
0xb3: {  	[sflag:s5] =	ssyncadd.s32 $0xFFFFFB00  }
0xb4: {  	_ =	swait.ge [sflag:s5], $0x500  }
0xb5: {  	[sflag:s5] =	ssyncset.done $0x0  }
0xb6: {  	[sflag:s5] =	ssyncadd.s32 $0xFFFFFB00  }
0xb7: {  	_ =	swait.ge [sflag:s5], $0x500  }
0xb8: {  	[sflag:s5] =	ssyncset.done $0x0  }
0xb9: {  	s13 =	simm.s32 $0x320;
	s14 =	simm.s32 $0x41A0;
	[sflag:s5] =	ssyncadd.s32 $0xFFFFFB00  }
0xba: {  	[tilespmem:s14], [sflag:$0x2] =	stream.indirect.gather [hbm4b:s15+s28], $0x10, s13, s28, $0xb8;
	[tilespmem:$0x1B2A0] =	vst v63  }
0xbb: {  	s19 =	simm.s32 $0xAF0;
	s29 =	simm.s32 $0xBEA0  }
0xbc: {  	[tilespmem:s29], [sflag:$0x2] =	stream.indirect.gather [hbm4b:s16+s28], $0x10, s19, s28, $0xb8;
	[tilespmem:$0x1B2A0] =	vst v63  }
0xbd: {  	s11 =	simm.s32 $0x370;
	s12 =	simm.s32 $0x46A0  }
0xbe: {  	[tilespmem:s12], [sflag:$0x2] =	stream.indirect.gather [hbm4b:s15+s28], $0x10, s11, s28, $0xb8;
	[tilespmem:$0x1B2A0] =	vst v63  }
0xbf: {  	s13 =	simm.s32 $0xB40;
	s14 =	simm.s32 $0xC3A0  }
0xc0: {  	[tilespmem:s14], [sflag:$0x2] =	stream.indirect.gather [hbm4b:s16+s28], $0x10, s13, s28, $0xb8;
	[tilespmem:$0x1B2A0] =	vst v63  }
0xc1: {  	s19 =	simm.s32 $0x3C0;
	s29 =	simm.s32 $0x4BA0  }
0xc2: {  	[tilespmem:s29], [sflag:$0x2] =	stream.indirect.gather [hbm4b:s15+s28], $0x10, s19, s28, $0xb8;
	[tilespmem:$0x1B2A0] =	vst v63  }
0xc3: {  	s11 =	simm.s32 $0xB90;
	s12 =	simm.s32 $0xC8A0  }
0xc4: {  	[tilespmem:s12], [sflag:$0x2] =	stream.indirect.gather [hbm4b:s16+s28], $0x10, s11, s28, $0xb8;
	[tilespmem:$0x1B2A0] =	vst v63  }
0xc5: {  	s13 =	simm.s32 $0x410;
	s14 =	simm.s32 $0x50A0  }
0xc6: {  	[tilespmem:s14], [sflag:$0x2] =	stream.indirect.gather [hbm4b:s15+s28], $0x10, s13, s28, $0xb8;
	[tilespmem:$0x1B2A0] =	vst v63  }
0xc7: {  	s19 =	simm.s32 $0xBE0;
	s29 =	simm.s32 $0xCDA0  }
0xc8: {  	[tilespmem:s29], [sflag:$0x2] =	stream.indirect.gather [hbm4b:s16+s28], $0x10, s19, s28, $0xb8;
	[tilespmem:$0x1B2A0] =	vst v63  }
0xc9: {  	s12 =	simm.s32 $0x460;
	s13 =	simm.s32 $0x55A0  }
0xca: {  	[tilespmem:s13], [sflag:$0x2] =	stream.indirect.gather [hbm4b:s15+s28], $0x10, s12, s28, $0xb8;
	[tilespmem:$0x1B2A0] =	vst v63  }
0xcb: {  	s11 =	simm.s32 $0x3;
	s14 =	simm.s32 $0xC30;
	s19 =	simm.s32 $0xD2A0  }
0xcc: {  	[tilespmem:s19], [sflag:$0x2] =	stream.indirect.gather [hbm4b:s16+s28], $0x10, s14, s28, $0xb8;
	[tilespmem:$0x1B2A0] =	vst v63  }
0xcd: {  	_ =	swait.ge [sflag:s11], $0x500  }
0xce: {  	[sflag:s11] =	ssyncset.done $0x0  }
0xcf: {  	[sflag:s11] =	ssyncadd.s32 $0xFFFFFB00  }
0xd0: {  	_ =	swait.ge [sflag:s11], $0x500  }
0xd1: {  	[sflag:s11] =	ssyncset.done $0x0  }
0xd2: {  	[sflag:s11] =	ssyncadd.s32 $0xFFFFFB00  }
0xd3: {  	_ =	swait.ge [sflag:s11], $0x500  }
0xd4: {  	[sflag:s11] =	ssyncset.done $0x0  }
0xd5: {  	[sflag:s11] =	ssyncadd.s32 $0xFFFFFB00  }
0xd6: {  	_ =	swait.ge [sflag:s11], $0x500  }
0xd7: {  	[sflag:s11] =	ssyncset.done $0x0  }
0xd8: {  	[sflag:s11] =	ssyncadd.s32 $0xFFFFFB00  }
0xd9: {  	_ =	swait.ge [sflag:s11], $0x500  }
0xda: {  	[sflag:s11] =	ssyncset.done $0x0  }
0xdb: {  	[sflag:s11] =	ssyncadd.s32 $0xFFFFFB00  }
0xdc: {  	_ =	swait.ge [sflag:s11], $0x500  }
0xdd: {  	[sflag:s11] =	ssyncset.done $0x0  }
0xde: {  	[sflag:s11] =	ssyncadd.s32 $0xFFFFFB00  }
0xdf: {  	_ =	swait.ge [sflag:s11], $0x500  }
0xe0: {  	[sflag:s11] =	ssyncset.done $0x0  }
0xe1: {  	[sflag:s11] =	ssyncadd.s32 $0xFFFFFB00  }
0xe2: {  	_ =	swait.ge [sflag:s11], $0x500  }
0xe3: {  	[sflag:s11] =	ssyncset.done $0x0  }
0xe4: {  	[sflag:s11] =	ssyncadd.s32 $0xFFFFFB00  }
0xe5: {  	_ =	swait.ge [sflag:s11], $0x500  }
0xe6: {  	[sflag:s11] =	ssyncset.done $0x0  }
0xe7: {  	[sflag:s11] =	ssyncadd.s32 $0xFFFFFB00  }
0xe8: {  	_ =	swait.ge [sflag:s11], $0x500  }
0xe9: {  	[sflag:s11] =	ssyncset.done $0x0  }
0xea: {  	s29 =	simm.s32 $0x4B0;
	s12 =	simm.s32 $0x5AA0;
	[sflag:s11] =	ssyncadd.s32 $0xFFFFFB00  }
0xeb: {  	[tilespmem:s12], [sflag:$0x3] =	stream.indirect.gather [hbm4b:s15+s28], $0x10, s29, s28, $0xb8;
	[tilespmem:$0x1B2A0] =	vst v63  }
0xec: {  	s13 =	simm.s32 $0xC80;
	s14 =	simm.s32 $0xD7A0  }
0xed: {  	[tilespmem:s14], [sflag:$0x3] =	stream.indirect.gather [hbm4b:s16+s28], $0x10, s13, s28, $0xb8;
	[tilespmem:$0x1B2A0] =	vst v63  }
0xee: {  	s19 =	simm.s32 $0x500;
	s29 =	simm.s32 $0x5FA0  }
0xef: {  	[tilespmem:s29], [sflag:$0x3] =	stream.indirect.gather [hbm4b:s15+s28], $0x10, s19, s28, $0xb8;
	[tilespmem:$0x1B2A0] =	vst v63  }
0xf0: {  	s13 =	simm.s32 $0xCD0;
	s14 =	simm.s32 $0xDCA0  }
0xf1: {  	[tilespmem:s14], [sflag:$0x3] =	stream.indirect.gather [hbm4b:s16+s28], $0x10, s13, s28, $0xb8;
	[tilespmem:$0x1B2A0] =	vst v63  }
0xf2: {  	s19 =	simm.s32 $0x550;
	s29 =	simm.s32 $0x64A0  }
0xf3: {  	[tilespmem:s29], [sflag:$0x3] =	stream.indirect.gather [hbm4b:s15+s28], $0x10, s19, s28, $0xb8;
	[tilespmem:$0x1B2A0] =	vst v63  }
0xf4: {  	s13 =	simm.s32 $0xD20;
	s14 =	simm.s32 $0xE1A0  }
0xf5: {  	[tilespmem:s14], [sflag:$0x3] =	stream.indirect.gather [hbm4b:s16+s28], $0x10, s13, s28, $0xb8;
	[tilespmem:$0x1B2A0] =	vst v63  }
0xf6: {  	s19 =	simm.s32 $0x5A0;
	s29 =	simm.s32 $0x69A0  }
0xf7: {  	[tilespmem:s29], [sflag:$0x3] =	stream.indirect.gather [hbm4b:s15+s28], $0x10, s19, s28, $0xb8;
	[tilespmem:$0x1B2A0] =	vst v63  }
0xf8: {  	s13 =	simm.s32 $0xD70;
	s14 =	simm.s32 $0xE6A0  }
0xf9: {  	[tilespmem:s14], [sflag:$0x3] =	stream.indirect.gather [hbm4b:s16+s28], $0x10, s13, s28, $0xb8;
	[tilespmem:$0x1B2A0] =	vst v63  }
0xfa: {  	s19 =	simm.s32 $0x5F0;
	s29 =	simm.s32 $0x6EA0  }
0xfb: {  	[tilespmem:s29], [sflag:$0x3] =	stream.indirect.gather [hbm4b:s15+s28], $0x10, s19, s28, $0xb8;
	[tilespmem:$0x1B2A0] =	vst v63  }
0xfc: {  	s13 =	simm.s32 $0xDC0;
	s14 =	simm.s32 $0xEBA0  }
0xfd: {  	[tilespmem:s14], [sflag:$0x3] =	stream.indirect.gather [hbm4b:s16+s28], $0x10, s13, s28, $0xb8;
	[tilespmem:$0x1B2A0] =	vst v63  }
0xfe: {  	_ =	swait.ge [sflag:s5], $0x500  }
0xff: {  	[sflag:s5] =	ssyncset.done $0x0  }
0x100: {  	[sflag:s5] =	ssyncadd.s32 $0xFFFFFB00  }
0x101: {  	_ =	swait.ge [sflag:s5], $0x500  }
0x102: {  	[sflag:s5] =	ssyncset.done $0x0  }
0x103: {  	[sflag:s5] =	ssyncadd.s32 $0xFFFFFB00  }
0x104: {  	_ =	swait.ge [sflag:s5], $0x500  }
0x105: {  	[sflag:s5] =	ssyncset.done $0x0  }
0x106: {  	[sflag:s5] =	ssyncadd.s32 $0xFFFFFB00  }
0x107: {  	_ =	swait.ge [sflag:s5], $0x500  }
0x108: {  	[sflag:s5] =	ssyncset.done $0x0  }
0x109: {  	[sflag:s5] =	ssyncadd.s32 $0xFFFFFB00  }
0x10a: {  	_ =	swait.ge [sflag:s5], $0x500  }
0x10b: {  	[sflag:s5] =	ssyncset.done $0x0  }
0x10c: {  	[sflag:s5] =	ssyncadd.s32 $0xFFFFFB00  }
0x10d: {  	_ =	swait.ge [sflag:s5], $0x500  }
0x10e: {  	[sflag:s5] =	ssyncset.done $0x0  }
0x10f: {  	[sflag:s5] =	ssyncadd.s32 $0xFFFFFB00  }
0x110: {  	_ =	swait.ge [sflag:s5], $0x500  }
0x111: {  	[sflag:s5] =	ssyncset.done $0x0  }
0x112: {  	[sflag:s5] =	ssyncadd.s32 $0xFFFFFB00  }
0x113: {  	_ =	swait.ge [sflag:s5], $0x500  }
0x114: {  	[sflag:s5] =	ssyncset.done $0x0  }
0x115: {  	[sflag:s5] =	ssyncadd.s32 $0xFFFFFB00  }
0x116: {  	_ =	swait.ge [sflag:s5], $0x500  }
0x117: {  	[sflag:s5] =	ssyncset.done $0x0  }
0x118: {  	[sflag:s5] =	ssyncadd.s32 $0xFFFFFB00  }
0x119: {  	_ =	swait.ge [sflag:s5], $0x500  }
0x11a: {  	[sflag:s5] =	ssyncset.done $0x0  }
0x11b: {  	s19 =	simm.s32 $0x640;
	s29 =	simm.s32 $0x73A0;
	[sflag:s5] =	ssyncadd.s32 $0xFFFFFB00  }
0x11c: {  	[tilespmem:s29], [sflag:$0x2] =	stream.indirect.gather [hbm4b:s15+s28], $0x10, s19, s28, $0xb8;
	[tilespmem:$0x1B2A0] =	vst v63  }
0x11d: {  	s13 =	simm.s32 $0xE10;
	s14 =	simm.s32 $0xF0A0  }
0x11e: {  	[tilespmem:s14], [sflag:$0x2] =	stream.indirect.gather [hbm4b:s16+s28], $0x10, s13, s28, $0xb8;
	[tilespmem:$0x1B2A0] =	vst v63  }
0x11f: {  	s19 =	simm.s32 $0x690;
	s29 =	simm.s32 $0x78A0  }
0x120: {  	[tilespmem:s29], [sflag:$0x2] =	stream.indirect.gather [hbm4b:s15+s28], $0x10, s19, s28, $0xb8;
	[tilespmem:$0x1B2A0] =	vst v63  }
0x121: {  	s13 =	simm.s32 $0xE60;
	s14 =	simm.s32 $0xF5A0  }
0x122: {  	[tilespmem:s14], [sflag:$0x2] =	stream.indirect.gather [hbm4b:s16+s28], $0x10, s13, s28, $0xb8;
	[tilespmem:$0x1B2A0] =	vst v63  }
0x123: {  	s19 =	simm.s32 $0x6E0;
	s29 =	simm.s32 $0x7DA0  }
0x124: {  	[tilespmem:s29], [sflag:$0x2] =	stream.indirect.gather [hbm4b:s15+s28], $0x10, s19, s28, $0xb8;
	[tilespmem:$0x1B2A0] =	vst v63  }
0x125: {  	s13 =	simm.s32 $0xEB0;
	s14 =	simm.s32 $0xFAA0  }
0x126: {  	[tilespmem:s14], [sflag:$0x2] =	stream.indirect.gather [hbm4b:s16+s28], $0x10, s13, s28, $0xb8;
	[tilespmem:$0x1B2A0] =	vst v63  }
0x127: {  	s19 =	simm.s32 $0x730;
	s29 =	simm.s32 $0x82A0  }
0x128: {  	[tilespmem:s29], [sflag:$0x2] =	stream.indirect.gather [hbm4b:s15+s28], $0x10, s19, s28, $0xb8;
	[tilespmem:$0x1B2A0] =	vst v63  }
0x129: {  	s12 =	simm.s32 $0xF00;
	s13 =	simm.s32 $0xFFA0  }
0x12a: {  	[tilespmem:s13], [sflag:$0x2] =	stream.indirect.gather [hbm4b:s16+s28], $0x10, s12, s28, $0xb8;
	[tilespmem:$0x1B2A0] =	vst v63  }
0x12b: {  	_ = 	snop  }
0x12c: {  	[tilespmem:s31], [sflag:$0x2] =	stream.indirect.gather [hbm4b:s15+s28], $0x10, s30, s28, $0xb8;
	[tilespmem:$0x1B2A0] =	vst v63  }
0x12d: {  	_ = 	snop  }
0x12e: {  	[tilespmem:s4], [sflag:$0x2] =	stream.indirect.gather [hbm4b:s16+s28], $0x10, s9, s28, $0xb8;
	[tilespmem:$0x1B2A0] =	vst v63  }
0x12f: {  	_ =	swait.ge [sflag:s11], $0x500  }
0x130: {  	[sflag:s11] =	ssyncset.done $0x0  }
0x131: {  	[sflag:s11] =	ssyncadd.s32 $0xFFFFFB00  }
0x132: {  	_ =	swait.ge [sflag:s11], $0x500  }
0x133: {  	[sflag:s11] =	ssyncset.done $0x0  }
0x134: {  	[sflag:s11] =	ssyncadd.s32 $0xFFFFFB00  }
0x135: {  	_ =	swait.ge [sflag:s11], $0x500  }
0x136: {  	[sflag:s11] =	ssyncset.done $0x0  }
0x137: {  	[sflag:s11] =	ssyncadd.s32 $0xFFFFFB00  }
0x138: {  	_ =	swait.ge [sflag:s11], $0x500  }
0x139: {  	[sflag:s11] =	ssyncset.done $0x0  }
0x13a: {  	[sflag:s11] =	ssyncadd.s32 $0xFFFFFB00  }
0x13b: {  	_ =	swait.ge [sflag:s11], $0x500  }
0x13c: {  	[sflag:s11] =	ssyncset.done $0x0  }
0x13d: {  	[sflag:s11] =	ssyncadd.s32 $0xFFFFFB00  }
0x13e: {  	_ =	swait.ge [sflag:s11], $0x500  }
0x13f: {  	[sflag:s11] =	ssyncset.done $0x0  }
0x140: {  	[sflag:s11] =	ssyncadd.s32 $0xFFFFFB00  }
0x141: {  	_ =	swait.ge [sflag:s11], $0x500  }
0x142: {  	[sflag:s11] =	ssyncset.done $0x0  }
0x143: {  	[sflag:s11] =	ssyncadd.s32 $0xFFFFFB00  }
0x144: {  	_ =	swait.ge [sflag:s11], $0x500  }
0x145: {  	[sflag:s11] =	ssyncset.done $0x0  }
0x146: {  	[sflag:s11] =	ssyncadd.s32 $0xFFFFFB00  }
0x147: {  	_ =	swait.ge [sflag:s11], $0x500  }
0x148: {  	[sflag:s11] =	ssyncset.done $0x0  }
0x149: {  	[sflag:s11] =	ssyncadd.s32 $0xFFFFFB00  }
0x14a: {  	_ =	swait.ge [sflag:s11], $0x500  }
0x14b: {  	[sflag:s11] =	ssyncset.done $0x0  }
0x14c: {  	[sflag:s11] =	ssyncadd.s32 $0xFFFFFB00  }
0x14d: {  	_ =	swait.ge [sflag:s5], $0x500  }
0x14e: {  	[sflag:s5] =	ssyncset.done $0x0  }
0x14f: {  	[sflag:s5] =	ssyncadd.s32 $0xFFFFFB00  }
0x150: {  	_ =	swait.ge [sflag:s5], $0x500  }
0x151: {  	[sflag:s5] =	ssyncset.done $0x0  }
0x152: {  	[sflag:s5] =	ssyncadd.s32 $0xFFFFFB00  }
0x153: {  	_ =	swait.ge [sflag:s5], $0x500  }
0x154: {  	[sflag:s5] =	ssyncset.done $0x0  }
0x155: {  	[sflag:s5] =	ssyncadd.s32 $0xFFFFFB00  }
0x156: {  	_ =	swait.ge [sflag:s5], $0x500  }
0x157: {  	[sflag:s5] =	ssyncset.done $0x0  }
0x158: {  	[sflag:s5] =	ssyncadd.s32 $0xFFFFFB00  }
0x159: {  	_ =	swait.ge [sflag:s5], $0x500  }
0x15a: {  	[sflag:s5] =	ssyncset.done $0x0  }
0x15b: {  	[sflag:s5] =	ssyncadd.s32 $0xFFFFFB00  }
0x15c: {  	_ =	swait.ge [sflag:s5], $0x500  }
0x15d: {  	[sflag:s5] =	ssyncset.done $0x0  }
0x15e: {  	[sflag:s5] =	ssyncadd.s32 $0xFFFFFB00  }
0x15f: {  	_ =	swait.ge [sflag:s5], $0x500  }
0x160: {  	[sflag:s5] =	ssyncset.done $0x0  }
0x161: {  	[sflag:s5] =	ssyncadd.s32 $0xFFFFFB00  }
0x162: {  	_ =	swait.ge [sflag:s5], $0x500  }
0x163: {  	[sflag:s5] =	ssyncset.done $0x0  }
0x164: {  	[sflag:s5] =	ssyncadd.s32 $0xFFFFFB00  }
0x165: {  	_ =	swait.ge [sflag:s5], $0x500  }
0x166: {  	s14 =	simm.s32 $0x0;
	[sflag:s5] =	ssyncset.done $0x0  }
0x167: {  	v2 =	vmov s14;
	[sflag:s5] =	ssyncadd.s32 $0xFFFFFB00  }
0x168: {  	v2 =	vand.u32 $0x3FC, v2;
	_ =	swait.ge [sflag:s5], $0x500  }
0x169: {  	v2 =	vadd.s32 v1, v2;
	[sflag:s5] =	ssyncset.done $0x0  }
0x16a: {  	s13 =	simm.s32 $0xFC0;
	[sflag:s5] =	ssyncadd.s32 $0xFFFFFB00  }
0x16b: {  	s12 =	simm.s32 $0x8CC0;
	v3 =	vld [tilespmem:s13+$0xFFFFFFE0]  }
0x16c: {  	v4 =	vld [tilespmem:s12+$0xFFFFFFE0];
	_ =	sdelay $0x1  }
0x16d: {  	v5 =	vld.idx.msk [tilespmem:v2+s25+$0x0], $0xffff;
	_ =	sdelay $0x2  }
0x16e: {  	v3 =	vadd.f32 v4, v3;
	_ =	sdelay $0x1  }
0x16f: {  	s19 =	simm.s32 $0x1;
	v3 =	vadd.f32 v3, v5  }
0x170: {  	v4 =	vmov s19  }
0x171: {  	v4 =	vand.u32 $0x3FD, v4;
	v3 =	vmax.f32 v3, $0.0e+00  }
0x172: {  	v4 =	vadd.s32 v1, v4;
	[tilespmem:s13+$0xFFFFFFE0] =	vst v3  }
0x173: {  	[tilespmem:v2+s6+$0x0] =	vst.idx.msk $0xffff, v3  }
0x174: {  	v2 =	vld [tilespmem:s13+$0xFFFFFFF0]  }
0x175: {  	v3 =	vld [tilespmem:s12+$0xFFFFFFF0];
	_ =	sdelay $0x1  }
0x176: {  	v5 =	vld.idx.msk [tilespmem:v4+s25+$0x0], $0xffff;
	_ =	sdelay $0x2  }
0x177: {  	v2 =	vadd.f32 v3, v2;
	_ =	sdelay $0x1  }
0x178: {  	s29 =	simm.s32 $0x2;
	v2 =	vadd.f32 v2, v5  }
0x179: {  	v3 =	vmov s29  }
0x17a: {  	v3 =	vand.u32 $0x3FE, v3;
	v2 =	vmax.f32 v2, $0.0e+00  }
0x17b: {  	v3 =	vadd.s32 v1, v3;
	[tilespmem:s13+$0xFFFFFFF0] =	vst v2  }
0x17c: {  	[tilespmem:v4+s6+$0x0] =	vst.idx.msk $0xffff, v2  }
0x17d: {  	v2 =	vld [tilespmem:s13+$0x0]  }
0x17e: {  	v4 =	vld [tilespmem:s12+$0x0];
	_ =	sdelay $0x1  }
0x17f: {  	v5 =	vld.idx.msk [tilespmem:v3+s25+$0x0], $0xffff;
	_ =	sdelay $0x2  }
0x180: {  	v2 =	vadd.f32 v4, v2;
	_ =	sdelay $0x1  }
0x181: {  	v2 =	vadd.f32 v2, v5;
	_ =	sdelay $0x1  }
0x182: {  	v2 =	vmax.f32 v2, $0.0e+00  }
0x183: {  	v4 =	vmov s11;
	[tilespmem:s13+$0x0] =	vst v2  }
0x184: {  	[tilespmem:v3+s6+$0x0] =	vst.idx.msk $0xffff, v2;
	v2 =	vand.u32 $0x3FF, v4  }
0x185: {  	v2 =	vadd.s32 v1, v2  }
0x186: {  	v4 =	vld [tilespmem:s13+$0x10]  }
0x187: {  	v6 =	vld [tilespmem:s12+$0x10];
	_ =	sdelay $0x2  }
0x188: {  	v3 =	vld.idx.msk [tilespmem:v2+s25+$0x0], $0xffff  }
0x189: {  	s14 =	simm.s32 $0x4  }
0x18a: {  	s0 =	simm.s32 $0xB;
	s19 =	simm.s32 $0xFC0;
	s11 =	simm.s32 $0x7;
	v5 =	vmov s14;
	v4 =	vadd.f32 v6, v4  }
.LBB2_5:
0x18b: {  	s12 =	sadd.s32 $0x40, s12  }
0x18c: {  	v5 =	vand.u32 $0x3FC, v5;
	s13 =	sadd.s32 $0x40, s13;
	s14 =	smov.u32 s0;
	s29 =	sadd.s32 $0x4, s0  }
0x18d: {  	p0 =	sne.s32 s0, $0x3E7;
	v5 =	vadd.s32 v1, v5;
	v3 =	vadd.f32 v4, v3;
	_ =	sdelay $0x1  }
0x18e: {  	v3 =	vmax.f32 v3, $0.0e+00  }
0x18f: {  	[tilespmem:s19+$0x10] =	vst v3;
	s19 =	smov.u32 s13  }
0x190: {  	[tilespmem:v2+s6+$0x0] =	vst.idx.msk $0xffff, v3  }
0x191: {  	v2 =	vld [tilespmem:s13+$0xFFFFFFE0]  }
0x192: {  	v3 =	vld [tilespmem:s12+$0xFFFFFFE0]  }
0x193: {  	v4 =	vld.idx.msk [tilespmem:v5+s25+$0x0], $0xffff;
	_ =	sdelay $0x3  }
0x194: {  	v2 =	vadd.f32 v3, v2  }
0x195: {  	s0 =	sadd.s32 $0xFFFFFFFE, s11  }
0x196: {  	v3 =	vmov s0;
	v2 =	vadd.f32 v2, v4  }
0x197: {  	v3 =	vand.u32 $0x3FD, v3  }
0x198: {  	v3 =	vadd.s32 v1, v3;
	v2 =	vmax.f32 v2, $0.0e+00  }
0x199: {  	[tilespmem:s13+$0xFFFFFFE0] =	vst v2  }
0x19a: {  	[tilespmem:v5+s6+$0x0] =	vst.idx.msk $0xffff, v2  }
0x19b: {  	v2 =	vld [tilespmem:s13+$0xFFFFFFF0]  }
0x19c: {  	v4 =	vld [tilespmem:s12+$0xFFFFFFF0]  }
0x19d: {  	v5 =	vld.idx.msk [tilespmem:v3+s25+$0x0], $0xffff;
	_ =	sdelay $0x3  }
0x19e: {  	v2 =	vadd.f32 v4, v2  }
0x19f: {  	s0 =	sadd.s32 $0xFFFFFFFF, s11  }
0x1a0: {  	v4 =	vmov s0;
	v2 =	vadd.f32 v2, v5  }
0x1a1: {  	v4 =	vand.u32 $0x3FE, v4  }
0x1a2: {  	v4 =	vadd.s32 v1, v4;
	v2 =	vmax.f32 v2, $0.0e+00  }
0x1a3: {  	[tilespmem:s13+$0xFFFFFFF0] =	vst v2  }
0x1a4: {  	[tilespmem:v3+s6+$0x0] =	vst.idx.msk $0xffff, v2  }
0x1a5: {  	v2 =	vld [tilespmem:s13+$0x0]  }
0x1a6: {  	v3 =	vld [tilespmem:s12+$0x0]  }
0x1a7: {  	v5 =	vld.idx.msk [tilespmem:v4+s25+$0x0], $0xffff;
	_ =	sdelay $0x3  }
0x1a8: {  	v2 =	vadd.f32 v3, v2;
	_ =	sdelay $0x1  }
0x1a9: {  	v3 =	vmov s11;
	s11 =	smov.u32 s14;
	v2 =	vadd.f32 v2, v5  }
0x1aa: {  	v3 =	vand.u32 $0x3FF, v3  }
0x1ab: {  	v5 =	vmax.f32 v2, $0.0e+00;
	v2 =	vadd.s32 v1, v3  }
0x1ac: {  	[tilespmem:s13+$0x0] =	vst v5  }
0x1ad: {  	[tilespmem:v4+s6+$0x0] =	vst.idx.msk $0xffff, v5  }
0x1ae: {  	v4 =	vld [tilespmem:s13+$0x10]  }
0x1af: {  	v6 =	vld [tilespmem:s12+$0x10]  }
.Ltmp1:
0x1b0: {  	v3 =	vld.idx.msk [tilespmem:v2+s25+$0x0], $0xffff;
	(pc) =	sbr.rel @p0 .LBB2_5-.Ltmp1, $3  }
0x1b1: {  	_ =	sdelay $0x1  }
0x1b2: {  	s0 =	sadd.s32 $0xFFFFFFFD, s11  }
0x1b3: {  	v5 =	vmov s0;
	s0 =	smov.u32 s29;
	v4 =	vadd.f32 v6, v4  }
0x1b4: {  	_ = 	snop  }
0x1b5: {  	v3 =	vadd.f32 v4, v3;
	_ =	sdelay $0x1  }
0x1b6: {  	v4 =	vand.u32 $0x3FC, v5;
	v3 =	vmax.f32 v3, $0.0e+00  }
0x1b7: {  	v4 =	vadd.s32 v1, v4;
	[tilespmem:s19+$0x10] =	vst v3  }
0x1b8: {  	s0 =	sadd.s32 $0x40, s13;
	[tilespmem:v2+s6+$0x0] =	vst.idx.msk $0xffff, v3  }
0x1b9: {  	s12 =	sadd.s32 $0x40, s12;
	v2 =	vld [tilespmem:s0+$0xFFFFFFE0]  }
0x1ba: {  	v3 =	vld [tilespmem:s12+$0xFFFFFFE0];
	_ =	sdelay $0x1  }
0x1bb: {  	v5 =	vld.idx.msk [tilespmem:v4+s25+$0x0], $0xffff;
	_ =	sdelay $0x2  }
0x1bc: {  	v2 =	vadd.f32 v3, v2;
	_ =	sdelay $0x1  }
0x1bd: {  	s19 =	sadd.s32 $0xFFFFFFFE, s11;
	v2 =	vadd.f32 v2, v5  }
0x1be: {  	v3 =	vmov s19  }
0x1bf: {  	v3 =	vand.u32 $0x3FD, v3;
	v2 =	vmax.f32 v2, $0.0e+00  }
0x1c0: {  	v3 =	vadd.s32 v1, v3;
	[tilespmem:s0+$0xFFFFFFE0] =	vst v2  }
0x1c1: {  	[tilespmem:v4+s6+$0x0] =	vst.idx.msk $0xffff, v2  }
0x1c2: {  	v2 =	vld [tilespmem:s0+$0xFFFFFFF0]  }
0x1c3: {  	v4 =	vld [tilespmem:s12+$0xFFFFFFF0];
	_ =	sdelay $0x1  }
0x1c4: {  	v5 =	vld.idx.msk [tilespmem:v3+s25+$0x0], $0xffff;
	_ =	sdelay $0x2  }
0x1c5: {  	v2 =	vadd.f32 v4, v2;
	_ =	sdelay $0x1  }
0x1c6: {  	s29 =	sadd.s32 $0xFFFFFFFF, s11;
	v2 =	vadd.f32 v2, v5  }
0x1c7: {  	v4 =	vmov s29  }
0x1c8: {  	v4 =	vand.u32 $0x3FE, v4;
	v2 =	vmax.f32 v2, $0.0e+00  }
0x1c9: {  	v4 =	vadd.s32 v1, v4;
	[tilespmem:s0+$0xFFFFFFF0] =	vst v2  }
0x1ca: {  	[tilespmem:v3+s6+$0x0] =	vst.idx.msk $0xffff, v2  }
0x1cb: {  	v2 =	vld [tilespmem:s0+$0x0]  }
0x1cc: {  	v3 =	vld [tilespmem:s12+$0x0];
	_ =	sdelay $0x1  }
0x1cd: {  	v5 =	vld.idx.msk [tilespmem:v4+s25+$0x0], $0xffff;
	_ =	sdelay $0x2  }
0x1ce: {  	v2 =	vadd.f32 v3, v2;
	_ =	sdelay $0x1  }
0x1cf: {  	v2 =	vadd.f32 v2, v5  }
0x1d0: {  	v3 =	vmov s11  }
0x1d1: {  	v3 =	vand.u32 $0x3FF, v3;
	v2 =	vmax.f32 v2, $0.0e+00  }
0x1d2: {  	v3 =	vadd.s32 v1, v3;
	[tilespmem:s0+$0x0] =	vst v2  }
0x1d3: {  	[tilespmem:v4+s6+$0x0] =	vst.idx.msk $0xffff, v2  }
0x1d4: {  	v2 =	vld [tilespmem:s0+$0x10]  }
0x1d5: {  	v4 =	vld [tilespmem:s12+$0x10];
	_ =	sdelay $0x1  }
0x1d6: {  	v5 =	vld.idx.msk [tilespmem:v3+s25+$0x0], $0xffff;
	_ =	sdelay $0x2  }
0x1d7: {  	v2 =	vadd.f32 v4, v2;
	_ =	sdelay $0x1  }
0x1d8: {  	v2 =	vadd.f32 v2, v5;
	_ =	sdelay $0x1  }
0x1d9: {  	v2 =	vmax.f32 v2, $0.0e+00  }
0x1da: {  	[tilespmem:s0+$0x10] =	vst v2  }
0x1db: {  	s10 =	sadd.s32 s18, s10;
	[tilespmem:v3+s6+$0x0] =	vst.idx.msk $0xffff, v2  }
0x1dc: {  	[hbm4b:s10+s23] =	stream.strided.scatter [tilespmem:s6], [sflag:$0x4], $0x3E80, s24, s23, $0x38;
	[tilespmem:$0x1B2A0] =	vst v63  }
0x1dd: {  	s11 =	sadd.s32 $0x3E8, s8;
	_ =	swait.ge [sflag:s21], $0x3E80  }
0x1de: {  	s8 =	sshrl.u32 s11, $0x3;
	[sflag:s21] =	ssyncset.done $0x0  }
0x1df: {  	s12 =	simm.s32 $0x0;
	s0 =	sadd.s32 s17, s8;
	[sflag:s21] =	ssyncadd.s32 $0xFFFFC180  }
0x1e0: {  	v2 =	vmov s12;
	[tilespmem:s25], [sflag:$0x4] =	stream.strided.gather [hbm4b:s0+s23], $0x3E80, s24, s23, $0x38;
	[tilespmem:$0x1B2A0] =	vst v63  }
0x1e1: {  	v2 =	vand.u32 $0x3FC, v2;
	_ =	swait.ge [sflag:s21], $0x3E80  }
0x1e2: {  	v2 =	vadd.s32 v1, v2;
	[sflag:s21] =	ssyncset.done $0x0  }
0x1e3: {  	s11 =	simm.s32 $0x4E50;
	[sflag:s21] =	ssyncadd.s32 $0xFFFFC180  }
0x1e4: {  	s10 =	simm.s32 $0xCB50;
	v3 =	vld [tilespmem:s11+$0xFFFFFFD0]  }
0x1e5: {  	v4 =	vld [tilespmem:s10+$0xFFFFFFD0];
	_ =	sdelay $0x1  }
0x1e6: {  	v5 =	vld.idx.msk [tilespmem:v2+s25+$0x0], $0xffff;
	_ =	sdelay $0x2  }
0x1e7: {  	v3 =	vadd.f32 v4, v3;
	_ =	sdelay $0x1  }
0x1e8: {  	s13 =	simm.s32 $0x1;
	v3 =	vadd.f32 v3, v5  }
0x1e9: {  	v4 =	vmov s13  }
0x1ea: {  	v4 =	vand.u32 $0x3FD, v4;
	v3 =	vmax.f32 v3, $0.0e+00  }
0x1eb: {  	v4 =	vadd.s32 v1, v4;
	[tilespmem:s11+$0xFFFFFFD0] =	vst v3  }
0x1ec: {  	[tilespmem:v2+s6+$0x0] =	vst.idx.msk $0xffff, v3  }
0x1ed: {  	v2 =	vld [tilespmem:s11+$0xFFFFFFE0]  }
0x1ee: {  	v3 =	vld [tilespmem:s10+$0xFFFFFFE0];
	_ =	sdelay $0x1  }
0x1ef: {  	v5 =	vld.idx.msk [tilespmem:v4+s25+$0x0], $0xffff;
	_ =	sdelay $0x2  }
0x1f0: {  	v2 =	vadd.f32 v3, v2;
	_ =	sdelay $0x1  }
0x1f1: {  	s14 =	simm.s32 $0x2;
	v2 =	vadd.f32 v2, v5  }
0x1f2: {  	v3 =	vmov s14  }
0x1f3: {  	v3 =	vand.u32 $0x3FE, v3;
	v2 =	vmax.f32 v2, $0.0e+00  }
0x1f4: {  	v3 =	vadd.s32 v1, v3;
	[tilespmem:s11+$0xFFFFFFE0] =	vst v2  }
0x1f5: {  	[tilespmem:v4+s6+$0x0] =	vst.idx.msk $0xffff, v2  }
0x1f6: {  	v2 =	vld [tilespmem:s11+$0xFFFFFFF0]  }
0x1f7: {  	v4 =	vld [tilespmem:s10+$0xFFFFFFF0];
	_ =	sdelay $0x1  }
0x1f8: {  	v5 =	vld.idx.msk [tilespmem:v3+s25+$0x0], $0xffff;
	_ =	sdelay $0x2  }
0x1f9: {  	v2 =	vadd.f32 v4, v2;
	_ =	sdelay $0x1  }
0x1fa: {  	v2 =	vadd.f32 v2, v5;
	_ =	sdelay $0x1  }
0x1fb: {  	s19 =	simm.s32 $0x3;
	v2 =	vmax.f32 v2, $0.0e+00  }
0x1fc: {  	v4 =	vmov s19;
	[tilespmem:s11+$0xFFFFFFF0] =	vst v2  }
0x1fd: {  	[tilespmem:v3+s6+$0x0] =	vst.idx.msk $0xffff, v2;
	v2 =	vand.u32 $0x3FF, v4  }
0x1fe: {  	v2 =	vadd.s32 v1, v2  }
0x1ff: {  	v4 =	vld [tilespmem:s11+$0x0]  }
0x200: {  	v6 =	vld [tilespmem:s10+$0x0];
	_ =	sdelay $0x2  }
0x201: {  	v3 =	vld.idx.msk [tilespmem:v2+s25+$0x0], $0xffff  }
0x202: {  	s29 =	simm.s32 $0x4  }
0x203: {  	s12 =	simm.s32 $0x7;
	s13 =	simm.s32 $0x4E50;
	s19 =	simm.s32 $0xB;
	v5 =	vmov s29;
	v4 =	vadd.f32 v6, v4  }
.LBB2_7:
0x204: {  	s11 =	sadd.s32 $0x40, s11  }
0x205: {  	v5 =	vand.u32 $0x3FC, v5;
	s10 =	sadd.s32 $0x40, s10;
	s14 =	smov.u32 s19;
	s0 =	sadd.s32 $0x4, s19  }
0x206: {  	p0 =	sne.s32 s19, $0x3E7;
	v5 =	vadd.s32 v1, v5;
	v3 =	vadd.f32 v4, v3;
	_ =	sdelay $0x1  }
0x207: {  	v3 =	vmax.f32 v3, $0.0e+00  }
0x208: {  	[tilespmem:s13+$0x0] =	vst v3;
	s13 =	smov.u32 s11  }
0x209: {  	[tilespmem:v2+s6+$0x0] =	vst.idx.msk $0xffff, v3  }
0x20a: {  	v2 =	vld [tilespmem:s11+$0xFFFFFFD0]  }
0x20b: {  	v3 =	vld [tilespmem:s10+$0xFFFFFFD0]  }
0x20c: {  	v4 =	vld.idx.msk [tilespmem:v5+s25+$0x0], $0xffff;
	_ =	sdelay $0x3  }
0x20d: {  	v2 =	vadd.f32 v3, v2  }
0x20e: {  	s19 =	sadd.s32 $0xFFFFFFFE, s12  }
0x20f: {  	v3 =	vmov s19;
	v2 =	vadd.f32 v2, v4  }
0x210: {  	v3 =	vand.u32 $0x3FD, v3  }
0x211: {  	v3 =	vadd.s32 v1, v3;
	v2 =	vmax.f32 v2, $0.0e+00  }
0x212: {  	[tilespmem:s11+$0xFFFFFFD0] =	vst v2  }
0x213: {  	[tilespmem:v5+s6+$0x0] =	vst.idx.msk $0xffff, v2  }
0x214: {  	v2 =	vld [tilespmem:s11+$0xFFFFFFE0]  }
0x215: {  	v4 =	vld [tilespmem:s10+$0xFFFFFFE0]  }
0x216: {  	v5 =	vld.idx.msk [tilespmem:v3+s25+$0x0], $0xffff;
	_ =	sdelay $0x3  }
0x217: {  	v2 =	vadd.f32 v4, v2  }
0x218: {  	s19 =	sadd.s32 $0xFFFFFFFF, s12  }
0x219: {  	v4 =	vmov s19;
	v2 =	vadd.f32 v2, v5  }
0x21a: {  	v4 =	vand.u32 $0x3FE, v4  }
0x21b: {  	v4 =	vadd.s32 v1, v4;
	v2 =	vmax.f32 v2, $0.0e+00  }
0x21c: {  	[tilespmem:s11+$0xFFFFFFE0] =	vst v2  }
0x21d: {  	[tilespmem:v3+s6+$0x0] =	vst.idx.msk $0xffff, v2  }
0x21e: {  	v2 =	vld [tilespmem:s11+$0xFFFFFFF0]  }
0x21f: {  	v3 =	vld [tilespmem:s10+$0xFFFFFFF0]  }
0x220: {  	v5 =	vld.idx.msk [tilespmem:v4+s25+$0x0], $0xffff;
	_ =	sdelay $0x3  }
0x221: {  	v2 =	vadd.f32 v3, v2;
	_ =	sdelay $0x1  }
0x222: {  	v3 =	vmov s12;
	s12 =	smov.u32 s14;
	v2 =	vadd.f32 v2, v5  }
0x223: {  	v3 =	vand.u32 $0x3FF, v3  }
0x224: {  	v5 =	vmax.f32 v2, $0.0e+00;
	v2 =	vadd.s32 v1, v3  }
0x225: {  	[tilespmem:s11+$0xFFFFFFF0] =	vst v5  }
0x226: {  	[tilespmem:v4+s6+$0x0] =	vst.idx.msk $0xffff, v5  }
0x227: {  	v4 =	vld [tilespmem:s11+$0x0]  }
0x228: {  	v6 =	vld [tilespmem:s10+$0x0]  }
.Ltmp2:
0x229: {  	v3 =	vld.idx.msk [tilespmem:v2+s25+$0x0], $0xffff;
	(pc) =	sbr.rel @p0 .LBB2_7-.Ltmp2, $3  }
0x22a: {  	_ =	sdelay $0x1  }
0x22b: {  	s14 =	sadd.s32 $0xFFFFFFFD, s12  }
0x22c: {  	s19 =	smov.u32 s0;
	v5 =	vmov s14;
	v4 =	vadd.f32 v6, v4  }
0x22d: {  	_ = 	snop  }
0x22e: {  	v3 =	vadd.f32 v4, v3;
	_ =	sdelay $0x1  }
0x22f: {  	v58 =	vand.u32 $0x3FC, v5;
	v3 =	vmax.f32 v3, $0.0e+00  }
0x230: {  	v4 =	vadd.s32 v1, v58;
	[tilespmem:s13+$0x0] =	vst v3  }
0x231: {  	s0 =	sadd.s32 $0x40, s11;
	[tilespmem:v2+s6+$0x0] =	vst.idx.msk $0xffff, v3  }
0x232: {  	s10 =	sadd.s32 $0x40, s10;
	v2 =	vld [tilespmem:s0+$0xFFFFFFD0]  }
0x233: {  	v3 =	vld [tilespmem:s10+$0xFFFFFFD0];
	_ =	sdelay $0x1  }
0x234: {  	v59 =	vld.idx.msk [tilespmem:v4+s25+$0x0], $0xffff;
	_ =	sdelay $0x2  }
0x235: {  	v2 =	vadd.f32 v3, v2;
	_ =	sdelay $0x1  }
0x236: {  	s13 =	sadd.s32 $0xFFFFFFFE, s12;
	v2 =	vadd.f32 v2, v59  }
0x237: {  	v3 =	vmov s13  }
0x238: {  	v3 =	vand.u32 $0x3FD, v3;
	v2 =	vmax.f32 v2, $0.0e+00  }
0x239: {  	v3 =	vadd.s32 v1, v3;
	[tilespmem:s0+$0xFFFFFFD0] =	vst v2  }
0x23a: {  	[tilespmem:v4+s6+$0x0] =	vst.idx.msk $0xffff, v2  }
0x23b: {  	v2 =	vld [tilespmem:s0+$0xFFFFFFE0]  }
0x23c: {  	v4 =	vld [tilespmem:s10+$0xFFFFFFE0];
	_ =	sdelay $0x1  }
0x23d: {  	v60 =	vld.idx.msk [tilespmem:v3+s25+$0x0], $0xffff;
	_ =	sdelay $0x2  }
0x23e: {  	v2 =	vadd.f32 v4, v2;
	_ =	sdelay $0x1  }
0x23f: {  	s14 =	sadd.s32 $0xFFFFFFFF, s12;
	v2 =	vadd.f32 v2, v60  }
0x240: {  	v61 =	vmov s14  }
0x241: {  	v4 =	vand.u32 $0x3FE, v61;
	v2 =	vmax.f32 v2, $0.0e+00  }
0x242: {  	v4 =	vadd.s32 v1, v4;
	[tilespmem:s0+$0xFFFFFFE0] =	vst v2  }
0x243: {  	[tilespmem:v3+s6+$0x0] =	vst.idx.msk $0xffff, v2  }
0x244: {  	v2 =	vld [tilespmem:s0+$0xFFFFFFF0]  }
0x245: {  	v3 =	vld [tilespmem:s10+$0xFFFFFFF0];
	_ =	sdelay $0x1  }
0x246: {  	v62 =	vld.idx.msk [tilespmem:v4+s25+$0x0], $0xffff;
	_ =	sdelay $0x2  }
0x247: {  	v2 =	vadd.f32 v3, v2;
	_ =	sdelay $0x1  }
0x248: {  	v2 =	vadd.f32 v2, v62  }
0x249: {  	v3 =	vmov s12  }
0x24a: {  	v3 =	vand.u32 $0x3FF, v3;
	v2 =	vmax.f32 v2, $0.0e+00  }
0x24b: {  	v3 =	vadd.s32 v1, v3;
	[tilespmem:s0+$0xFFFFFFF0] =	vst v2  }
0x24c: {  	[tilespmem:v4+s6+$0x0] =	vst.idx.msk $0xffff, v2  }
0x24d: {  	v2 =	vld [tilespmem:s0+$0x0]  }
0x24e: {  	v4 =	vld [tilespmem:s10+$0x0];
	_ =	sdelay $0x1  }
0x24f: {  	v63 =	vld.idx.msk [tilespmem:v3+s25+$0x0], $0xffff;
	_ =	sdelay $0x2  }
0x250: {  	v2 =	vadd.f32 v4, v2;
	_ =	sdelay $0x1  }
0x251: {  	v2 =	vadd.f32 v2, v63;
	_ =	sdelay $0x1  }
0x252: {  	v2 =	vmax.f32 v2, $0.0e+00  }
0x253: {  	[tilespmem:s0+$0x0] =	vst v2  }
0x254: {  	s19 =	sadd.s32 s18, s8;
	[tilespmem:v3+s6+$0x0] =	vst.idx.msk $0xffff, v2  }
0x255: {  	[hbm4b:s19+s23] =	stream.strided.scatter [tilespmem:s6], [sflag:$0x4], $0x3E80, s24, s23, $0x38;
	[tilespmem:$0x1B2A0] =	vst v63  }
0x256: {  	_ =	swait.ge [sflag:s21], $0x3E80  }
0x257: {  	[sflag:s21] =	ssyncset.done $0x0  }
0x258: {  	s29 =	simm.s32 $0x7D0;
	s0 =	simm.s32 $0xFA0;
	[sflag:s21] =	ssyncadd.s32 $0xFFFFC180  }
0x259: {  	[spmem:s1] =	stream.indirect.scatter.add.f32 [tilespmem:s0], [sflag:$0x4], $0x10, s29, s28, $0xb8;
	[tilespmem:$0x1B2A0] =	vst v63  }
0x25a: {  	s8 =	simm.s32 $0x140;
	_ =	swait.ge [sflag:s21], $0x500  }
.LBB2_9:
0x25b: {  	s10 =	sshra.s32 s8, $0x2  }
0x25c: {  	[sflag:s21] =	ssyncset.done $0x0;
	s0 =	sadd.s32 $0x500, s0;
	p0 =	sne.s32 s8, $0x1E00  }
.Ltmp3:
0x25d: {  	s10 =	sadd.s32 $0x7D0, s10;
	[sflag:s21] =	ssyncadd.s32 $0xFFFFFB00;
	(pc) =	sbr.rel @p0 .LBB2_9-.Ltmp3, $3  }
0x25e: {  	[spmem:s1] =	stream.indirect.scatter.add.f32 [tilespmem:s0], [sflag:$0x4], $0x10, s10, s28, $0xb8;
	[tilespmem:$0x1B2A0] =	vst v63  }
0x25f: {  	s8 =	sadd.s32 $0x140, s8;
	_ =	sdelay $0x1  }
0x260: {  	_ =	swait.ge [sflag:s21], $0x500  }
0x261: {  	s7 =	sadd.s32 $0x1, s7  }
0x262: {  	p0 =	sne.s32 s7, $0x5  }
.Ltmp4:
0x263: {  	_ = 	snop;
	(pc) =	sbr.rel @p0 .LBB2_4-.Ltmp4, $3  }
0x264: {  	_ =	sdelay $0x1  }
0x265: {  	[sflag:s21] =	ssyncset.done $0x0  }
0x266: {  	[sflag:s21] =	ssyncadd.s32 $0xFFFFFB00  }
0x267: {  	[bflag:$0x0] =	sbarrier.arrive $0xFFFF  }
0x268: {  	s8 =	simm.s32 $0x186A0;
	s0 =	rddreg [dreg:$0xf]  }
0x269: {  	[tilespmem:s8], [sflag:$0x4] =	stream.linear.gather [spmem:s0], $0x400, $0x38;
	[tilespmem:$0x1B2A0] =	vst v63  }
0x26a: {  	_ =	swait.ge [sflag:s21], $0x400  }
0x26b: {  	[sflag:s21] =	ssyncset.done $0x0  }
0x26c: {  	s13 =	rddreg [dreg:$0x4];
	[sflag:s21] =	ssyncadd.s32 $0xFFFFFC00  }
0x26d: {  	[hbm4b:s13+s3] =	stream.linear.scatter [tilespmem:s8], [sflag:$0x4], $0x400, $0x38;
	[tilespmem:$0x1B2A0] =	vst v63  }
0x26e: {  	_ =	swait.ge [sflag:s21], $0x400  }
0x26f: {  	[sflag:s21] =	ssyncset.done $0x0  }
0x270: {  	s14 =	rddreg [dreg:$0x11];
	[sflag:s21] =	ssyncadd.s32 $0xFFFFFC00  }
0x271: {  	[tilespmem:s8], [sflag:$0x4] =	stream.linear.gather [spmem:s14], $0x400, $0x38;
	[tilespmem:$0x1B2A0] =	vst v63  }
0x272: {  	_ =	swait.ge [sflag:s21], $0x400  }
0x273: {  	[sflag:s21] =	ssyncset.done $0x0  }
0x274: {  	s19 =	rddreg [dreg:$0x5];
	[sflag:s21] =	ssyncadd.s32 $0xFFFFFC00  }
0x275: {  	[hbm4b:s19+s3] =	stream.linear.scatter [tilespmem:s8], [sflag:$0x4], $0x400, $0x38;
	[tilespmem:$0x1B2A0] =	vst v63  }
0x276: {  	_ =	swait.ge [sflag:s21], $0x400  }
0x277: {  	[sflag:s21] =	ssyncset.done $0x0  }
0x278: {  	s29 =	rddreg [dreg:$0x12];
	[sflag:s21] =	ssyncadd.s32 $0xFFFFFC00  }
0x279: {  	[tilespmem:s8], [sflag:$0x4] =	stream.linear.gather [spmem:s29], $0x400, $0x38;
	[tilespmem:$0x1B2A0] =	vst v63  }
0x27a: {  	_ =	swait.ge [sflag:s21], $0x400  }
0x27b: {  	[sflag:s21] =	ssyncset.done $0x0  }
0x27c: {  	s7 =	rddreg [dreg:$0x6];
	[sflag:s21] =	ssyncadd.s32 $0xFFFFFC00  }
0x27d: {  	[hbm4b:s7+s3] =	stream.linear.scatter [tilespmem:s8], [sflag:$0x4], $0x400, $0x38;
	[tilespmem:$0x1B2A0] =	vst v63  }
0x27e: {  	_ =	swait.ge [sflag:s21], $0x400  }
0x27f: {  	[sflag:s21] =	ssyncset.done $0x0  }
0x280: {  	s10 =	rddreg [dreg:$0x13];
	[sflag:s21] =	ssyncadd.s32 $0xFFFFFC00  }
0x281: {  	[tilespmem:s8], [sflag:$0x4] =	stream.linear.gather [spmem:s10], $0x400, $0x38;
	[tilespmem:$0x1B2A0] =	vst v63  }
0x282: {  	_ =	swait.ge [sflag:s21], $0x400  }
0x283: {  	[sflag:s21] =	ssyncset.done $0x0  }
0x284: {  	s11 =	rddreg [dreg:$0x7];
	[sflag:s21] =	ssyncadd.s32 $0xFFFFFC00  }
0x285: {  	[hbm4b:s11+s3] =	stream.linear.scatter [tilespmem:s8], [sflag:$0x4], $0x400, $0x38;
	[tilespmem:$0x1B2A0] =	vst v63  }
0x286: {  	_ =	swait.ge [sflag:s21], $0x400  }
0x287: {  	[sflag:s21] =	ssyncset.done $0x0  }
0x288: {  	s12 =	rddreg [dreg:$0x14];
	[sflag:s21] =	ssyncadd.s32 $0xFFFFFC00  }
0x289: {  	[tilespmem:s8], [sflag:$0x4] =	stream.linear.gather [spmem:s12], $0x400, $0x38;
	[tilespmem:$0x1B2A0] =	vst v63  }
0x28a: {  	_ =	swait.ge [sflag:s21], $0x400  }
0x28b: {  	[sflag:s21] =	ssyncset.done $0x0  }
0x28c: {  	s13 =	rddreg [dreg:$0x8];
	[sflag:s21] =	ssyncadd.s32 $0xFFFFFC00  }
0x28d: {  	[hbm4b:s13+s3] =	stream.linear.scatter [tilespmem:s8], [sflag:$0x4], $0x400, $0x38;
	[tilespmem:$0x1B2A0] =	vst v63  }
0x28e: {  	_ =	swait.ge [sflag:s21], $0x400  }
0x28f: {  	[sflag:s21] =	ssyncset.done $0x0  }
0x290: {  	s14 =	rddreg [dreg:$0x15];
	[sflag:s21] =	ssyncadd.s32 $0xFFFFFC00  }
0x291: {  	[tilespmem:s8], [sflag:$0x4] =	stream.linear.gather [spmem:s14], $0x400, $0x38;
	[tilespmem:$0x1B2A0] =	vst v63  }
0x292: {  	_ =	swait.ge [sflag:s21], $0x400  }
0x293: {  	[sflag:s21] =	ssyncset.done $0x0  }
0x294: {  	s19 =	rddreg [dreg:$0x9];
	[sflag:s21] =	ssyncadd.s32 $0xFFFFFC00  }
0x295: {  	[hbm4b:s19+s3] =	stream.linear.scatter [tilespmem:s8], [sflag:$0x4], $0x400, $0x38;
	[tilespmem:$0x1B2A0] =	vst v63  }
0x296: {  	_ =	swait.ge [sflag:s21], $0x400  }
0x297: {  	[sflag:s21] =	ssyncset.done $0x0  }
0x298: {  	s29 =	rddreg [dreg:$0x16];
	[sflag:s21] =	ssyncadd.s32 $0xFFFFFC00  }
0x299: {  	[tilespmem:s8], [sflag:$0x4] =	stream.linear.gather [spmem:s29], $0x400, $0x38;
	[tilespmem:$0x1B2A0] =	vst v63  }
0x29a: {  	_ =	swait.ge [sflag:s21], $0x400  }
0x29b: {  	[sflag:s21] =	ssyncset.done $0x0  }
0x29c: {  	s7 =	rddreg [dreg:$0xa];
	[sflag:s21] =	ssyncadd.s32 $0xFFFFFC00  }
0x29d: {  	[hbm4b:s7+s3] =	stream.linear.scatter [tilespmem:s8], [sflag:$0x4], $0x400, $0x38;
	[tilespmem:$0x1B2A0] =	vst v63  }
0x29e: {  	_ =	swait.ge [sflag:s21], $0x400  }
0x29f: {  	[sflag:s21] =	ssyncset.done $0x0  }
0x2a0: {  	s10 =	rddreg [dreg:$0x17];
	[sflag:s21] =	ssyncadd.s32 $0xFFFFFC00  }
0x2a1: {  	[tilespmem:s8], [sflag:$0x4] =	stream.linear.gather [spmem:s10], $0x400, $0x38;
	[tilespmem:$0x1B2A0] =	vst v63  }
0x2a2: {  	_ =	swait.ge [sflag:s21], $0x400  }
0x2a3: {  	[sflag:s21] =	ssyncset.done $0x0  }
0x2a4: {  	s11 =	rddreg [dreg:$0xb];
	[sflag:s21] =	ssyncadd.s32 $0xFFFFFC00  }
0x2a5: {  	[hbm4b:s11+s3] =	stream.linear.scatter [tilespmem:s8], [sflag:$0x4], $0x400, $0x38;
	[tilespmem:$0x1B2A0] =	vst v63  }
0x2a6: {  	_ =	swait.ge [sflag:s21], $0x400  }
0x2a7: {  	[sflag:s21] =	ssyncset.done $0x0  }
0x2a8: {  	s12 =	rddreg [dreg:$0x18];
	[sflag:s21] =	ssyncadd.s32 $0xFFFFFC00  }
0x2a9: {  	[tilespmem:s8], [sflag:$0x4] =	stream.linear.gather [spmem:s12], $0x400, $0x38;
	[tilespmem:$0x1B2A0] =	vst v63  }
0x2aa: {  	_ =	swait.ge [sflag:s21], $0x400  }
0x2ab: {  	[sflag:s21] =	ssyncset.done $0x0  }
0x2ac: {  	s13 =	rddreg [dreg:$0xc];
	[sflag:s21] =	ssyncadd.s32 $0xFFFFFC00  }
0x2ad: {  	[hbm4b:s13+s3] =	stream.linear.scatter [tilespmem:s8], [sflag:$0x4], $0x400, $0x38;
	[tilespmem:$0x1B2A0] =	vst v63  }
0x2ae: {  	_ =	swait.ge [sflag:s21], $0x400  }
0x2af: {  	[sflag:s21] =	ssyncset.done $0x0  }
0x2b0: {  	s14 =	rddreg [dreg:$0x19];
	[sflag:s21] =	ssyncadd.s32 $0xFFFFFC00  }
0x2b1: {  	[tilespmem:s8], [sflag:$0x4] =	stream.linear.gather [spmem:s14], $0x400, $0x38;
	[tilespmem:$0x1B2A0] =	vst v63  }
0x2b2: {  	_ =	swait.ge [sflag:s21], $0x400  }
0x2b3: {  	[sflag:s21] =	ssyncset.done $0x0  }
0x2b4: {  	s19 =	rddreg [dreg:$0xd];
	[sflag:s21] =	ssyncadd.s32 $0xFFFFFC00  }
0x2b5: {  	[hbm4b:s19+s3] =	stream.linear.scatter [tilespmem:s8], [sflag:$0x4], $0x400, $0x38;
	[tilespmem:$0x1B2A0] =	vst v63  }
0x2b6: {  	_ =	swait.ge [sflag:s21], $0x400  }
0x2b7: {  	s7 =	sld [smem:$0x7FA];
	_ =	sdelay $0x2  }
0x2b8: {  	s29 =	rddreg [dreg:$0x10];
	s7 =	sadd.s32 $0x1, s7  }
0x2b9: {  	p0 =	sne.s32 s7, s29  }
.Ltmp5:
0x2ba: {  	_ = 	snop;
	(pc) =	sbr.rel @p0 .LBB2_1-.Ltmp5, $3  }
0x2bb: {  	_ =	sdelay $0x1  }
0x2bc: {  	[sflag:s21] =	ssyncset.done $0x0  }
0x2bd: {  	[sflag:s21] =	ssyncadd.s32 $0xFFFFFC00  }
0x2be: {  	_ =	sfence.sel $0x180000  }
0x2bf: {  	[bflag:$0x0] =	sbarrier.arrive $0xFFFF  }
0x2c0: {  	_ =	strace $0x90000047  }
0x2c1: {  	s0 =	stileid.u32;
	[bflag:$0x2] =	sbarrier.arrive $0xFFFF  }
0x2c2: {  	p0 =	sne.s32 s0, $0x0;
	s0 =	rddreg [dreg:$0x3]  }
0x2c3: {  	s0 =	sadd.s32 @!p0 $0x100000, s0  }
0x2c4: {  	[sflag:s0] =	ssyncadd.tile.s32 @!p0 $0x1;
	_ =	shalt  }
.Lfunc_end2:
_tile_overlayer_lowered:
.L_overlay_start_2:
0x2c5: {  	(tag) =	ssettag $0x2  }
0x2c6: {  	s0 =	rddreg [dreg:$0x0];
	s2 =	stileid.u32  }
0x2c7: {  	s1 =	rddreg [dreg:$0x1];
	p0 =	sne.s32 s2, $0x0  }
0x2c8: {  	s3 =	rddreg [dreg:$0x2];
	[bflag:$0x3] =	sbarrier.arrive $0xFFFF;
	s2 =	simm.s32 @!p0 $0x1C04  }
0x2c9: {  	[timem:s3], [sflag:s2] =	dma.local @!p0 [hbm:s0], s1  }
0x2ca: {  	s0 =	simm.s32 @!p0 $0x4  }
0x2cb: {  	_ =	swait.ge @!p0 [sflag:s0], s1  }
0x2cc: {  	s1 =	ssub.s32 @!p0 $0x0, s1;
	[sflag:s0] =	ssyncset.done @!p0 $0x0  }
0x2cd: {  	[sflag:s0] =	ssyncadd.s32 @!p0 s1  }
0x2ce: {  	[bflag:$0x3] =	sbarrier.arrive $0xFFFF  }
0x2cf: {  	_ =	shalt  }

</sc_bundles>
